<compile_context>
chip_gen: v7x
topology: tpu7x:2x2x1
jax: 0.10.2.dev20260603
libtpu: 0.0.44.dev20260713+nightly
codegen_flags: <defaults>
</compile_context>

<pallas_src>
import functools

import jax
import jax.numpy as jnp
from jax import lax
from jax.experimental import pallas as pl
from jax.experimental.pallas import tpu as pltpu
from jax.experimental.pallas import tpu_sc as plsc

F32 = jnp.float32
BF16 = jnp.bfloat16
EPS = 1e-5

NC = 2
NS = 16
NW = NC * NS
EB = 128
KB = 8


def _sc_mesh():
    return plsc.VectorSubcoreMesh(core_axis_name="c", subcore_axis_name="s")


def _row_split(n):
    r0 = (-(-n // NS) + 15) // 16 * 16
    rlast = n - (NS - 1) * r0
    assert 0 < rlast <= r0
    return r0, rlast


def _tilewise_copy(s, n, copy_fn):
    r0, rlast = _row_split(n)

    @pl.when(s < NS - 1)
    def _():
        copy_fn(s * r0, r0)

    @pl.when(s == NS - 1)
    def _():
        copy_fn((NS - 1) * r0, rlast)


def _make_sc_deg(n, nb):
    @functools.partial(
        pl.kernel,
        mesh=_sc_mesh(),
        out_type=jax.ShapeDtypeStruct((NC, n, 16), F32),
        compiler_params=pltpu.CompilerParams(use_tc_tiling_on_sc=False),
        scratch_types=[
            pltpu.VMEM((nb, EB), jnp.int32),
            pltpu.VMEM((EB, 16), F32),
            pltpu.VMEM_SHARED((n, 16), F32),
        ],
    )
    def sc_deg(dst_hbm, ones_hbm, zeros_hbm, degp_hbm, idx_v, ones_v, dacc):
        c = lax.axis_index("c")
        s = lax.axis_index("s")
        w = c * NS + s
        pltpu.sync_copy(dst_hbm.at[w], idx_v)
        pltpu.sync_copy(ones_hbm, ones_v)
        _tilewise_copy(s, n, lambda off, sz: pltpu.sync_copy(
            zeros_hbm.at[pl.ds(0, sz)], dacc.at[pl.ds(off, sz)]))
        plsc.subcore_barrier()

        def body(j, carry):
            pltpu.sync_copy(ones_v, dacc.at[idx_v.at[j]], add=True)
            return carry

        lax.fori_loop(0, nb, body, 0)
        plsc.subcore_barrier()
        _tilewise_copy(s, n, lambda off, sz: pltpu.sync_copy(
            dacc.at[pl.ds(off, sz)], degp_hbm.at[c, pl.ds(off, sz)]))

    return sc_deg


def _make_sc_agg(n, d, nb):
    assert nb % KB == 0 and nb >= 2 * KB

    @functools.partial(
        pl.kernel,
        mesh=_sc_mesh(),
        out_type=jax.ShapeDtypeStruct((NC, n, d), BF16),
        compiler_params=pltpu.CompilerParams(use_tc_tiling_on_sc=False),
        scratch_types=(
            [pltpu.VMEM((nb, EB), jnp.int32),
             pltpu.VMEM((nb, EB), jnp.int32)]
            + [pltpu.VMEM((EB, d), BF16) for _ in range(KB)]
            + [pltpu.VMEM_SHARED((n, d), BF16)]
            + [pltpu.SemaphoreType.DMA for _ in range(KB)]
        ),
    )
    def sc_agg(yw_hbm, src_hbm, dst_hbm, out_hbm, isrc, idst, *rest):
        rows = rest[:KB]
        acc = rest[KB]
        sems = rest[KB + 1:]
        c = lax.axis_index("c")
        s = lax.axis_index("s")
        w = c * NS + s
        pltpu.sync_copy(src_hbm.at[w], isrc)
        pltpu.sync_copy(dst_hbm.at[w], idst)
        for b in range(KB):
            pltpu.async_copy(yw_hbm.at[isrc.at[b]], rows[b], sems[b])
        _tilewise_copy(s, n, lambda off, sz: pltpu.sync_copy(
            yw_hbm.at[pl.ds(off, sz)], acc.at[pl.ds(off, sz)]))
        plsc.subcore_barrier()

        def body(t, carry):
            for b in range(KB):
                j = KB * t + b
                jn = lax.min(j + KB, nb - 1)
                pltpu.make_async_copy(
                    yw_hbm.at[isrc.at[j]], rows[b], sems[b]).wait()
                pltpu.sync_copy(rows[b], acc.at[idst.at[j]], add=True)
                pltpu.async_copy(yw_hbm.at[isrc.at[jn]], rows[b], sems[b])
            return carry

        lax.fori_loop(0, nb // KB, body, 0)
        for b in range(KB):
            pltpu.make_async_copy(yw_hbm.at[isrc.at[0]], rows[b],
                                  sems[b]).wait()
        plsc.subcore_barrier()
        _tilewise_copy(s, n, lambda off, sz: pltpu.sync_copy(
            acc.at[pl.ds(off, sz)], out_hbm.at[c, pl.ds(off, sz)]))

    return sc_agg


def _row_mask(n, npad, width):
    rows = lax.broadcasted_iota(jnp.int32, (n, width), 0)
    return jnp.where(rows < npad, 1.0, 0.0).astype(F32)


def _make_tc1(n, npad):
    def _tc1_body(x_ref, w1_ref, degp_ref, yw_ref, dinv_ref):
        deg = degp_ref[0] + degp_ref[1] + (1.0 - _row_mask(n, npad, 16))
        dinv = lax.rsqrt(deg)
        dinv_ref[...] = dinv
        xw = jnp.dot(x_ref[...], w1_ref[...], preferred_element_type=F32)
        yw_ref[...] = (xw * dinv[:, 0:1]).astype(BF16)

    return _tc1_body


def _make_tc2(n, npad):
    def _tc2_body(p_ref, yw_ref, dinv_ref, gamma_ref, beta_ref, b1_ref,
                  w2_ref, zw_ref):
        dinv1 = dinv_ref[:, 0:1]
        ywc = yw_ref[...].astype(F32) * (1.0 + _row_mask(n, npad, 1))
        p = p_ref[0].astype(F32) + p_ref[1].astype(F32)
        h = dinv1 * (p - ywc) + b1_ref[...]
        mean = jnp.mean(h, axis=0, keepdims=True)
        var = jnp.mean((h - mean) ** 2, axis=0, keepdims=True)
        hn = (h - mean) * lax.rsqrt(var + EPS) * gamma_ref[...] + beta_ref[...]
        hrelu = jnp.maximum(hn, 0.0)
        hw = jnp.dot(hrelu, w2_ref[...], preferred_element_type=F32)
        zw_ref[...] = (hw * dinv1).astype(BF16)

    return _tc2_body


def _make_tc3(n, npad):
    def _tc3_body(p_ref, zw_ref, dinv_ref, b2_ref, out_ref):
        dinv1 = dinv_ref[:, 0:1]
        zwc = zw_ref[...].astype(F32) * (1.0 + _row_mask(n, npad, 1))
        p = p_ref[0].astype(F32) + p_ref[1].astype(F32)
        out_ref[...] = dinv1 * (p - zwc) + b2_ref[...]

    return _tc3_body


def kernel(x, edge_index, W1, b1, gamma, beta, W2, b2):
    n, _ = x.shape
    e = edge_index.shape[1]
    d1 = W1.shape[1]
    d2 = W2.shape[1]

    nb = -(-e // (NW * EB))
    nb = -(-nb // KB) * KB
    ep = nb * NW * EB
    npad = ep - e
    assert npad <= n

    pad = jnp.arange(npad, dtype=edge_index.dtype)
    ei = jnp.concatenate([edge_index, jnp.stack([pad, pad])], axis=1)
    src3 = ei[0].reshape(NW, nb, EB)
    dst3 = ei[1].reshape(NW, nb, EB)
    ones16 = jnp.ones((EB, 16), F32)
    zeros16 = jnp.zeros((_row_split(n)[0], 16), F32)

    degp = _make_sc_deg(n, nb)(dst3, ones16, zeros16)

    yw, dinv = pl.pallas_call(
        _make_tc1(n, npad),
        out_shape=(jax.ShapeDtypeStruct((n, d1), BF16),
                   jax.ShapeDtypeStruct((n, 16), F32)),
    )(x, W1, degp)

    p1 = _make_sc_agg(n, d1, nb)(yw, src3, dst3)

    zw = pl.pallas_call(
        _make_tc2(n, npad),
        out_shape=jax.ShapeDtypeStruct((n, d2), BF16),
    )(p1, yw, dinv, gamma.reshape(1, d1), beta.reshape(1, d1),
      b1.reshape(1, d1), W2)

    p2 = _make_sc_agg(n, d2, nb)(zw, src3, dst3)

    out = pl.pallas_call(
        _make_tc3(n, npad),
        out_shape=jax.ShapeDtypeStruct((n, d2), F32),
    )(p2, zw, dinv, b2.reshape(1, d2))

    return out

# --- scband reference (transcript-rebuilt; emitter-appended) ---
"""Pipeline reference for scband-gcn-2layer-48266842472557 (READ-ONLY COPY).

The authoritative reference and input builder live on the scoring server;
editing this copy changes nothing except your own understanding.
"""

import jax, jax.numpy as jnp
import numpy as np

EPS = 1e-5


def gcn_conv(x, edge_index, W, b):
    # Faithful PyG GCNConv: add self-loops, symmetric normalization, linear, scatter-add, bias
    n = x.shape[0]
    loop = jnp.arange(n, dtype=edge_index.dtype)
    src = jnp.concatenate([edge_index[0], loop])
    dst = jnp.concatenate([edge_index[1], loop])
    deg = jnp.zeros((n,), dtype=x.dtype).at[dst].add(1.0)
    dinv = jnp.where(deg > 0, 1.0 / jnp.sqrt(deg), 0.0)
    norm = dinv[src] * dinv[dst]
    xw = x @ W
    msg = xw[src] * norm[:, None]
    agg = jnp.zeros((n, W.shape[1]), dtype=x.dtype).at[dst].add(msg)
    return agg + b


def batch_norm(h, gamma, beta):
    # training-mode BatchNorm over the node dimension (biased variance, as torch)
    mean = jnp.mean(h, axis=0)
    var = jnp.mean((h - mean) ** 2, axis=0)
    return (h - mean) / jnp.sqrt(var + EPS) * gamma + beta


def setup_inputs(seed: int = 0) -> dict:
    key = jax.random.key(seed)
    ks = jax.random.split(key, 8)
    n, e = 10000, 320000
    d_in, hidden, classes = 128, 128, 64
    x = jax.random.normal(ks[0], (n, d_in), dtype=jnp.float32)
    edge_index = jax.random.randint(ks[1], (2, e), 0, n, dtype=jnp.int32)
    W1 = jax.random.normal(ks[2], (d_in, hidden), dtype=jnp.float32) * 0.05
    b1 = jnp.zeros((hidden,), dtype=jnp.float32)
    gamma = jnp.ones((hidden,), dtype=jnp.float32)
    beta = jnp.zeros((hidden,), dtype=jnp.float32)
    W2 = jax.random.normal(ks[3], (hidden, classes), dtype=jnp.float32) * 0.05
    b2 = jnp.zeros((classes,), dtype=jnp.float32)
    return {"x": x, "edge_index": edge_index, "W1": W1, "b1": b1, "gamma": gamma, "beta": beta, "W2": W2, "b2": b2}


def reference(x, edge_index, W1, b1, gamma, beta, W2, b2):
    h = gcn_conv(x, edge_index, W1, b1)
    h = batch_norm(h, gamma, beta)
    h = jax.nn.relu(h)
    out = gcn_conv(h, edge_index, W2, b2)
    return out

if __name__ == "__main__":
    import jax
    _d = setup_inputs()
    print(jax.jit(kernel)(*tuple(_d.values())))

</pallas_src>

<mosaic_0001>
#map = affine_map<(d0, d1) -> (0, 0)>
#map1 = affine_map<(d0, d1) -> (0, 0, 0)>
module attributes {stable_mosaic.version = 14 : i64} {
  func.func @sc_agg(%arg0: i32, %arg1: i32, %arg2: memref<10000x64xbf16, #tpu.memory_space<hbm>>, %arg3: memref<32x80x128xi32, #tpu.memory_space<hbm>>, %arg4: memref<32x80x128xi32, #tpu.memory_space<hbm>>, %arg5: memref<2x10000x64xbf16, #tpu.memory_space<hbm>>, %arg6: memref<80x128xi32, #tpu.memory_space<vmem>>, %arg7: memref<80x128xi32, #tpu.memory_space<vmem>>, %arg8: memref<128x64xbf16, #tpu.memory_space<vmem>>, %arg9: memref<128x64xbf16, #tpu.memory_space<vmem>>, %arg10: memref<128x64xbf16, #tpu.memory_space<vmem>>, %arg11: memref<128x64xbf16, #tpu.memory_space<vmem>>, %arg12: memref<128x64xbf16, #tpu.memory_space<vmem>>, %arg13: memref<128x64xbf16, #tpu.memory_space<vmem>>, %arg14: memref<128x64xbf16, #tpu.memory_space<vmem>>, %arg15: memref<128x64xbf16, #tpu.memory_space<vmem>>, %arg16: memref<10000x64xbf16, #tpu.memory_space<vmem_shared>>, %arg17: memref<!tpu.dma_semaphore, #tpu.memory_space<semaphore_mem>>, %arg18: memref<!tpu.dma_semaphore, #tpu.memory_space<semaphore_mem>>, %arg19: memref<!tpu.dma_semaphore, #tpu.memory_space<semaphore_mem>>, %arg20: memref<!tpu.dma_semaphore, #tpu.memory_space<semaphore_mem>>, %arg21: memref<!tpu.dma_semaphore, #tpu.memory_space<semaphore_mem>>, %arg22: memref<!tpu.dma_semaphore, #tpu.memory_space<semaphore_mem>>, %arg23: memref<!tpu.dma_semaphore, #tpu.memory_space<semaphore_mem>>, %arg24: memref<!tpu.dma_semaphore, #tpu.memory_space<semaphore_mem>>) attributes {dimension_semantics = [#tpu.dimension_semantics<core_parallel>, #tpu.dimension_semantics<subcore_parallel>], iteration_bounds = array<i64: 2, 16>, scalar_prefetch = 0 : i64, scratch_operands = 19 : i64, tpu.core_type = #tpu.core_type<sc_vector_subcore>, window_params = [{transform_indices = #map}, {transform_indices = #map1}, {transform_indices = #map1}, {transform_indices = #map1}]} {
    %mul3A = arith.constant 16 : i32
    %mul3A_0 = arith.muli %arg0, %mul3A : i32
    %add3A = arith.addi %mul3A_0, %arg1 : i32
    "tpu.region"() ({
      %run_scoped3A = tpu.sem_alloc : memref<!tpu.dma_semaphore, #tpu.memory_space<semaphore_mem>>
      %dma_start3A_133 = arith.constant 0 : i32
      %dma_start3A_134 = arith.constant 0 : i32
      %dma_start3A_135 = tpu.memref_slice %arg3[%add3A, %dma_start3A_133, %dma_start3A_134] : memref<32x80x128xi32, #tpu.memory_space<hbm>> -> memref<1x80x128xi32, #tpu.memory_space<hbm>>
      %dma_start3A_136 = tpu.memref_squeeze %dma_start3A_135 : memref<1x80x128xi32, #tpu.memory_space<hbm>> -> memref<80x128xi32, #tpu.memory_space<hbm>>
      %dma_start3A_137 = arith.constant 0 : i32
      %dma_start3A_138 = arith.constant 0 : i32
      %dma_start3A_139 = tpu.memref_slice %arg3[%add3A, %dma_start3A_137, %dma_start3A_138] : memref<32x80x128xi32, #tpu.memory_space<hbm>> -> memref<1x80x128xi32, #tpu.memory_space<hbm>>
      %dma_start3A_140 = tpu.memref_squeeze %dma_start3A_139 : memref<1x80x128xi32, #tpu.memory_space<hbm>> -> memref<80x128xi32, #tpu.memory_space<hbm>>
      tpu.enqueue_dma source(%dma_start3A_140 : memref<80x128xi32, #tpu.memory_space<hbm>>) target(%arg6 : memref<80x128xi32, #tpu.memory_space<vmem>>) target_semaphore(%run_scoped3A : memref<!tpu.dma_semaphore, #tpu.memory_space<semaphore_mem>>)
      %dma_wait3A_141 = arith.constant 0 : i32
      %dma_wait3A_142 = arith.constant 0 : i32
      %dma_wait3A_143 = tpu.memref_slice %arg3[%add3A, %dma_wait3A_141, %dma_wait3A_142] : memref<32x80x128xi32, #tpu.memory_space<hbm>> -> memref<1x80x128xi32, #tpu.memory_space<hbm>>
      %dma_wait3A_144 = tpu.memref_squeeze %dma_wait3A_143 : memref<1x80x128xi32, #tpu.memory_space<hbm>> -> memref<80x128xi32, #tpu.memory_space<hbm>>
      %dma_wait3A_145 = arith.constant 0 : i32
      %dma_wait3A_146 = arith.constant 0 : i32
      %dma_wait3A_147 = tpu.memref_slice %arg3[%add3A, %dma_wait3A_145, %dma_wait3A_146] : memref<32x80x128xi32, #tpu.memory_space<hbm>> -> memref<1x80x128xi32, #tpu.memory_space<hbm>>
      %dma_wait3A_148 = tpu.memref_squeeze %dma_wait3A_147 : memref<1x80x128xi32, #tpu.memory_space<hbm>> -> memref<80x128xi32, #tpu.memory_space<hbm>>
      tpu.wait_dma2 semaphore(%run_scoped3A : memref<!tpu.dma_semaphore, #tpu.memory_space<semaphore_mem>>) src(%dma_wait3A_148 : memref<80x128xi32, #tpu.memory_space<hbm>>) dst(%arg6 : memref<80x128xi32, #tpu.memory_space<vmem>>)
      tpu.yield
    }) : () -> ()
    "tpu.region"() ({
      %run_scoped3A = tpu.sem_alloc : memref<!tpu.dma_semaphore, #tpu.memory_space<semaphore_mem>>
      %dma_start3A_133 = arith.constant 0 : i32
      %dma_start3A_134 = arith.constant 0 : i32
      %dma_start3A_135 = tpu.memref_slice %arg4[%add3A, %dma_start3A_133, %dma_start3A_134] : memref<32x80x128xi32, #tpu.memory_space<hbm>> -> memref<1x80x128xi32, #tpu.memory_space<hbm>>
      %dma_start3A_136 = tpu.memref_squeeze %dma_start3A_135 : memref<1x80x128xi32, #tpu.memory_space<hbm>> -> memref<80x128xi32, #tpu.memory_space<hbm>>
      %dma_start3A_137 = arith.constant 0 : i32
      %dma_start3A_138 = arith.constant 0 : i32
      %dma_start3A_139 = tpu.memref_slice %arg4[%add3A, %dma_start3A_137, %dma_start3A_138] : memref<32x80x128xi32, #tpu.memory_space<hbm>> -> memref<1x80x128xi32, #tpu.memory_space<hbm>>
      %dma_start3A_140 = tpu.memref_squeeze %dma_start3A_139 : memref<1x80x128xi32, #tpu.memory_space<hbm>> -> memref<80x128xi32, #tpu.memory_space<hbm>>
      tpu.enqueue_dma source(%dma_start3A_140 : memref<80x128xi32, #tpu.memory_space<hbm>>) target(%arg7 : memref<80x128xi32, #tpu.memory_space<vmem>>) target_semaphore(%run_scoped3A : memref<!tpu.dma_semaphore, #tpu.memory_space<semaphore_mem>>)
      %dma_wait3A_141 = arith.constant 0 : i32
      %dma_wait3A_142 = arith.constant 0 : i32
      %dma_wait3A_143 = tpu.memref_slice %arg4[%add3A, %dma_wait3A_141, %dma_wait3A_142] : memref<32x80x128xi32, #tpu.memory_space<hbm>> -> memref<1x80x128xi32, #tpu.memory_space<hbm>>
      %dma_wait3A_144 = tpu.memref_squeeze %dma_wait3A_143 : memref<1x80x128xi32, #tpu.memory_space<hbm>> -> memref<80x128xi32, #tpu.memory_space<hbm>>
      %dma_wait3A_145 = arith.constant 0 : i32
      %dma_wait3A_146 = arith.constant 0 : i32
      %dma_wait3A_147 = tpu.memref_slice %arg4[%add3A, %dma_wait3A_145, %dma_wait3A_146] : memref<32x80x128xi32, #tpu.memory_space<hbm>> -> memref<1x80x128xi32, #tpu.memory_space<hbm>>
      %dma_wait3A_148 = tpu.memref_squeeze %dma_wait3A_147 : memref<1x80x128xi32, #tpu.memory_space<hbm>> -> memref<80x128xi32, #tpu.memory_space<hbm>>
      tpu.wait_dma2 semaphore(%run_scoped3A : memref<!tpu.dma_semaphore, #tpu.memory_space<semaphore_mem>>) src(%dma_wait3A_148 : memref<80x128xi32, #tpu.memory_space<hbm>>) dst(%arg7 : memref<80x128xi32, #tpu.memory_space<vmem>>)
      tpu.yield
    }) : () -> ()
    %dma_start3A = arith.constant 0 : i32
    %dma_start3A_1 = arith.constant 0 : i32
    %dma_start3A_2 = tpu.memref_slice %arg6[%dma_start3A, %dma_start3A_1] : memref<80x128xi32, #tpu.memory_space<vmem>> -> memref<1x128xi32, #tpu.memory_space<vmem>>
    %dma_start3A_3 = tpu.memref_squeeze %dma_start3A_2 : memref<1x128xi32, #tpu.memory_space<vmem>> -> memref<128xi32, #tpu.memory_space<vmem>>
    %dma_start3A_4 = arith.constant 0 : i32
    %dma_start3A_5 = arith.constant 0 : i32
    %dma_start3A_6 = tpu.memref_slice %arg2[%dma_start3A_4, %dma_start3A_5] : memref<10000x64xbf16, #tpu.memory_space<hbm>> -> memref<10000x64xbf16, #tpu.memory_space<hbm>>
    tpu.enqueue_indirect_dma source(%dma_start3A_6 : memref<10000x64xbf16, #tpu.memory_space<hbm>>) target(%arg8 : memref<128x64xbf16, #tpu.memory_space<vmem>>) offsets(%dma_start3A_3 : memref<128xi32, #tpu.memory_space<vmem>>) semaphore(%arg17 : memref<!tpu.dma_semaphore, #tpu.memory_space<semaphore_mem>>)
    %dma_start3A_7 = arith.constant 1 : i32
    %dma_start3A_8 = arith.constant 0 : i32
    %dma_start3A_9 = tpu.memref_slice %arg6[%dma_start3A_7, %dma_start3A_8] : memref<80x128xi32, #tpu.memory_space<vmem>> -> memref<1x128xi32, #tpu.memory_space<vmem>>
    %dma_start3A_10 = tpu.memref_squeeze %dma_start3A_9 : memref<1x128xi32, #tpu.memory_space<vmem>> -> memref<128xi32, #tpu.memory_space<vmem>>
    %dma_start3A_11 = arith.constant 0 : i32
    %dma_start3A_12 = arith.constant 0 : i32
    %dma_start3A_13 = tpu.memref_slice %arg2[%dma_start3A_11, %dma_start3A_12] : memref<10000x64xbf16, #tpu.memory_space<hbm>> -> memref<10000x64xbf16, #tpu.memory_space<hbm>>
    tpu.enqueue_indirect_dma source(%dma_start3A_13 : memref<10000x64xbf16, #tpu.memory_space<hbm>>) target(%arg9 : memref<128x64xbf16, #tpu.memory_space<vmem>>) offsets(%dma_start3A_10 : memref<128xi32, #tpu.memory_space<vmem>>) semaphore(%arg18 : memref<!tpu.dma_semaphore, #tpu.memory_space<semaphore_mem>>)
    %dma_start3A_14 = arith.constant 2 : i32
    %dma_start3A_15 = arith.constant 0 : i32
    %dma_start3A_16 = tpu.memref_slice %arg6[%dma_start3A_14, %dma_start3A_15] : memref<80x128xi32, #tpu.memory_space<vmem>> -> memref<1x128xi32, #tpu.memory_space<vmem>>
    %dma_start3A_17 = tpu.memref_squeeze %dma_start3A_16 : memref<1x128xi32, #tpu.memory_space<vmem>> -> memref<128xi32, #tpu.memory_space<vmem>>
    %dma_start3A_18 = arith.constant 0 : i32
    %dma_start3A_19 = arith.constant 0 : i32
    %dma_start3A_20 = tpu.memref_slice %arg2[%dma_start3A_18, %dma_start3A_19] : memref<10000x64xbf16, #tpu.memory_space<hbm>> -> memref<10000x64xbf16, #tpu.memory_space<hbm>>
    tpu.enqueue_indirect_dma source(%dma_start3A_20 : memref<10000x64xbf16, #tpu.memory_space<hbm>>) target(%arg10 : memref<128x64xbf16, #tpu.memory_space<vmem>>) offsets(%dma_start3A_17 : memref<128xi32, #tpu.memory_space<vmem>>) semaphore(%arg19 : memref<!tpu.dma_semaphore, #tpu.memory_space<semaphore_mem>>)
    %dma_start3A_21 = arith.constant 3 : i32
    %dma_start3A_22 = arith.constant 0 : i32
    %dma_start3A_23 = tpu.memref_slice %arg6[%dma_start3A_21, %dma_start3A_22] : memref<80x128xi32, #tpu.memory_space<vmem>> -> memref<1x128xi32, #tpu.memory_space<vmem>>
    %dma_start3A_24 = tpu.memref_squeeze %dma_start3A_23 : memref<1x128xi32, #tpu.memory_space<vmem>> -> memref<128xi32, #tpu.memory_space<vmem>>
    %dma_start3A_25 = arith.constant 0 : i32
    %dma_start3A_26 = arith.constant 0 : i32
    %dma_start3A_27 = tpu.memref_slice %arg2[%dma_start3A_25, %dma_start3A_26] : memref<10000x64xbf16, #tpu.memory_space<hbm>> -> memref<10000x64xbf16, #tpu.memory_space<hbm>>
    tpu.enqueue_indirect_dma source(%dma_start3A_27 : memref<10000x64xbf16, #tpu.memory_space<hbm>>) target(%arg11 : memref<128x64xbf16, #tpu.memory_space<vmem>>) offsets(%dma_start3A_24 : memref<128xi32, #tpu.memory_space<vmem>>) semaphore(%arg20 : memref<!tpu.dma_semaphore, #tpu.memory_space<semaphore_mem>>)
    %dma_start3A_28 = arith.constant 4 : i32
    %dma_start3A_29 = arith.constant 0 : i32
    %dma_start3A_30 = tpu.memref_slice %arg6[%dma_start3A_28, %dma_start3A_29] : memref<80x128xi32, #tpu.memory_space<vmem>> -> memref<1x128xi32, #tpu.memory_space<vmem>>
    %dma_start3A_31 = tpu.memref_squeeze %dma_start3A_30 : memref<1x128xi32, #tpu.memory_space<vmem>> -> memref<128xi32, #tpu.memory_space<vmem>>
    %dma_start3A_32 = arith.constant 0 : i32
    %dma_start3A_33 = arith.constant 0 : i32
    %dma_start3A_34 = tpu.memref_slice %arg2[%dma_start3A_32, %dma_start3A_33] : memref<10000x64xbf16, #tpu.memory_space<hbm>> -> memref<10000x64xbf16, #tpu.memory_space<hbm>>
    tpu.enqueue_indirect_dma source(%dma_start3A_34 : memref<10000x64xbf16, #tpu.memory_space<hbm>>) target(%arg12 : memref<128x64xbf16, #tpu.memory_space<vmem>>) offsets(%dma_start3A_31 : memref<128xi32, #tpu.memory_space<vmem>>) semaphore(%arg21 : memref<!tpu.dma_semaphore, #tpu.memory_space<semaphore_mem>>)
    %dma_start3A_35 = arith.constant 5 : i32
    %dma_start3A_36 = arith.constant 0 : i32
    %dma_start3A_37 = tpu.memref_slice %arg6[%dma_start3A_35, %dma_start3A_36] : memref<80x128xi32, #tpu.memory_space<vmem>> -> memref<1x128xi32, #tpu.memory_space<vmem>>
    %dma_start3A_38 = tpu.memref_squeeze %dma_start3A_37 : memref<1x128xi32, #tpu.memory_space<vmem>> -> memref<128xi32, #tpu.memory_space<vmem>>
    %dma_start3A_39 = arith.constant 0 : i32
    %dma_start3A_40 = arith.constant 0 : i32
    %dma_start3A_41 = tpu.memref_slice %arg2[%dma_start3A_39, %dma_start3A_40] : memref<10000x64xbf16, #tpu.memory_space<hbm>> -> memref<10000x64xbf16, #tpu.memory_space<hbm>>
    tpu.enqueue_indirect_dma source(%dma_start3A_41 : memref<10000x64xbf16, #tpu.memory_space<hbm>>) target(%arg13 : memref<128x64xbf16, #tpu.memory_space<vmem>>) offsets(%dma_start3A_38 : memref<128xi32, #tpu.memory_space<vmem>>) semaphore(%arg22 : memref<!tpu.dma_semaphore, #tpu.memory_space<semaphore_mem>>)
    %dma_start3A_42 = arith.constant 6 : i32
    %dma_start3A_43 = arith.constant 0 : i32
    %dma_start3A_44 = tpu.memref_slice %arg6[%dma_start3A_42, %dma_start3A_43] : memref<80x128xi32, #tpu.memory_space<vmem>> -> memref<1x128xi32, #tpu.memory_space<vmem>>
    %dma_start3A_45 = tpu.memref_squeeze %dma_start3A_44 : memref<1x128xi32, #tpu.memory_space<vmem>> -> memref<128xi32, #tpu.memory_space<vmem>>
    %dma_start3A_46 = arith.constant 0 : i32
    %dma_start3A_47 = arith.constant 0 : i32
    %dma_start3A_48 = tpu.memref_slice %arg2[%dma_start3A_46, %dma_start3A_47] : memref<10000x64xbf16, #tpu.memory_space<hbm>> -> memref<10000x64xbf16, #tpu.memory_space<hbm>>
    tpu.enqueue_indirect_dma source(%dma_start3A_48 : memref<10000x64xbf16, #tpu.memory_space<hbm>>) target(%arg14 : memref<128x64xbf16, #tpu.memory_space<vmem>>) offsets(%dma_start3A_45 : memref<128xi32, #tpu.memory_space<vmem>>) semaphore(%arg23 : memref<!tpu.dma_semaphore, #tpu.memory_space<semaphore_mem>>)
    %dma_start3A_49 = arith.constant 7 : i32
    %dma_start3A_50 = arith.constant 0 : i32
    %dma_start3A_51 = tpu.memref_slice %arg6[%dma_start3A_49, %dma_start3A_50] : memref<80x128xi32, #tpu.memory_space<vmem>> -> memref<1x128xi32, #tpu.memory_space<vmem>>
    %dma_start3A_52 = tpu.memref_squeeze %dma_start3A_51 : memref<1x128xi32, #tpu.memory_space<vmem>> -> memref<128xi32, #tpu.memory_space<vmem>>
    %dma_start3A_53 = arith.constant 0 : i32
    %dma_start3A_54 = arith.constant 0 : i32
    %dma_start3A_55 = tpu.memref_slice %arg2[%dma_start3A_53, %dma_start3A_54] : memref<10000x64xbf16, #tpu.memory_space<hbm>> -> memref<10000x64xbf16, #tpu.memory_space<hbm>>
    tpu.enqueue_indirect_dma source(%dma_start3A_55 : memref<10000x64xbf16, #tpu.memory_space<hbm>>) target(%arg15 : memref<128x64xbf16, #tpu.memory_space<vmem>>) offsets(%dma_start3A_52 : memref<128xi32, #tpu.memory_space<vmem>>) semaphore(%arg24 : memref<!tpu.dma_semaphore, #tpu.memory_space<semaphore_mem>>)
    %lt3A = arith.constant 15 : i32
    %lt3A_56 = arith.cmpi slt, %arg1, %lt3A : i32
    %convert_element_type3A = arith.extui %lt3A_56 : i1 to i32
    %cond3A = arith.constant 0 : i32
    %cond3A_57 = arith.cmpi ne, %convert_element_type3A, %cond3A : i32
    scf.if %cond3A_57 {
      %mul3A_133 = arith.constant 640 : i32
      %mul3A_134 = arith.muli %arg1, %mul3A_133 : i32
      "tpu.region"() ({
        %run_scoped3A = tpu.sem_alloc : memref<!tpu.dma_semaphore, #tpu.memory_space<semaphore_mem>>
        %dma_start3A_135 = arith.constant 0 : i32
        %dma_start3A_136 = tpu.memref_slice %arg16[%mul3A_134, %dma_start3A_135] : memref<10000x64xbf16, #tpu.memory_space<vmem_shared>> -> memref<640x64xbf16, #tpu.memory_space<vmem_shared>>
        %dma_start3A_137 = arith.constant 0 : i32
        %dma_start3A_138 = tpu.memref_slice %arg2[%mul3A_134, %dma_start3A_137] : memref<10000x64xbf16, #tpu.memory_space<hbm>> -> memref<640x64xbf16, #tpu.memory_space<hbm>>
        tpu.enqueue_dma source(%dma_start3A_138 : memref<640x64xbf16, #tpu.memory_space<hbm>>) target(%dma_start3A_136 : memref<640x64xbf16, #tpu.memory_space<vmem_shared>>) target_semaphore(%run_scoped3A : memref<!tpu.dma_semaphore, #tpu.memory_space<semaphore_mem>>)
        %dma_wait3A_139 = arith.constant 0 : i32
        %dma_wait3A_140 = tpu.memref_slice %arg16[%mul3A_134, %dma_wait3A_139] : memref<10000x64xbf16, #tpu.memory_space<vmem_shared>> -> memref<640x64xbf16, #tpu.memory_space<vmem_shared>>
        %dma_wait3A_141 = arith.constant 0 : i32
        %dma_wait3A_142 = tpu.memref_slice %arg2[%mul3A_134, %dma_wait3A_141] : memref<10000x64xbf16, #tpu.memory_space<hbm>> -> memref<640x64xbf16, #tpu.memory_space<hbm>>
        tpu.wait_dma2 semaphore(%run_scoped3A : memref<!tpu.dma_semaphore, #tpu.memory_space<semaphore_mem>>) src(%dma_wait3A_142 : memref<640x64xbf16, #tpu.memory_space<hbm>>) dst(%dma_wait3A_140 : memref<640x64xbf16, #tpu.memory_space<vmem_shared>>)
        tpu.yield
      }) : () -> ()
    } else {
    }
    %eq3A = arith.constant 15 : i32
    %eq3A_58 = arith.cmpi eq, %arg1, %eq3A : i32
    %convert_element_type3A_59 = arith.extui %eq3A_58 : i1 to i32
    %cond3A_60 = arith.constant 0 : i32
    %cond3A_61 = arith.cmpi ne, %convert_element_type3A_59, %cond3A_60 : i32
    scf.if %cond3A_61 {
      "tpu.region"() ({
        %run_scoped3A = tpu.sem_alloc : memref<!tpu.dma_semaphore, #tpu.memory_space<semaphore_mem>>
        %dma_start3A_133 = arith.constant 9600 : i32
        %dma_start3A_134 = arith.constant 0 : i32
        %dma_start3A_135 = tpu.memref_slice %arg16[%dma_start3A_133, %dma_start3A_134] : memref<10000x64xbf16, #tpu.memory_space<vmem_shared>> -> memref<400x64xbf16, #tpu.memory_space<vmem_shared>>
        %dma_start3A_136 = arith.constant 9600 : i32
        %dma_start3A_137 = arith.constant 0 : i32
        %dma_start3A_138 = tpu.memref_slice %arg2[%dma_start3A_136, %dma_start3A_137] : memref<10000x64xbf16, #tpu.memory_space<hbm>> -> memref<400x64xbf16, #tpu.memory_space<hbm>>
        tpu.enqueue_dma source(%dma_start3A_138 : memref<400x64xbf16, #tpu.memory_space<hbm>>) target(%dma_start3A_135 : memref<400x64xbf16, #tpu.memory_space<vmem_shared>>) target_semaphore(%run_scoped3A : memref<!tpu.dma_semaphore, #tpu.memory_space<semaphore_mem>>)
        %dma_wait3A_139 = arith.constant 9600 : i32
        %dma_wait3A_140 = arith.constant 0 : i32
        %dma_wait3A_141 = tpu.memref_slice %arg16[%dma_wait3A_139, %dma_wait3A_140] : memref<10000x64xbf16, #tpu.memory_space<vmem_shared>> -> memref<400x64xbf16, #tpu.memory_space<vmem_shared>>
        %dma_wait3A_142 = arith.constant 9600 : i32
        %dma_wait3A_143 = arith.constant 0 : i32
        %dma_wait3A_144 = tpu.memref_slice %arg2[%dma_wait3A_142, %dma_wait3A_143] : memref<10000x64xbf16, #tpu.memory_space<hbm>> -> memref<400x64xbf16, #tpu.memory_space<hbm>>
        tpu.wait_dma2 semaphore(%run_scoped3A : memref<!tpu.dma_semaphore, #tpu.memory_space<semaphore_mem>>) src(%dma_wait3A_144 : memref<400x64xbf16, #tpu.memory_space<hbm>>) dst(%dma_wait3A_141 : memref<400x64xbf16, #tpu.memory_space<vmem_shared>>)
        tpu.yield
      }) : () -> ()
    } else {
    }
    %barrier3A = arith.constant 0 : index
    tpu.barrier barrier_id(%barrier3A)
    %scan3A = arith.constant 0 : i32
    %scan3A_62 = arith.constant 0 : i32
    %scan3A_63 = arith.constant 10 : i32
    %scan3A_64 = arith.addi %scan3A_62, %scan3A_63 : i32
    %scan3A_65 = arith.constant 1 : i32
    scf.for %scan3A_133 = %scan3A_62 to %scan3A_64 step %scan3A_65  : i32 {
      %mul3A_134 = arith.constant 8 : i32
      %mul3A_135 = arith.muli %mul3A_134, %scan3A_133 : i32
      %add3A_136 = arith.constant 0 : i32
      %add3A_137 = arith.addi %mul3A_135, %add3A_136 : i32
      %add3A_138 = arith.constant 8 : i32
      %add3A_139 = arith.addi %add3A_137, %add3A_138 : i32
      %min3A = arith.constant 79 : i32
      %min3A_140 = arith.minsi %add3A_139, %min3A : i32
      %dma_wait3A_141 = arith.constant 0 : i32
      %dma_wait3A_142 = tpu.memref_slice %arg6[%add3A_137, %dma_wait3A_141] : memref<80x128xi32, #tpu.memory_space<vmem>> -> memref<1x128xi32, #tpu.memory_space<vmem>>
      %dma_wait3A_143 = tpu.memref_squeeze %dma_wait3A_142 : memref<1x128xi32, #tpu.memory_space<vmem>> -> memref<128xi32, #tpu.memory_space<vmem>>
      %dma_wait3A_144 = arith.constant 0 : i32
      %dma_wait3A_145 = arith.constant 0 : i32
      %dma_wait3A_146 = tpu.memref_slice %arg2[%dma_wait3A_144, %dma_wait3A_145] : memref<10000x64xbf16, #tpu.memory_space<hbm>> -> memref<10000x64xbf16, #tpu.memory_space<hbm>>
      tpu.wait_indirect_dma semaphore(%arg17 : memref<!tpu.dma_semaphore, #tpu.memory_space<semaphore_mem>>) src(%dma_wait3A_146 : memref<10000x64xbf16, #tpu.memory_space<hbm>>) dst(%arg8 : memref<128x64xbf16, #tpu.memory_space<vmem>>)
      "tpu.region"() ({
        %run_scoped3A = tpu.sem_alloc : memref<!tpu.dma_semaphore, #tpu.memory_space<semaphore_mem>>
        %dma_start3A_293 = arith.constant 0 : i32
        %dma_start3A_294 = tpu.memref_slice %arg7[%add3A_137, %dma_start3A_293] : memref<80x128xi32, #tpu.memory_space<vmem>> -> memref<1x128xi32, #tpu.memory_space<vmem>>
        %dma_start3A_295 = tpu.memref_squeeze %dma_start3A_294 : memref<1x128xi32, #tpu.memory_space<vmem>> -> memref<128xi32, #tpu.memory_space<vmem>>
        %dma_start3A_296 = arith.constant 0 : i32
        %dma_start3A_297 = arith.constant 0 : i32
        %dma_start3A_298 = tpu.memref_slice %arg16[%dma_start3A_296, %dma_start3A_297] : memref<10000x64xbf16, #tpu.memory_space<vmem_shared>> -> memref<10000x64xbf16, #tpu.memory_space<vmem_shared>>
        tpu.enqueue_indirect_dma source(%arg8 : memref<128x64xbf16, #tpu.memory_space<vmem>>) target(%dma_start3A_298 : memref<10000x64xbf16, #tpu.memory_space<vmem_shared>>) offsets(%dma_start3A_295 : memref<128xi32, #tpu.memory_space<vmem>>) semaphore(%run_scoped3A : memref<!tpu.dma_semaphore, #tpu.memory_space<semaphore_mem>>) {add = true}
        %dma_wait3A_299 = arith.constant 0 : i32
        %dma_wait3A_300 = tpu.memref_slice %arg7[%add3A_137, %dma_wait3A_299] : memref<80x128xi32, #tpu.memory_space<vmem>> -> memref<1x128xi32, #tpu.memory_space<vmem>>
        %dma_wait3A_301 = tpu.memref_squeeze %dma_wait3A_300 : memref<1x128xi32, #tpu.memory_space<vmem>> -> memref<128xi32, #tpu.memory_space<vmem>>
        %dma_wait3A_302 = arith.constant 0 : i32
        %dma_wait3A_303 = arith.constant 0 : i32
        %dma_wait3A_304 = tpu.memref_slice %arg16[%dma_wait3A_302, %dma_wait3A_303] : memref<10000x64xbf16, #tpu.memory_space<vmem_shared>> -> memref<10000x64xbf16, #tpu.memory_space<vmem_shared>>
        tpu.wait_indirect_dma semaphore(%run_scoped3A : memref<!tpu.dma_semaphore, #tpu.memory_space<semaphore_mem>>) src(%arg8 : memref<128x64xbf16, #tpu.memory_space<vmem>>) dst(%dma_wait3A_304 : memref<10000x64xbf16, #tpu.memory_space<vmem_shared>>)
        tpu.yield
      }) : () -> ()
      %dma_start3A_147 = arith.constant 0 : i32
      %dma_start3A_148 = tpu.memref_slice %arg6[%min3A_140, %dma_start3A_147] : memref<80x128xi32, #tpu.memory_space<vmem>> -> memref<1x128xi32, #tpu.memory_space<vmem>>
      %dma_start3A_149 = tpu.memref_squeeze %dma_start3A_148 : memref<1x128xi32, #tpu.memory_space<vmem>> -> memref<128xi32, #tpu.memory_space<vmem>>
      %dma_start3A_150 = arith.constant 0 : i32
      %dma_start3A_151 = arith.constant 0 : i32
      %dma_start3A_152 = tpu.memref_slice %arg2[%dma_start3A_150, %dma_start3A_151] : memref<10000x64xbf16, #tpu.memory_space<hbm>> -> memref<10000x64xbf16, #tpu.memory_space<hbm>>
      tpu.enqueue_indirect_dma source(%dma_start3A_152 : memref<10000x64xbf16, #tpu.memory_space<hbm>>) target(%arg8 : memref<128x64xbf16, #tpu.memory_space<vmem>>) offsets(%dma_start3A_149 : memref<128xi32, #tpu.memory_space<vmem>>) semaphore(%arg17 : memref<!tpu.dma_semaphore, #tpu.memory_space<semaphore_mem>>)
      %mul3A_153 = arith.constant 8 : i32
      %mul3A_154 = arith.muli %mul3A_153, %scan3A_133 : i32
      %add3A_155 = arith.constant 1 : i32
      %add3A_156 = arith.addi %mul3A_154, %add3A_155 : i32
      %add3A_157 = arith.constant 8 : i32
      %add3A_158 = arith.addi %add3A_156, %add3A_157 : i32
      %min3A_159 = arith.constant 79 : i32
      %min3A_160 = arith.minsi %add3A_158, %min3A_159 : i32
      %dma_wait3A_161 = arith.constant 0 : i32
      %dma_wait3A_162 = tpu.memref_slice %arg6[%add3A_156, %dma_wait3A_161] : memref<80x128xi32, #tpu.memory_space<vmem>> -> memref<1x128xi32, #tpu.memory_space<vmem>>
      %dma_wait3A_163 = tpu.memref_squeeze %dma_wait3A_162 : memref<1x128xi32, #tpu.memory_space<vmem>> -> memref<128xi32, #tpu.memory_space<vmem>>
      %dma_wait3A_164 = arith.constant 0 : i32
      %dma_wait3A_165 = arith.constant 0 : i32
      %dma_wait3A_166 = tpu.memref_slice %arg2[%dma_wait3A_164, %dma_wait3A_165] : memref<10000x64xbf16, #tpu.memory_space<hbm>> -> memref<10000x64xbf16, #tpu.memory_space<hbm>>
      tpu.wait_indirect_dma semaphore(%arg18 : memref<!tpu.dma_semaphore, #tpu.memory_space<semaphore_mem>>) src(%dma_wait3A_166 : memref<10000x64xbf16, #tpu.memory_space<hbm>>) dst(%arg9 : memref<128x64xbf16, #tpu.memory_space<vmem>>)
      "tpu.region"() ({
        %run_scoped3A = tpu.sem_alloc : memref<!tpu.dma_semaphore, #tpu.memory_space<semaphore_mem>>
        %dma_start3A_293 = arith.constant 0 : i32
        %dma_start3A_294 = tpu.memref_slice %arg7[%add3A_156, %dma_start3A_293] : memref<80x128xi32, #tpu.memory_space<vmem>> -> memref<1x128xi32, #tpu.memory_space<vmem>>
        %dma_start3A_295 = tpu.memref_squeeze %dma_start3A_294 : memref<1x128xi32, #tpu.memory_space<vmem>> -> memref<128xi32, #tpu.memory_space<vmem>>
        %dma_start3A_296 = arith.constant 0 : i32
        %dma_start3A_297 = arith.constant 0 : i32
        %dma_start3A_298 = tpu.memref_slice %arg16[%dma_start3A_296, %dma_start3A_297] : memref<10000x64xbf16, #tpu.memory_space<vmem_shared>> -> memref<10000x64xbf16, #tpu.memory_space<vmem_shared>>
        tpu.enqueue_indirect_dma source(%arg9 : memref<128x64xbf16, #tpu.memory_space<vmem>>) target(%dma_start3A_298 : memref<10000x64xbf16, #tpu.memory_space<vmem_shared>>) offsets(%dma_start3A_295 : memref<128xi32, #tpu.memory_space<vmem>>) semaphore(%run_scoped3A : memref<!tpu.dma_semaphore, #tpu.memory_space<semaphore_mem>>) {add = true}
        %dma_wait3A_299 = arith.constant 0 : i32
        %dma_wait3A_300 = tpu.memref_slice %arg7[%add3A_156, %dma_wait3A_299] : memref<80x128xi32, #tpu.memory_space<vmem>> -> memref<1x128xi32, #tpu.memory_space<vmem>>
        %dma_wait3A_301 = tpu.memref_squeeze %dma_wait3A_300 : memref<1x128xi32, #tpu.memory_space<vmem>> -> memref<128xi32, #tpu.memory_space<vmem>>
        %dma_wait3A_302 = arith.constant 0 : i32
        %dma_wait3A_303 = arith.constant 0 : i32
        %dma_wait3A_304 = tpu.memref_slice %arg16[%dma_wait3A_302, %dma_wait3A_303] : memref<10000x64xbf16, #tpu.memory_space<vmem_shared>> -> memref<10000x64xbf16, #tpu.memory_space<vmem_shared>>
        tpu.wait_indirect_dma semaphore(%run_scoped3A : memref<!tpu.dma_semaphore, #tpu.memory_space<semaphore_mem>>) src(%arg9 : memref<128x64xbf16, #tpu.memory_space<vmem>>) dst(%dma_wait3A_304 : memref<10000x64xbf16, #tpu.memory_space<vmem_shared>>)
        tpu.yield
      }) : () -> ()
      %dma_start3A_167 = arith.constant 0 : i32
      %dma_start3A_168 = tpu.memref_slice %arg6[%min3A_160, %dma_start3A_167] : memref<80x128xi32, #tpu.memory_space<vmem>> -> memref<1x128xi32, #tpu.memory_space<vmem>>
      %dma_start3A_169 = tpu.memref_squeeze %dma_start3A_168 : memref<1x128xi32, #tpu.memory_space<vmem>> -> memref<128xi32, #tpu.memory_space<vmem>>
      %dma_start3A_170 = arith.constant 0 : i32
      %dma_start3A_171 = arith.constant 0 : i32
      %dma_start3A_172 = tpu.memref_slice %arg2[%dma_start3A_170, %dma_start3A_171] : memref<10000x64xbf16, #tpu.memory_space<hbm>> -> memref<10000x64xbf16, #tpu.memory_space<hbm>>
      tpu.enqueue_indirect_dma source(%dma_start3A_172 : memref<10000x64xbf16, #tpu.memory_space<hbm>>) target(%arg9 : memref<128x64xbf16, #tpu.memory_space<vmem>>) offsets(%dma_start3A_169 : memref<128xi32, #tpu.memory_space<vmem>>) semaphore(%arg18 : memref<!tpu.dma_semaphore, #tpu.memory_space<semaphore_mem>>)
      %mul3A_173 = arith.constant 8 : i32
      %mul3A_174 = arith.muli %mul3A_173, %scan3A_133 : i32
      %add3A_175 = arith.constant 2 : i32
      %add3A_176 = arith.addi %mul3A_174, %add3A_175 : i32
      %add3A_177 = arith.constant 8 : i32
      %add3A_178 = arith.addi %add3A_176, %add3A_177 : i32
      %min3A_179 = arith.constant 79 : i32
      %min3A_180 = arith.minsi %add3A_178, %min3A_179 : i32
      %dma_wait3A_181 = arith.constant 0 : i32
      %dma_wait3A_182 = tpu.memref_slice %arg6[%add3A_176, %dma_wait3A_181] : memref<80x128xi32, #tpu.memory_space<vmem>> -> memref<1x128xi32, #tpu.memory_space<vmem>>
      %dma_wait3A_183 = tpu.memref_squeeze %dma_wait3A_182 : memref<1x128xi32, #tpu.memory_space<vmem>> -> memref<128xi32, #tpu.memory_space<vmem>>
      %dma_wait3A_184 = arith.constant 0 : i32
      %dma_wait3A_185 = arith.constant 0 : i32
      %dma_wait3A_186 = tpu.memref_slice %arg2[%dma_wait3A_184, %dma_wait3A_185] : memref<10000x64xbf16, #tpu.memory_space<hbm>> -> memref<10000x64xbf16, #tpu.memory_space<hbm>>
      tpu.wait_indirect_dma semaphore(%arg19 : memref<!tpu.dma_semaphore, #tpu.memory_space<semaphore_mem>>) src(%dma_wait3A_186 : memref<10000x64xbf16, #tpu.memory_space<hbm>>) dst(%arg10 : memref<128x64xbf16, #tpu.memory_space<vmem>>)
      "tpu.region"() ({
        %run_scoped3A = tpu.sem_alloc : memref<!tpu.dma_semaphore, #tpu.memory_space<semaphore_mem>>
        %dma_start3A_293 = arith.constant 0 : i32
        %dma_start3A_294 = tpu.memref_slice %arg7[%add3A_176, %dma_start3A_293] : memref<80x128xi32, #tpu.memory_space<vmem>> -> memref<1x128xi32, #tpu.memory_space<vmem>>
        %dma_start3A_295 = tpu.memref_squeeze %dma_start3A_294 : memref<1x128xi32, #tpu.memory_space<vmem>> -> memref<128xi32, #tpu.memory_space<vmem>>
        %dma_start3A_296 = arith.constant 0 : i32
        %dma_start3A_297 = arith.constant 0 : i32
        %dma_start3A_298 = tpu.memref_slice %arg16[%dma_start3A_296, %dma_start3A_297] : memref<10000x64xbf16, #tpu.memory_space<vmem_shared>> -> memref<10000x64xbf16, #tpu.memory_space<vmem_shared>>
        tpu.enqueue_indirect_dma source(%arg10 : memref<128x64xbf16, #tpu.memory_space<vmem>>) target(%dma_start3A_298 : memref<10000x64xbf16, #tpu.memory_space<vmem_shared>>) offsets(%dma_start3A_295 : memref<128xi32, #tpu.memory_space<vmem>>) semaphore(%run_scoped3A : memref<!tpu.dma_semaphore, #tpu.memory_space<semaphore_mem>>) {add = true}
        %dma_wait3A_299 = arith.constant 0 : i32
        %dma_wait3A_300 = tpu.memref_slice %arg7[%add3A_176, %dma_wait3A_299] : memref<80x128xi32, #tpu.memory_space<vmem>> -> memref<1x128xi32, #tpu.memory_space<vmem>>
        %dma_wait3A_301 = tpu.memref_squeeze %dma_wait3A_300 : memref<1x128xi32, #tpu.memory_space<vmem>> -> memref<128xi32, #tpu.memory_space<vmem>>
        %dma_wait3A_302 = arith.constant 0 : i32
        %dma_wait3A_303 = arith.constant 0 : i32
        %dma_wait3A_304 = tpu.memref_slice %arg16[%dma_wait3A_302, %dma_wait3A_303] : memref<10000x64xbf16, #tpu.memory_space<vmem_shared>> -> memref<10000x64xbf16, #tpu.memory_space<vmem_shared>>
        tpu.wait_indirect_dma semaphore(%run_scoped3A : memref<!tpu.dma_semaphore, #tpu.memory_space<semaphore_mem>>) src(%arg10 : memref<128x64xbf16, #tpu.memory_space<vmem>>) dst(%dma_wait3A_304 : memref<10000x64xbf16, #tpu.memory_space<vmem_shared>>)
        tpu.yield
      }) : () -> ()
      %dma_start3A_187 = arith.constant 0 : i32
      %dma_start3A_188 = tpu.memref_slice %arg6[%min3A_180, %dma_start3A_187] : memref<80x128xi32, #tpu.memory_space<vmem>> -> memref<1x128xi32, #tpu.memory_space<vmem>>
      %dma_start3A_189 = tpu.memref_squeeze %dma_start3A_188 : memref<1x128xi32, #tpu.memory_space<vmem>> -> memref<128xi32, #tpu.memory_space<vmem>>
      %dma_start3A_190 = arith.constant 0 : i32
      %dma_start3A_191 = arith.constant 0 : i32
      %dma_start3A_192 = tpu.memref_slice %arg2[%dma_start3A_190, %dma_start3A_191] : memref<10000x64xbf16, #tpu.memory_space<hbm>> -> memref<10000x64xbf16, #tpu.memory_space<hbm>>
      tpu.enqueue_indirect_dma source(%dma_start3A_192 : memref<10000x64xbf16, #tpu.memory_space<hbm>>) target(%arg10 : memref<128x64xbf16, #tpu.memory_space<vmem>>) offsets(%dma_start3A_189 : memref<128xi32, #tpu.memory_space<vmem>>) semaphore(%arg19 : memref<!tpu.dma_semaphore, #tpu.memory_space<semaphore_mem>>)
      %mul3A_193 = arith.constant 8 : i32
      %mul3A_194 = arith.muli %mul3A_193, %scan3A_133 : i32
      %add3A_195 = arith.constant 3 : i32
      %add3A_196 = arith.addi %mul3A_194, %add3A_195 : i32
      %add3A_197 = arith.constant 8 : i32
      %add3A_198 = arith.addi %add3A_196, %add3A_197 : i32
      %min3A_199 = arith.constant 79 : i32
      %min3A_200 = arith.minsi %add3A_198, %min3A_199 : i32
      %dma_wait3A_201 = arith.constant 0 : i32
      %dma_wait3A_202 = tpu.memref_slice %arg6[%add3A_196, %dma_wait3A_201] : memref<80x128xi32, #tpu.memory_space<vmem>> -> memref<1x128xi32, #tpu.memory_space<vmem>>
      %dma_wait3A_203 = tpu.memref_squeeze %dma_wait3A_202 : memref<1x128xi32, #tpu.memory_space<vmem>> -> memref<128xi32, #tpu.memory_space<vmem>>
      %dma_wait3A_204 = arith.constant 0 : i32
      %dma_wait3A_205 = arith.constant 0 : i32
      %dma_wait3A_206 = tpu.memref_slice %arg2[%dma_wait3A_204, %dma_wait3A_205] : memref<10000x64xbf16, #tpu.memory_space<hbm>> -> memref<10000x64xbf16, #tpu.memory_space<hbm>>
      tpu.wait_indirect_dma semaphore(%arg20 : memref<!tpu.dma_semaphore, #tpu.memory_space<semaphore_mem>>) src(%dma_wait3A_206 : memref<10000x64xbf16, #tpu.memory_space<hbm>>) dst(%arg11 : memref<128x64xbf16, #tpu.memory_space<vmem>>)
      "tpu.region"() ({
        %run_scoped3A = tpu.sem_alloc : memref<!tpu.dma_semaphore, #tpu.memory_space<semaphore_mem>>
        %dma_start3A_293 = arith.constant 0 : i32
        %dma_start3A_294 = tpu.memref_slice %arg7[%add3A_196, %dma_start3A_293] : memref<80x128xi32, #tpu.memory_space<vmem>> -> memref<1x128xi32, #tpu.memory_space<vmem>>
        %dma_start3A_295 = tpu.memref_squeeze %dma_start3A_294 : memref<1x128xi32, #tpu.memory_space<vmem>> -> memref<128xi32, #tpu.memory_space<vmem>>
        %dma_start3A_296 = arith.constant 0 : i32
        %dma_start3A_297 = arith.constant 0 : i32
        %dma_start3A_298 = tpu.memref_slice %arg16[%dma_start3A_296, %dma_start3A_297] : memref<10000x64xbf16, #tpu.memory_space<vmem_shared>> -> memref<10000x64xbf16, #tpu.memory_space<vmem_shared>>
        tpu.enqueue_indirect_dma source(%arg11 : memref<128x64xbf16, #tpu.memory_space<vmem>>) target(%dma_start3A_298 : memref<10000x64xbf16, #tpu.memory_space<vmem_shared>>) offsets(%dma_start3A_295 : memref<128xi32, #tpu.memory_space<vmem>>) semaphore(%run_scoped3A : memref<!tpu.dma_semaphore, #tpu.memory_space<semaphore_mem>>) {add = true}
        %dma_wait3A_299 = arith.constant 0 : i32
        %dma_wait3A_300 = tpu.memref_slice %arg7[%add3A_196, %dma_wait3A_299] : memref<80x128xi32, #tpu.memory_space<vmem>> -> memref<1x128xi32, #tpu.memory_space<vmem>>
        %dma_wait3A_301 = tpu.memref_squeeze %dma_wait3A_300 : memref<1x128xi32, #tpu.memory_space<vmem>> -> memref<128xi32, #tpu.memory_space<vmem>>
        %dma_wait3A_302 = arith.constant 0 : i32
        %dma_wait3A_303 = arith.constant 0 : i32
        %dma_wait3A_304 = tpu.memref_slice %arg16[%dma_wait3A_302, %dma_wait3A_303] : memref<10000x64xbf16, #tpu.memory_space<vmem_shared>> -> memref<10000x64xbf16, #tpu.memory_space<vmem_shared>>
        tpu.wait_indirect_dma semaphore(%run_scoped3A : memref<!tpu.dma_semaphore, #tpu.memory_space<semaphore_mem>>) src(%arg11 : memref<128x64xbf16, #tpu.memory_space<vmem>>) dst(%dma_wait3A_304 : memref<10000x64xbf16, #tpu.memory_space<vmem_shared>>)
        tpu.yield
      }) : () -> ()
      %dma_start3A_207 = arith.constant 0 : i32
      %dma_start3A_208 = tpu.memref_slice %arg6[%min3A_200, %dma_start3A_207] : memref<80x128xi32, #tpu.memory_space<vmem>> -> memref<1x128xi32, #tpu.memory_space<vmem>>
      %dma_start3A_209 = tpu.memref_squeeze %dma_start3A_208 : memref<1x128xi32, #tpu.memory_space<vmem>> -> memref<128xi32, #tpu.memory_space<vmem>>
      %dma_start3A_210 = arith.constant 0 : i32
      %dma_start3A_211 = arith.constant 0 : i32
      %dma_start3A_212 = tpu.memref_slice %arg2[%dma_start3A_210, %dma_start3A_211] : memref<10000x64xbf16, #tpu.memory_space<hbm>> -> memref<10000x64xbf16, #tpu.memory_space<hbm>>
      tpu.enqueue_indirect_dma source(%dma_start3A_212 : memref<10000x64xbf16, #tpu.memory_space<hbm>>) target(%arg11 : memref<128x64xbf16, #tpu.memory_space<vmem>>) offsets(%dma_start3A_209 : memref<128xi32, #tpu.memory_space<vmem>>) semaphore(%arg20 : memref<!tpu.dma_semaphore, #tpu.memory_space<semaphore_mem>>)
      %mul3A_213 = arith.constant 8 : i32
      %mul3A_214 = arith.muli %mul3A_213, %scan3A_133 : i32
      %add3A_215 = arith.constant 4 : i32
      %add3A_216 = arith.addi %mul3A_214, %add3A_215 : i32
      %add3A_217 = arith.constant 8 : i32
      %add3A_218 = arith.addi %add3A_216, %add3A_217 : i32
      %min3A_219 = arith.constant 79 : i32
      %min3A_220 = arith.minsi %add3A_218, %min3A_219 : i32
      %dma_wait3A_221 = arith.constant 0 : i32
      %dma_wait3A_222 = tpu.memref_slice %arg6[%add3A_216, %dma_wait3A_221] : memref<80x128xi32, #tpu.memory_space<vmem>> -> memref<1x128xi32, #tpu.memory_space<vmem>>
      %dma_wait3A_223 = tpu.memref_squeeze %dma_wait3A_222 : memref<1x128xi32, #tpu.memory_space<vmem>> -> memref<128xi32, #tpu.memory_space<vmem>>
      %dma_wait3A_224 = arith.constant 0 : i32
      %dma_wait3A_225 = arith.constant 0 : i32
      %dma_wait3A_226 = tpu.memref_slice %arg2[%dma_wait3A_224, %dma_wait3A_225] : memref<10000x64xbf16, #tpu.memory_space<hbm>> -> memref<10000x64xbf16, #tpu.memory_space<hbm>>
      tpu.wait_indirect_dma semaphore(%arg21 : memref<!tpu.dma_semaphore, #tpu.memory_space<semaphore_mem>>) src(%dma_wait3A_226 : memref<10000x64xbf16, #tpu.memory_space<hbm>>) dst(%arg12 : memref<128x64xbf16, #tpu.memory_space<vmem>>)
      "tpu.region"() ({
        %run_scoped3A = tpu.sem_alloc : memref<!tpu.dma_semaphore, #tpu.memory_space<semaphore_mem>>
        %dma_start3A_293 = arith.constant 0 : i32
        %dma_start3A_294 = tpu.memref_slice %arg7[%add3A_216, %dma_start3A_293] : memref<80x128xi32, #tpu.memory_space<vmem>> -> memref<1x128xi32, #tpu.memory_space<vmem>>
        %dma_start3A_295 = tpu.memref_squeeze %dma_start3A_294 : memref<1x128xi32, #tpu.memory_space<vmem>> -> memref<128xi32, #tpu.memory_space<vmem>>
        %dma_start3A_296 = arith.constant 0 : i32
        %dma_start3A_297 = arith.constant 0 : i32
        %dma_start3A_298 = tpu.memref_slice %arg16[%dma_start3A_296, %dma_start3A_297] : memref<10000x64xbf16, #tpu.memory_space<vmem_shared>> -> memref<10000x64xbf16, #tpu.memory_space<vmem_shared>>
        tpu.enqueue_indirect_dma source(%arg12 : memref<128x64xbf16, #tpu.memory_space<vmem>>) target(%dma_start3A_298 : memref<10000x64xbf16, #tpu.memory_space<vmem_shared>>) offsets(%dma_start3A_295 : memref<128xi32, #tpu.memory_space<vmem>>) semaphore(%run_scoped3A : memref<!tpu.dma_semaphore, #tpu.memory_space<semaphore_mem>>) {add = true}
        %dma_wait3A_299 = arith.constant 0 : i32
        %dma_wait3A_300 = tpu.memref_slice %arg7[%add3A_216, %dma_wait3A_299] : memref<80x128xi32, #tpu.memory_space<vmem>> -> memref<1x128xi32, #tpu.memory_space<vmem>>
        %dma_wait3A_301 = tpu.memref_squeeze %dma_wait3A_300 : memref<1x128xi32, #tpu.memory_space<vmem>> -> memref<128xi32, #tpu.memory_space<vmem>>
        %dma_wait3A_302 = arith.constant 0 : i32
        %dma_wait3A_303 = arith.constant 0 : i32
        %dma_wait3A_304 = tpu.memref_slice %arg16[%dma_wait3A_302, %dma_wait3A_303] : memref<10000x64xbf16, #tpu.memory_space<vmem_shared>> -> memref<10000x64xbf16, #tpu.memory_space<vmem_shared>>
        tpu.wait_indirect_dma semaphore(%run_scoped3A : memref<!tpu.dma_semaphore, #tpu.memory_space<semaphore_mem>>) src(%arg12 : memref<128x64xbf16, #tpu.memory_space<vmem>>) dst(%dma_wait3A_304 : memref<10000x64xbf16, #tpu.memory_space<vmem_shared>>)
        tpu.yield
      }) : () -> ()
      %dma_start3A_227 = arith.constant 0 : i32
      %dma_start3A_228 = tpu.memref_slice %arg6[%min3A_220, %dma_start3A_227] : memref<80x128xi32, #tpu.memory_space<vmem>> -> memref<1x128xi32, #tpu.memory_space<vmem>>
      %dma_start3A_229 = tpu.memref_squeeze %dma_start3A_228 : memref<1x128xi32, #tpu.memory_space<vmem>> -> memref<128xi32, #tpu.memory_space<vmem>>
      %dma_start3A_230 = arith.constant 0 : i32
      %dma_start3A_231 = arith.constant 0 : i32
      %dma_start3A_232 = tpu.memref_slice %arg2[%dma_start3A_230, %dma_start3A_231] : memref<10000x64xbf16, #tpu.memory_space<hbm>> -> memref<10000x64xbf16, #tpu.memory_space<hbm>>
      tpu.enqueue_indirect_dma source(%dma_start3A_232 : memref<10000x64xbf16, #tpu.memory_space<hbm>>) target(%arg12 : memref<128x64xbf16, #tpu.memory_space<vmem>>) offsets(%dma_start3A_229 : memref<128xi32, #tpu.memory_space<vmem>>) semaphore(%arg21 : memref<!tpu.dma_semaphore, #tpu.memory_space<semaphore_mem>>)
      %mul3A_233 = arith.constant 8 : i32
      %mul3A_234 = arith.muli %mul3A_233, %scan3A_133 : i32
      %add3A_235 = arith.constant 5 : i32
      %add3A_236 = arith.addi %mul3A_234, %add3A_235 : i32
      %add3A_237 = arith.constant 8 : i32
      %add3A_238 = arith.addi %add3A_236, %add3A_237 : i32
      %min3A_239 = arith.constant 79 : i32
      %min3A_240 = arith.minsi %add3A_238, %min3A_239 : i32
      %dma_wait3A_241 = arith.constant 0 : i32
      %dma_wait3A_242 = tpu.memref_slice %arg6[%add3A_236, %dma_wait3A_241] : memref<80x128xi32, #tpu.memory_space<vmem>> -> memref<1x128xi32, #tpu.memory_space<vmem>>
      %dma_wait3A_243 = tpu.memref_squeeze %dma_wait3A_242 : memref<1x128xi32, #tpu.memory_space<vmem>> -> memref<128xi32, #tpu.memory_space<vmem>>
      %dma_wait3A_244 = arith.constant 0 : i32
      %dma_wait3A_245 = arith.constant 0 : i32
      %dma_wait3A_246 = tpu.memref_slice %arg2[%dma_wait3A_244, %dma_wait3A_245] : memref<10000x64xbf16, #tpu.memory_space<hbm>> -> memref<10000x64xbf16, #tpu.memory_space<hbm>>
      tpu.wait_indirect_dma semaphore(%arg22 : memref<!tpu.dma_semaphore, #tpu.memory_space<semaphore_mem>>) src(%dma_wait3A_246 : memref<10000x64xbf16, #tpu.memory_space<hbm>>) dst(%arg13 : memref<128x64xbf16, #tpu.memory_space<vmem>>)
      "tpu.region"() ({
        %run_scoped3A = tpu.sem_alloc : memref<!tpu.dma_semaphore, #tpu.memory_space<semaphore_mem>>
        %dma_start3A_293 = arith.constant 0 : i32
        %dma_start3A_294 = tpu.memref_slice %arg7[%add3A_236, %dma_start3A_293] : memref<80x128xi32, #tpu.memory_space<vmem>> -> memref<1x128xi32, #tpu.memory_space<vmem>>
        %dma_start3A_295 = tpu.memref_squeeze %dma_start3A_294 : memref<1x128xi32, #tpu.memory_space<vmem>> -> memref<128xi32, #tpu.memory_space<vmem>>
        %dma_start3A_296 = arith.constant 0 : i32
        %dma_start3A_297 = arith.constant 0 : i32
        %dma_start3A_298 = tpu.memref_slice %arg16[%dma_start3A_296, %dma_start3A_297] : memref<10000x64xbf16, #tpu.memory_space<vmem_shared>> -> memref<10000x64xbf16, #tpu.memory_space<vmem_shared>>
        tpu.enqueue_indirect_dma source(%arg13 : memref<128x64xbf16, #tpu.memory_space<vmem>>) target(%dma_start3A_298 : memref<10000x64xbf16, #tpu.memory_space<vmem_shared>>) offsets(%dma_start3A_295 : memref<128xi32, #tpu.memory_space<vmem>>) semaphore(%run_scoped3A : memref<!tpu.dma_semaphore, #tpu.memory_space<semaphore_mem>>) {add = true}
        %dma_wait3A_299 = arith.constant 0 : i32
        %dma_wait3A_300 = tpu.memref_slice %arg7[%add3A_236, %dma_wait3A_299] : memref<80x128xi32, #tpu.memory_space<vmem>> -> memref<1x128xi32, #tpu.memory_space<vmem>>
        %dma_wait3A_301 = tpu.memref_squeeze %dma_wait3A_300 : memref<1x128xi32, #tpu.memory_space<vmem>> -> memref<128xi32, #tpu.memory_space<vmem>>
        %dma_wait3A_302 = arith.constant 0 : i32
        %dma_wait3A_303 = arith.constant 0 : i32
        %dma_wait3A_304 = tpu.memref_slice %arg16[%dma_wait3A_302, %dma_wait3A_303] : memref<10000x64xbf16, #tpu.memory_space<vmem_shared>> -> memref<10000x64xbf16, #tpu.memory_space<vmem_shared>>
        tpu.wait_indirect_dma semaphore(%run_scoped3A : memref<!tpu.dma_semaphore, #tpu.memory_space<semaphore_mem>>) src(%arg13 : memref<128x64xbf16, #tpu.memory_space<vmem>>) dst(%dma_wait3A_304 : memref<10000x64xbf16, #tpu.memory_space<vmem_shared>>)
        tpu.yield
      }) : () -> ()
      %dma_start3A_247 = arith.constant 0 : i32
      %dma_start3A_248 = tpu.memref_slice %arg6[%min3A_240, %dma_start3A_247] : memref<80x128xi32, #tpu.memory_space<vmem>> -> memref<1x128xi32, #tpu.memory_space<vmem>>
      %dma_start3A_249 = tpu.memref_squeeze %dma_start3A_248 : memref<1x128xi32, #tpu.memory_space<vmem>> -> memref<128xi32, #tpu.memory_space<vmem>>
      %dma_start3A_250 = arith.constant 0 : i32
      %dma_start3A_251 = arith.constant 0 : i32
      %dma_start3A_252 = tpu.memref_slice %arg2[%dma_start3A_250, %dma_start3A_251] : memref<10000x64xbf16, #tpu.memory_space<hbm>> -> memref<10000x64xbf16, #tpu.memory_space<hbm>>
      tpu.enqueue_indirect_dma source(%dma_start3A_252 : memref<10000x64xbf16, #tpu.memory_space<hbm>>) target(%arg13 : memref<128x64xbf16, #tpu.memory_space<vmem>>) offsets(%dma_start3A_249 : memref<128xi32, #tpu.memory_space<vmem>>) semaphore(%arg22 : memref<!tpu.dma_semaphore, #tpu.memory_space<semaphore_mem>>)
      %mul3A_253 = arith.constant 8 : i32
      %mul3A_254 = arith.muli %mul3A_253, %scan3A_133 : i32
      %add3A_255 = arith.constant 6 : i32
      %add3A_256 = arith.addi %mul3A_254, %add3A_255 : i32
      %add3A_257 = arith.constant 8 : i32
      %add3A_258 = arith.addi %add3A_256, %add3A_257 : i32
      %min3A_259 = arith.constant 79 : i32
      %min3A_260 = arith.minsi %add3A_258, %min3A_259 : i32
      %dma_wait3A_261 = arith.constant 0 : i32
      %dma_wait3A_262 = tpu.memref_slice %arg6[%add3A_256, %dma_wait3A_261] : memref<80x128xi32, #tpu.memory_space<vmem>> -> memref<1x128xi32, #tpu.memory_space<vmem>>
      %dma_wait3A_263 = tpu.memref_squeeze %dma_wait3A_262 : memref<1x128xi32, #tpu.memory_space<vmem>> -> memref<128xi32, #tpu.memory_space<vmem>>
      %dma_wait3A_264 = arith.constant 0 : i32
      %dma_wait3A_265 = arith.constant 0 : i32
      %dma_wait3A_266 = tpu.memref_slice %arg2[%dma_wait3A_264, %dma_wait3A_265] : memref<10000x64xbf16, #tpu.memory_space<hbm>> -> memref<10000x64xbf16, #tpu.memory_space<hbm>>
      tpu.wait_indirect_dma semaphore(%arg23 : memref<!tpu.dma_semaphore, #tpu.memory_space<semaphore_mem>>) src(%dma_wait3A_266 : memref<10000x64xbf16, #tpu.memory_space<hbm>>) dst(%arg14 : memref<128x64xbf16, #tpu.memory_space<vmem>>)
      "tpu.region"() ({
        %run_scoped3A = tpu.sem_alloc : memref<!tpu.dma_semaphore, #tpu.memory_space<semaphore_mem>>
        %dma_start3A_293 = arith.constant 0 : i32
        %dma_start3A_294 = tpu.memref_slice %arg7[%add3A_256, %dma_start3A_293] : memref<80x128xi32, #tpu.memory_space<vmem>> -> memref<1x128xi32, #tpu.memory_space<vmem>>
        %dma_start3A_295 = tpu.memref_squeeze %dma_start3A_294 : memref<1x128xi32, #tpu.memory_space<vmem>> -> memref<128xi32, #tpu.memory_space<vmem>>
        %dma_start3A_296 = arith.constant 0 : i32
        %dma_start3A_297 = arith.constant 0 : i32
        %dma_start3A_298 = tpu.memref_slice %arg16[%dma_start3A_296, %dma_start3A_297] : memref<10000x64xbf16, #tpu.memory_space<vmem_shared>> -> memref<10000x64xbf16, #tpu.memory_space<vmem_shared>>
        tpu.enqueue_indirect_dma source(%arg14 : memref<128x64xbf16, #tpu.memory_space<vmem>>) target(%dma_start3A_298 : memref<10000x64xbf16, #tpu.memory_space<vmem_shared>>) offsets(%dma_start3A_295 : memref<128xi32, #tpu.memory_space<vmem>>) semaphore(%run_scoped3A : memref<!tpu.dma_semaphore, #tpu.memory_space<semaphore_mem>>) {add = true}
        %dma_wait3A_299 = arith.constant 0 : i32
        %dma_wait3A_300 = tpu.memref_slice %arg7[%add3A_256, %dma_wait3A_299] : memref<80x128xi32, #tpu.memory_space<vmem>> -> memref<1x128xi32, #tpu.memory_space<vmem>>
        %dma_wait3A_301 = tpu.memref_squeeze %dma_wait3A_300 : memref<1x128xi32, #tpu.memory_space<vmem>> -> memref<128xi32, #tpu.memory_space<vmem>>
        %dma_wait3A_302 = arith.constant 0 : i32
        %dma_wait3A_303 = arith.constant 0 : i32
        %dma_wait3A_304 = tpu.memref_slice %arg16[%dma_wait3A_302, %dma_wait3A_303] : memref<10000x64xbf16, #tpu.memory_space<vmem_shared>> -> memref<10000x64xbf16, #tpu.memory_space<vmem_shared>>
        tpu.wait_indirect_dma semaphore(%run_scoped3A : memref<!tpu.dma_semaphore, #tpu.memory_space<semaphore_mem>>) src(%arg14 : memref<128x64xbf16, #tpu.memory_space<vmem>>) dst(%dma_wait3A_304 : memref<10000x64xbf16, #tpu.memory_space<vmem_shared>>)
        tpu.yield
      }) : () -> ()
      %dma_start3A_267 = arith.constant 0 : i32
      %dma_start3A_268 = tpu.memref_slice %arg6[%min3A_260, %dma_start3A_267] : memref<80x128xi32, #tpu.memory_space<vmem>> -> memref<1x128xi32, #tpu.memory_space<vmem>>
      %dma_start3A_269 = tpu.memref_squeeze %dma_start3A_268 : memref<1x128xi32, #tpu.memory_space<vmem>> -> memref<128xi32, #tpu.memory_space<vmem>>
      %dma_start3A_270 = arith.constant 0 : i32
      %dma_start3A_271 = arith.constant 0 : i32
      %dma_start3A_272 = tpu.memref_slice %arg2[%dma_start3A_270, %dma_start3A_271] : memref<10000x64xbf16, #tpu.memory_space<hbm>> -> memref<10000x64xbf16, #tpu.memory_space<hbm>>
      tpu.enqueue_indirect_dma source(%dma_start3A_272 : memref<10000x64xbf16, #tpu.memory_space<hbm>>) target(%arg14 : memref<128x64xbf16, #tpu.memory_space<vmem>>) offsets(%dma_start3A_269 : memref<128xi32, #tpu.memory_space<vmem>>) semaphore(%arg23 : memref<!tpu.dma_semaphore, #tpu.memory_space<semaphore_mem>>)
      %mul3A_273 = arith.constant 8 : i32
      %mul3A_274 = arith.muli %mul3A_273, %scan3A_133 : i32
      %add3A_275 = arith.constant 7 : i32
      %add3A_276 = arith.addi %mul3A_274, %add3A_275 : i32
      %add3A_277 = arith.constant 8 : i32
      %add3A_278 = arith.addi %add3A_276, %add3A_277 : i32
      %min3A_279 = arith.constant 79 : i32
      %min3A_280 = arith.minsi %add3A_278, %min3A_279 : i32
      %dma_wait3A_281 = arith.constant 0 : i32
      %dma_wait3A_282 = tpu.memref_slice %arg6[%add3A_276, %dma_wait3A_281] : memref<80x128xi32, #tpu.memory_space<vmem>> -> memref<1x128xi32, #tpu.memory_space<vmem>>
      %dma_wait3A_283 = tpu.memref_squeeze %dma_wait3A_282 : memref<1x128xi32, #tpu.memory_space<vmem>> -> memref<128xi32, #tpu.memory_space<vmem>>
      %dma_wait3A_284 = arith.constant 0 : i32
      %dma_wait3A_285 = arith.constant 0 : i32
      %dma_wait3A_286 = tpu.memref_slice %arg2[%dma_wait3A_284, %dma_wait3A_285] : memref<10000x64xbf16, #tpu.memory_space<hbm>> -> memref<10000x64xbf16, #tpu.memory_space<hbm>>
      tpu.wait_indirect_dma semaphore(%arg24 : memref<!tpu.dma_semaphore, #tpu.memory_space<semaphore_mem>>) src(%dma_wait3A_286 : memref<10000x64xbf16, #tpu.memory_space<hbm>>) dst(%arg15 : memref<128x64xbf16, #tpu.memory_space<vmem>>)
      "tpu.region"() ({
        %run_scoped3A = tpu.sem_alloc : memref<!tpu.dma_semaphore, #tpu.memory_space<semaphore_mem>>
        %dma_start3A_293 = arith.constant 0 : i32
        %dma_start3A_294 = tpu.memref_slice %arg7[%add3A_276, %dma_start3A_293] : memref<80x128xi32, #tpu.memory_space<vmem>> -> memref<1x128xi32, #tpu.memory_space<vmem>>
        %dma_start3A_295 = tpu.memref_squeeze %dma_start3A_294 : memref<1x128xi32, #tpu.memory_space<vmem>> -> memref<128xi32, #tpu.memory_space<vmem>>
        %dma_start3A_296 = arith.constant 0 : i32
        %dma_start3A_297 = arith.constant 0 : i32
        %dma_start3A_298 = tpu.memref_slice %arg16[%dma_start3A_296, %dma_start3A_297] : memref<10000x64xbf16, #tpu.memory_space<vmem_shared>> -> memref<10000x64xbf16, #tpu.memory_space<vmem_shared>>
        tpu.enqueue_indirect_dma source(%arg15 : memref<128x64xbf16, #tpu.memory_space<vmem>>) target(%dma_start3A_298 : memref<10000x64xbf16, #tpu.memory_space<vmem_shared>>) offsets(%dma_start3A_295 : memref<128xi32, #tpu.memory_space<vmem>>) semaphore(%run_scoped3A : memref<!tpu.dma_semaphore, #tpu.memory_space<semaphore_mem>>) {add = true}
        %dma_wait3A_299 = arith.constant 0 : i32
        %dma_wait3A_300 = tpu.memref_slice %arg7[%add3A_276, %dma_wait3A_299] : memref<80x128xi32, #tpu.memory_space<vmem>> -> memref<1x128xi32, #tpu.memory_space<vmem>>
        %dma_wait3A_301 = tpu.memref_squeeze %dma_wait3A_300 : memref<1x128xi32, #tpu.memory_space<vmem>> -> memref<128xi32, #tpu.memory_space<vmem>>
        %dma_wait3A_302 = arith.constant 0 : i32
        %dma_wait3A_303 = arith.constant 0 : i32
        %dma_wait3A_304 = tpu.memref_slice %arg16[%dma_wait3A_302, %dma_wait3A_303] : memref<10000x64xbf16, #tpu.memory_space<vmem_shared>> -> memref<10000x64xbf16, #tpu.memory_space<vmem_shared>>
        tpu.wait_indirect_dma semaphore(%run_scoped3A : memref<!tpu.dma_semaphore, #tpu.memory_space<semaphore_mem>>) src(%arg15 : memref<128x64xbf16, #tpu.memory_space<vmem>>) dst(%dma_wait3A_304 : memref<10000x64xbf16, #tpu.memory_space<vmem_shared>>)
        tpu.yield
      }) : () -> ()
      %dma_start3A_287 = arith.constant 0 : i32
      %dma_start3A_288 = tpu.memref_slice %arg6[%min3A_280, %dma_start3A_287] : memref<80x128xi32, #tpu.memory_space<vmem>> -> memref<1x128xi32, #tpu.memory_space<vmem>>
      %dma_start3A_289 = tpu.memref_squeeze %dma_start3A_288 : memref<1x128xi32, #tpu.memory_space<vmem>> -> memref<128xi32, #tpu.memory_space<vmem>>
      %dma_start3A_290 = arith.constant 0 : i32
      %dma_start3A_291 = arith.constant 0 : i32
      %dma_start3A_292 = tpu.memref_slice %arg2[%dma_start3A_290, %dma_start3A_291] : memref<10000x64xbf16, #tpu.memory_space<hbm>> -> memref<10000x64xbf16, #tpu.memory_space<hbm>>
      tpu.enqueue_indirect_dma source(%dma_start3A_292 : memref<10000x64xbf16, #tpu.memory_space<hbm>>) target(%arg15 : memref<128x64xbf16, #tpu.memory_space<vmem>>) offsets(%dma_start3A_289 : memref<128xi32, #tpu.memory_space<vmem>>) semaphore(%arg24 : memref<!tpu.dma_semaphore, #tpu.memory_space<semaphore_mem>>)
    }
    %scan3A_66 = arith.constant 10 : i32
    %dma_wait3A = arith.constant 0 : i32
    %dma_wait3A_67 = arith.constant 0 : i32
    %dma_wait3A_68 = tpu.memref_slice %arg6[%dma_wait3A, %dma_wait3A_67] : memref<80x128xi32, #tpu.memory_space<vmem>> -> memref<1x128xi32, #tpu.memory_space<vmem>>
    %dma_wait3A_69 = tpu.memref_squeeze %dma_wait3A_68 : memref<1x128xi32, #tpu.memory_space<vmem>> -> memref<128xi32, #tpu.memory_space<vmem>>
    %dma_wait3A_70 = arith.constant 0 : i32
    %dma_wait3A_71 = arith.constant 0 : i32
    %dma_wait3A_72 = tpu.memref_slice %arg2[%dma_wait3A_70, %dma_wait3A_71] : memref<10000x64xbf16, #tpu.memory_space<hbm>> -> memref<10000x64xbf16, #tpu.memory_space<hbm>>
    tpu.wait_indirect_dma semaphore(%arg17 : memref<!tpu.dma_semaphore, #tpu.memory_space<semaphore_mem>>) src(%dma_wait3A_72 : memref<10000x64xbf16, #tpu.memory_space<hbm>>) dst(%arg8 : memref<128x64xbf16, #tpu.memory_space<vmem>>)
    %dma_wait3A_73 = arith.constant 0 : i32
    %dma_wait3A_74 = arith.constant 0 : i32
    %dma_wait3A_75 = tpu.memref_slice %arg6[%dma_wait3A_73, %dma_wait3A_74] : memref<80x128xi32, #tpu.memory_space<vmem>> -> memref<1x128xi32, #tpu.memory_space<vmem>>
    %dma_wait3A_76 = tpu.memref_squeeze %dma_wait3A_75 : memref<1x128xi32, #tpu.memory_space<vmem>> -> memref<128xi32, #tpu.memory_space<vmem>>
    %dma_wait3A_77 = arith.constant 0 : i32
    %dma_wait3A_78 = arith.constant 0 : i32
    %dma_wait3A_79 = tpu.memref_slice %arg2[%dma_wait3A_77, %dma_wait3A_78] : memref<10000x64xbf16, #tpu.memory_space<hbm>> -> memref<10000x64xbf16, #tpu.memory_space<hbm>>
    tpu.wait_indirect_dma semaphore(%arg18 : memref<!tpu.dma_semaphore, #tpu.memory_space<semaphore_mem>>) src(%dma_wait3A_79 : memref<10000x64xbf16, #tpu.memory_space<hbm>>) dst(%arg9 : memref<128x64xbf16, #tpu.memory_space<vmem>>)
    %dma_wait3A_80 = arith.constant 0 : i32
    %dma_wait3A_81 = arith.constant 0 : i32
    %dma_wait3A_82 = tpu.memref_slice %arg6[%dma_wait3A_80, %dma_wait3A_81] : memref<80x128xi32, #tpu.memory_space<vmem>> -> memref<1x128xi32, #tpu.memory_space<vmem>>
    %dma_wait3A_83 = tpu.memref_squeeze %dma_wait3A_82 : memref<1x128xi32, #tpu.memory_space<vmem>> -> memref<128xi32, #tpu.memory_space<vmem>>
    %dma_wait3A_84 = arith.constant 0 : i32
    %dma_wait3A_85 = arith.constant 0 : i32
    %dma_wait3A_86 = tpu.memref_slice %arg2[%dma_wait3A_84, %dma_wait3A_85] : memref<10000x64xbf16, #tpu.memory_space<hbm>> -> memref<10000x64xbf16, #tpu.memory_space<hbm>>
    tpu.wait_indirect_dma semaphore(%arg19 : memref<!tpu.dma_semaphore, #tpu.memory_space<semaphore_mem>>) src(%dma_wait3A_86 : memref<10000x64xbf16, #tpu.memory_space<hbm>>) dst(%arg10 : memref<128x64xbf16, #tpu.memory_space<vmem>>)
    %dma_wait3A_87 = arith.constant 0 : i32
    %dma_wait3A_88 = arith.constant 0 : i32
    %dma_wait3A_89 = tpu.memref_slice %arg6[%dma_wait3A_87, %dma_wait3A_88] : memref<80x128xi32, #tpu.memory_space<vmem>> -> memref<1x128xi32, #tpu.memory_space<vmem>>
    %dma_wait3A_90 = tpu.memref_squeeze %dma_wait3A_89 : memref<1x128xi32, #tpu.memory_space<vmem>> -> memref<128xi32, #tpu.memory_space<vmem>>
    %dma_wait3A_91 = arith.constant 0 : i32
    %dma_wait3A_92 = arith.constant 0 : i32
    %dma_wait3A_93 = tpu.memref_slice %arg2[%dma_wait3A_91, %dma_wait3A_92] : memref<10000x64xbf16, #tpu.memory_space<hbm>> -> memref<10000x64xbf16, #tpu.memory_space<hbm>>
    tpu.wait_indirect_dma semaphore(%arg20 : memref<!tpu.dma_semaphore, #tpu.memory_space<semaphore_mem>>) src(%dma_wait3A_93 : memref<10000x64xbf16, #tpu.memory_space<hbm>>) dst(%arg11 : memref<128x64xbf16, #tpu.memory_space<vmem>>)
    %dma_wait3A_94 = arith.constant 0 : i32
    %dma_wait3A_95 = arith.constant 0 : i32
    %dma_wait3A_96 = tpu.memref_slice %arg6[%dma_wait3A_94, %dma_wait3A_95] : memref<80x128xi32, #tpu.memory_space<vmem>> -> memref<1x128xi32, #tpu.memory_space<vmem>>
    %dma_wait3A_97 = tpu.memref_squeeze %dma_wait3A_96 : memref<1x128xi32, #tpu.memory_space<vmem>> -> memref<128xi32, #tpu.memory_space<vmem>>
    %dma_wait3A_98 = arith.constant 0 : i32
    %dma_wait3A_99 = arith.constant 0 : i32
    %dma_wait3A_100 = tpu.memref_slice %arg2[%dma_wait3A_98, %dma_wait3A_99] : memref<10000x64xbf16, #tpu.memory_space<hbm>> -> memref<10000x64xbf16, #tpu.memory_space<hbm>>
    tpu.wait_indirect_dma semaphore(%arg21 : memref<!tpu.dma_semaphore, #tpu.memory_space<semaphore_mem>>) src(%dma_wait3A_100 : memref<10000x64xbf16, #tpu.memory_space<hbm>>) dst(%arg12 : memref<128x64xbf16, #tpu.memory_space<vmem>>)
    %dma_wait3A_101 = arith.constant 0 : i32
    %dma_wait3A_102 = arith.constant 0 : i32
    %dma_wait3A_103 = tpu.memref_slice %arg6[%dma_wait3A_101, %dma_wait3A_102] : memref<80x128xi32, #tpu.memory_space<vmem>> -> memref<1x128xi32, #tpu.memory_space<vmem>>
    %dma_wait3A_104 = tpu.memref_squeeze %dma_wait3A_103 : memref<1x128xi32, #tpu.memory_space<vmem>> -> memref<128xi32, #tpu.memory_space<vmem>>
    %dma_wait3A_105 = arith.constant 0 : i32
    %dma_wait3A_106 = arith.constant 0 : i32
    %dma_wait3A_107 = tpu.memref_slice %arg2[%dma_wait3A_105, %dma_wait3A_106] : memref<10000x64xbf16, #tpu.memory_space<hbm>> -> memref<10000x64xbf16, #tpu.memory_space<hbm>>
    tpu.wait_indirect_dma semaphore(%arg22 : memref<!tpu.dma_semaphore, #tpu.memory_space<semaphore_mem>>) src(%dma_wait3A_107 : memref<10000x64xbf16, #tpu.memory_space<hbm>>) dst(%arg13 : memref<128x64xbf16, #tpu.memory_space<vmem>>)
    %dma_wait3A_108 = arith.constant 0 : i32
    %dma_wait3A_109 = arith.constant 0 : i32
    %dma_wait3A_110 = tpu.memref_slice %arg6[%dma_wait3A_108, %dma_wait3A_109] : memref<80x128xi32, #tpu.memory_space<vmem>> -> memref<1x128xi32, #tpu.memory_space<vmem>>
    %dma_wait3A_111 = tpu.memref_squeeze %dma_wait3A_110 : memref<1x128xi32, #tpu.memory_space<vmem>> -> memref<128xi32, #tpu.memory_space<vmem>>
    %dma_wait3A_112 = arith.constant 0 : i32
    %dma_wait3A_113 = arith.constant 0 : i32
    %dma_wait3A_114 = tpu.memref_slice %arg2[%dma_wait3A_112, %dma_wait3A_113] : memref<10000x64xbf16, #tpu.memory_space<hbm>> -> memref<10000x64xbf16, #tpu.memory_space<hbm>>
    tpu.wait_indirect_dma semaphore(%arg23 : memref<!tpu.dma_semaphore, #tpu.memory_space<semaphore_mem>>) src(%dma_wait3A_114 : memref<10000x64xbf16, #tpu.memory_space<hbm>>) dst(%arg14 : memref<128x64xbf16, #tpu.memory_space<vmem>>)
    %dma_wait3A_115 = arith.constant 0 : i32
    %dma_wait3A_116 = arith.constant 0 : i32
    %dma_wait3A_117 = tpu.memref_slice %arg6[%dma_wait3A_115, %dma_wait3A_116] : memref<80x128xi32, #tpu.memory_space<vmem>> -> memref<1x128xi32, #tpu.memory_space<vmem>>
    %dma_wait3A_118 = tpu.memref_squeeze %dma_wait3A_117 : memref<1x128xi32, #tpu.memory_space<vmem>> -> memref<128xi32, #tpu.memory_space<vmem>>
    %dma_wait3A_119 = arith.constant 0 : i32
    %dma_wait3A_120 = arith.constant 0 : i32
    %dma_wait3A_121 = tpu.memref_slice %arg2[%dma_wait3A_119, %dma_wait3A_120] : memref<10000x64xbf16, #tpu.memory_space<hbm>> -> memref<10000x64xbf16, #tpu.memory_space<hbm>>
    tpu.wait_indirect_dma semaphore(%arg24 : memref<!tpu.dma_semaphore, #tpu.memory_space<semaphore_mem>>) src(%dma_wait3A_121 : memref<10000x64xbf16, #tpu.memory_space<hbm>>) dst(%arg15 : memref<128x64xbf16, #tpu.memory_space<vmem>>)
    %barrier3A_122 = arith.constant 0 : index
    tpu.barrier barrier_id(%barrier3A_122)
    %lt3A_123 = arith.constant 15 : i32
    %lt3A_124 = arith.cmpi slt, %arg1, %lt3A_123 : i32
    %convert_element_type3A_125 = arith.extui %lt3A_124 : i1 to i32
    %cond3A_126 = arith.constant 0 : i32
    %cond3A_127 = arith.cmpi ne, %convert_element_type3A_125, %cond3A_126 : i32
    scf.if %cond3A_127 {
      %mul3A_133 = arith.constant 640 : i32
      %mul3A_134 = arith.muli %arg1, %mul3A_133 : i32
      "tpu.region"() ({
        %run_scoped3A = tpu.sem_alloc : memref<!tpu.dma_semaphore, #tpu.memory_space<semaphore_mem>>
        %dma_start3A_135 = arith.constant 0 : i32
        %dma_start3A_136 = tpu.memref_slice %arg5[%arg0, %mul3A_134, %dma_start3A_135] : memref<2x10000x64xbf16, #tpu.memory_space<hbm>> -> memref<1x640x64xbf16, #tpu.memory_space<hbm>>
        %dma_start3A_137 = tpu.memref_squeeze %dma_start3A_136 : memref<1x640x64xbf16, #tpu.memory_space<hbm>> -> memref<640x64xbf16, #tpu.memory_space<hbm>>
        %dma_start3A_138 = arith.constant 0 : i32
        %dma_start3A_139 = tpu.memref_slice %arg16[%mul3A_134, %dma_start3A_138] : memref<10000x64xbf16, #tpu.memory_space<vmem_shared>> -> memref<640x64xbf16, #tpu.memory_space<vmem_shared>>
        tpu.enqueue_dma source(%dma_start3A_139 : memref<640x64xbf16, #tpu.memory_space<vmem_shared>>) target(%dma_start3A_137 : memref<640x64xbf16, #tpu.memory_space<hbm>>) target_semaphore(%run_scoped3A : memref<!tpu.dma_semaphore, #tpu.memory_space<semaphore_mem>>)
        %dma_wait3A_140 = arith.constant 0 : i32
        %dma_wait3A_141 = tpu.memref_slice %arg5[%arg0, %mul3A_134, %dma_wait3A_140] : memref<2x10000x64xbf16, #tpu.memory_space<hbm>> -> memref<1x640x64xbf16, #tpu.memory_space<hbm>>
        %dma_wait3A_142 = tpu.memref_squeeze %dma_wait3A_141 : memref<1x640x64xbf16, #tpu.memory_space<hbm>> -> memref<640x64xbf16, #tpu.memory_space<hbm>>
        %dma_wait3A_143 = arith.constant 0 : i32
        %dma_wait3A_144 = tpu.memref_slice %arg16[%mul3A_134, %dma_wait3A_143] : memref<10000x64xbf16, #tpu.memory_space<vmem_shared>> -> memref<640x64xbf16, #tpu.memory_space<vmem_shared>>
        tpu.wait_dma2 semaphore(%run_scoped3A : memref<!tpu.dma_semaphore, #tpu.memory_space<semaphore_mem>>) src(%dma_wait3A_144 : memref<640x64xbf16, #tpu.memory_space<vmem_shared>>) dst(%dma_wait3A_142 : memref<640x64xbf16, #tpu.memory_space<hbm>>)
        tpu.yield
      }) : () -> ()
    } else {
    }
    %eq3A_128 = arith.constant 15 : i32
    %eq3A_129 = arith.cmpi eq, %arg1, %eq3A_128 : i32
    %convert_element_type3A_130 = arith.extui %eq3A_129 : i1 to i32
    %cond3A_131 = arith.constant 0 : i32
    %cond3A_132 = arith.cmpi ne, %convert_element_type3A_130, %cond3A_131 : i32
    scf.if %cond3A_132 {
      "tpu.region"() ({
        %run_scoped3A = tpu.sem_alloc : memref<!tpu.dma_semaphore, #tpu.memory_space<semaphore_mem>>
        %dma_start3A_133 = arith.constant 9600 : i32
        %dma_start3A_134 = arith.constant 0 : i32
        %dma_start3A_135 = tpu.memref_slice %arg5[%arg0, %dma_start3A_133, %dma_start3A_134] : memref<2x10000x64xbf16, #tpu.memory_space<hbm>> -> memref<1x400x64xbf16, #tpu.memory_space<hbm>>
        %dma_start3A_136 = tpu.memref_squeeze %dma_start3A_135 : memref<1x400x64xbf16, #tpu.memory_space<hbm>> -> memref<400x64xbf16, #tpu.memory_space<hbm>>
        %dma_start3A_137 = arith.constant 9600 : i32
        %dma_start3A_138 = arith.constant 0 : i32
        %dma_start3A_139 = tpu.memref_slice %arg16[%dma_start3A_137, %dma_start3A_138] : memref<10000x64xbf16, #tpu.memory_space<vmem_shared>> -> memref<400x64xbf16, #tpu.memory_space<vmem_shared>>
        tpu.enqueue_dma source(%dma_start3A_139 : memref<400x64xbf16, #tpu.memory_space<vmem_shared>>) target(%dma_start3A_136 : memref<400x64xbf16, #tpu.memory_space<hbm>>) target_semaphore(%run_scoped3A : memref<!tpu.dma_semaphore, #tpu.memory_space<semaphore_mem>>)
        %dma_wait3A_140 = arith.constant 9600 : i32
        %dma_wait3A_141 = arith.constant 0 : i32
        %dma_wait3A_142 = tpu.memref_slice %arg5[%arg0, %dma_wait3A_140, %dma_wait3A_141] : memref<2x10000x64xbf16, #tpu.memory_space<hbm>> -> memref<1x400x64xbf16, #tpu.memory_space<hbm>>
        %dma_wait3A_143 = tpu.memref_squeeze %dma_wait3A_142 : memref<1x400x64xbf16, #tpu.memory_space<hbm>> -> memref<400x64xbf16, #tpu.memory_space<hbm>>
        %dma_wait3A_144 = arith.constant 9600 : i32
        %dma_wait3A_145 = arith.constant 0 : i32
        %dma_wait3A_146 = tpu.memref_slice %arg16[%dma_wait3A_144, %dma_wait3A_145] : memref<10000x64xbf16, #tpu.memory_space<vmem_shared>> -> memref<400x64xbf16, #tpu.memory_space<vmem_shared>>
        tpu.wait_dma2 semaphore(%run_scoped3A : memref<!tpu.dma_semaphore, #tpu.memory_space<semaphore_mem>>) src(%dma_wait3A_146 : memref<400x64xbf16, #tpu.memory_space<vmem_shared>>) dst(%dma_wait3A_143 : memref<400x64xbf16, #tpu.memory_space<hbm>>)
        tpu.yield
      }) : () -> ()
    } else {
    }
    return
  }
}

#map = affine_map<(d0, d1) -> (0, 0, 0)>
#map1 = affine_map<(d0, d1) -> (0, 0)>
module attributes {stable_mosaic.version = 14 : i64} {
  func.func @sc_deg(%arg0: i32, %arg1: i32, %arg2: memref<32x80x128xi32, #tpu.memory_space<hbm>>, %arg3: memref<128x16xf32, #tpu.memory_space<hbm>>, %arg4: memref<640x16xf32, #tpu.memory_space<hbm>>, %arg5: memref<2x10000x16xf32, #tpu.memory_space<hbm>>, %arg6: memref<80x128xi32, #tpu.memory_space<vmem>>, %arg7: memref<128x16xf32, #tpu.memory_space<vmem>>, %arg8: memref<10000x16xf32, #tpu.memory_space<vmem_shared>>) attributes {dimension_semantics = [#tpu.dimension_semantics<core_parallel>, #tpu.dimension_semantics<subcore_parallel>], iteration_bounds = array<i64: 2, 16>, scalar_prefetch = 0 : i64, scratch_operands = 3 : i64, tpu.core_type = #tpu.core_type<sc_vector_subcore>, window_params = [{transform_indices = #map}, {transform_indices = #map1}, {transform_indices = #map1}, {transform_indices = #map}]} {
    %mul3A = arith.constant 16 : i32
    %mul3A_0 = arith.muli %arg0, %mul3A : i32
    %add3A = arith.addi %mul3A_0, %arg1 : i32
    "tpu.region"() ({
      %run_scoped3A = tpu.sem_alloc : memref<!tpu.dma_semaphore, #tpu.memory_space<semaphore_mem>>
      %dma_start3A = arith.constant 0 : i32
      %dma_start3A_23 = arith.constant 0 : i32
      %dma_start3A_24 = tpu.memref_slice %arg2[%add3A, %dma_start3A, %dma_start3A_23] : memref<32x80x128xi32, #tpu.memory_space<hbm>> -> memref<1x80x128xi32, #tpu.memory_space<hbm>>
      %dma_start3A_25 = tpu.memref_squeeze %dma_start3A_24 : memref<1x80x128xi32, #tpu.memory_space<hbm>> -> memref<80x128xi32, #tpu.memory_space<hbm>>
      %dma_start3A_26 = arith.constant 0 : i32
      %dma_start3A_27 = arith.constant 0 : i32
      %dma_start3A_28 = tpu.memref_slice %arg2[%add3A, %dma_start3A_26, %dma_start3A_27] : memref<32x80x128xi32, #tpu.memory_space<hbm>> -> memref<1x80x128xi32, #tpu.memory_space<hbm>>
      %dma_start3A_29 = tpu.memref_squeeze %dma_start3A_28 : memref<1x80x128xi32, #tpu.memory_space<hbm>> -> memref<80x128xi32, #tpu.memory_space<hbm>>
      tpu.enqueue_dma source(%dma_start3A_29 : memref<80x128xi32, #tpu.memory_space<hbm>>) target(%arg6 : memref<80x128xi32, #tpu.memory_space<vmem>>) target_semaphore(%run_scoped3A : memref<!tpu.dma_semaphore, #tpu.memory_space<semaphore_mem>>)
      %dma_wait3A = arith.constant 0 : i32
      %dma_wait3A_30 = arith.constant 0 : i32
      %dma_wait3A_31 = tpu.memref_slice %arg2[%add3A, %dma_wait3A, %dma_wait3A_30] : memref<32x80x128xi32, #tpu.memory_space<hbm>> -> memref<1x80x128xi32, #tpu.memory_space<hbm>>
      %dma_wait3A_32 = tpu.memref_squeeze %dma_wait3A_31 : memref<1x80x128xi32, #tpu.memory_space<hbm>> -> memref<80x128xi32, #tpu.memory_space<hbm>>
      %dma_wait3A_33 = arith.constant 0 : i32
      %dma_wait3A_34 = arith.constant 0 : i32
      %dma_wait3A_35 = tpu.memref_slice %arg2[%add3A, %dma_wait3A_33, %dma_wait3A_34] : memref<32x80x128xi32, #tpu.memory_space<hbm>> -> memref<1x80x128xi32, #tpu.memory_space<hbm>>
      %dma_wait3A_36 = tpu.memref_squeeze %dma_wait3A_35 : memref<1x80x128xi32, #tpu.memory_space<hbm>> -> memref<80x128xi32, #tpu.memory_space<hbm>>
      tpu.wait_dma2 semaphore(%run_scoped3A : memref<!tpu.dma_semaphore, #tpu.memory_space<semaphore_mem>>) src(%dma_wait3A_36 : memref<80x128xi32, #tpu.memory_space<hbm>>) dst(%arg6 : memref<80x128xi32, #tpu.memory_space<vmem>>)
      tpu.yield
    }) : () -> ()
    "tpu.region"() ({
      %run_scoped3A = tpu.sem_alloc : memref<!tpu.dma_semaphore, #tpu.memory_space<semaphore_mem>>
      tpu.enqueue_dma source(%arg3 : memref<128x16xf32, #tpu.memory_space<hbm>>) target(%arg7 : memref<128x16xf32, #tpu.memory_space<vmem>>) target_semaphore(%run_scoped3A : memref<!tpu.dma_semaphore, #tpu.memory_space<semaphore_mem>>)
      tpu.wait_dma2 semaphore(%run_scoped3A : memref<!tpu.dma_semaphore, #tpu.memory_space<semaphore_mem>>) src(%arg3 : memref<128x16xf32, #tpu.memory_space<hbm>>) dst(%arg7 : memref<128x16xf32, #tpu.memory_space<vmem>>)
      tpu.yield
    }) : () -> ()
    %lt3A = arith.constant 15 : i32
    %lt3A_1 = arith.cmpi slt, %arg1, %lt3A : i32
    %convert_element_type3A = arith.extui %lt3A_1 : i1 to i32
    %cond3A = arith.constant 0 : i32
    %cond3A_2 = arith.cmpi ne, %convert_element_type3A, %cond3A : i32
    scf.if %cond3A_2 {
      %mul3A_23 = arith.constant 640 : i32
      %mul3A_24 = arith.muli %arg1, %mul3A_23 : i32
      "tpu.region"() ({
        %run_scoped3A = tpu.sem_alloc : memref<!tpu.dma_semaphore, #tpu.memory_space<semaphore_mem>>
        %dma_start3A = arith.constant 0 : i32
        %dma_start3A_25 = tpu.memref_slice %arg8[%mul3A_24, %dma_start3A] : memref<10000x16xf32, #tpu.memory_space<vmem_shared>> -> memref<640x16xf32, #tpu.memory_space<vmem_shared>>
        %dma_start3A_26 = arith.constant 0 : i32
        %dma_start3A_27 = arith.constant 0 : i32
        %dma_start3A_28 = tpu.memref_slice %arg4[%dma_start3A_26, %dma_start3A_27] : memref<640x16xf32, #tpu.memory_space<hbm>> -> memref<640x16xf32, #tpu.memory_space<hbm>>
        tpu.enqueue_dma source(%dma_start3A_28 : memref<640x16xf32, #tpu.memory_space<hbm>>) target(%dma_start3A_25 : memref<640x16xf32, #tpu.memory_space<vmem_shared>>) target_semaphore(%run_scoped3A : memref<!tpu.dma_semaphore, #tpu.memory_space<semaphore_mem>>)
        %dma_wait3A = arith.constant 0 : i32
        %dma_wait3A_29 = tpu.memref_slice %arg8[%mul3A_24, %dma_wait3A] : memref<10000x16xf32, #tpu.memory_space<vmem_shared>> -> memref<640x16xf32, #tpu.memory_space<vmem_shared>>
        %dma_wait3A_30 = arith.constant 0 : i32
        %dma_wait3A_31 = arith.constant 0 : i32
        %dma_wait3A_32 = tpu.memref_slice %arg4[%dma_wait3A_30, %dma_wait3A_31] : memref<640x16xf32, #tpu.memory_space<hbm>> -> memref<640x16xf32, #tpu.memory_space<hbm>>
        tpu.wait_dma2 semaphore(%run_scoped3A : memref<!tpu.dma_semaphore, #tpu.memory_space<semaphore_mem>>) src(%dma_wait3A_32 : memref<640x16xf32, #tpu.memory_space<hbm>>) dst(%dma_wait3A_29 : memref<640x16xf32, #tpu.memory_space<vmem_shared>>)
        tpu.yield
      }) : () -> ()
    } else {
    }
    %eq3A = arith.constant 15 : i32
    %eq3A_3 = arith.cmpi eq, %arg1, %eq3A : i32
    %convert_element_type3A_4 = arith.extui %eq3A_3 : i1 to i32
    %cond3A_5 = arith.constant 0 : i32
    %cond3A_6 = arith.cmpi ne, %convert_element_type3A_4, %cond3A_5 : i32
    scf.if %cond3A_6 {
      "tpu.region"() ({
        %run_scoped3A = tpu.sem_alloc : memref<!tpu.dma_semaphore, #tpu.memory_space<semaphore_mem>>
        %dma_start3A = arith.constant 9600 : i32
        %dma_start3A_23 = arith.constant 0 : i32
        %dma_start3A_24 = tpu.memref_slice %arg8[%dma_start3A, %dma_start3A_23] : memref<10000x16xf32, #tpu.memory_space<vmem_shared>> -> memref<400x16xf32, #tpu.memory_space<vmem_shared>>
        %dma_start3A_25 = arith.constant 0 : i32
        %dma_start3A_26 = arith.constant 0 : i32
        %dma_start3A_27 = tpu.memref_slice %arg4[%dma_start3A_25, %dma_start3A_26] : memref<640x16xf32, #tpu.memory_space<hbm>> -> memref<400x16xf32, #tpu.memory_space<hbm>>
        tpu.enqueue_dma source(%dma_start3A_27 : memref<400x16xf32, #tpu.memory_space<hbm>>) target(%dma_start3A_24 : memref<400x16xf32, #tpu.memory_space<vmem_shared>>) target_semaphore(%run_scoped3A : memref<!tpu.dma_semaphore, #tpu.memory_space<semaphore_mem>>)
        %dma_wait3A = arith.constant 9600 : i32
        %dma_wait3A_28 = arith.constant 0 : i32
        %dma_wait3A_29 = tpu.memref_slice %arg8[%dma_wait3A, %dma_wait3A_28] : memref<10000x16xf32, #tpu.memory_space<vmem_shared>> -> memref<400x16xf32, #tpu.memory_space<vmem_shared>>
        %dma_wait3A_30 = arith.constant 0 : i32
        %dma_wait3A_31 = arith.constant 0 : i32
        %dma_wait3A_32 = tpu.memref_slice %arg4[%dma_wait3A_30, %dma_wait3A_31] : memref<640x16xf32, #tpu.memory_space<hbm>> -> memref<400x16xf32, #tpu.memory_space<hbm>>
        tpu.wait_dma2 semaphore(%run_scoped3A : memref<!tpu.dma_semaphore, #tpu.memory_space<semaphore_mem>>) src(%dma_wait3A_32 : memref<400x16xf32, #tpu.memory_space<hbm>>) dst(%dma_wait3A_29 : memref<400x16xf32, #tpu.memory_space<vmem_shared>>)
        tpu.yield
      }) : () -> ()
    } else {
    }
    %barrier3A = arith.constant 0 : index
    tpu.barrier barrier_id(%barrier3A)
    %scan3A = arith.constant 0 : i32
    %scan3A_7 = arith.constant 0 : i32
    %scan3A_8 = arith.constant 80 : i32
    %scan3A_9 = arith.addi %scan3A_7, %scan3A_8 : i32
    %scan3A_10 = arith.constant 1 : i32
    scf.for %scan3A_23 = %scan3A_7 to %scan3A_9 step %scan3A_10  : i32 {
      "tpu.region"() ({
        %run_scoped3A = tpu.sem_alloc : memref<!tpu.dma_semaphore, #tpu.memory_space<semaphore_mem>>
        %dma_start3A = arith.constant 0 : i32
        %dma_start3A_24 = tpu.memref_slice %arg6[%scan3A_23, %dma_start3A] : memref<80x128xi32, #tpu.memory_space<vmem>> -> memref<1x128xi32, #tpu.memory_space<vmem>>
        %dma_start3A_25 = tpu.memref_squeeze %dma_start3A_24 : memref<1x128xi32, #tpu.memory_space<vmem>> -> memref<128xi32, #tpu.memory_space<vmem>>
        %dma_start3A_26 = arith.constant 0 : i32
        %dma_start3A_27 = arith.constant 0 : i32
        %dma_start3A_28 = tpu.memref_slice %arg8[%dma_start3A_26, %dma_start3A_27] : memref<10000x16xf32, #tpu.memory_space<vmem_shared>> -> memref<10000x16xf32, #tpu.memory_space<vmem_shared>>
        tpu.enqueue_indirect_dma source(%arg7 : memref<128x16xf32, #tpu.memory_space<vmem>>) target(%dma_start3A_28 : memref<10000x16xf32, #tpu.memory_space<vmem_shared>>) offsets(%dma_start3A_25 : memref<128xi32, #tpu.memory_space<vmem>>) semaphore(%run_scoped3A : memref<!tpu.dma_semaphore, #tpu.memory_space<semaphore_mem>>) {add = true}
        %dma_wait3A = arith.constant 0 : i32
        %dma_wait3A_29 = tpu.memref_slice %arg6[%scan3A_23, %dma_wait3A] : memref<80x128xi32, #tpu.memory_space<vmem>> -> memref<1x128xi32, #tpu.memory_space<vmem>>
        %dma_wait3A_30 = tpu.memref_squeeze %dma_wait3A_29 : memref<1x128xi32, #tpu.memory_space<vmem>> -> memref<128xi32, #tpu.memory_space<vmem>>
        %dma_wait3A_31 = arith.constant 0 : i32
        %dma_wait3A_32 = arith.constant 0 : i32
        %dma_wait3A_33 = tpu.memref_slice %arg8[%dma_wait3A_31, %dma_wait3A_32] : memref<10000x16xf32, #tpu.memory_space<vmem_shared>> -> memref<10000x16xf32, #tpu.memory_space<vmem_shared>>
        tpu.wait_indirect_dma semaphore(%run_scoped3A : memref<!tpu.dma_semaphore, #tpu.memory_space<semaphore_mem>>) src(%arg7 : memref<128x16xf32, #tpu.memory_space<vmem>>) dst(%dma_wait3A_33 : memref<10000x16xf32, #tpu.memory_space<vmem_shared>>)
        tpu.yield
      }) : () -> ()
    }
    %scan3A_11 = arith.constant 80 : i32
    %barrier3A_12 = arith.constant 0 : index
    tpu.barrier barrier_id(%barrier3A_12)
    %lt3A_13 = arith.constant 15 : i32
    %lt3A_14 = arith.cmpi slt, %arg1, %lt3A_13 : i32
    %convert_element_type3A_15 = arith.extui %lt3A_14 : i1 to i32
    %cond3A_16 = arith.constant 0 : i32
    %cond3A_17 = arith.cmpi ne, %convert_element_type3A_15, %cond3A_16 : i32
    scf.if %cond3A_17 {
      %mul3A_23 = arith.constant 640 : i32
      %mul3A_24 = arith.muli %arg1, %mul3A_23 : i32
      "tpu.region"() ({
        %run_scoped3A = tpu.sem_alloc : memref<!tpu.dma_semaphore, #tpu.memory_space<semaphore_mem>>
        %dma_start3A = arith.constant 0 : i32
        %dma_start3A_25 = tpu.memref_slice %arg5[%arg0, %mul3A_24, %dma_start3A] : memref<2x10000x16xf32, #tpu.memory_space<hbm>> -> memref<1x640x16xf32, #tpu.memory_space<hbm>>
        %dma_start3A_26 = tpu.memref_squeeze %dma_start3A_25 : memref<1x640x16xf32, #tpu.memory_space<hbm>> -> memref<640x16xf32, #tpu.memory_space<hbm>>
        %dma_start3A_27 = arith.constant 0 : i32
        %dma_start3A_28 = tpu.memref_slice %arg8[%mul3A_24, %dma_start3A_27] : memref<10000x16xf32, #tpu.memory_space<vmem_shared>> -> memref<640x16xf32, #tpu.memory_space<vmem_shared>>
        tpu.enqueue_dma source(%dma_start3A_28 : memref<640x16xf32, #tpu.memory_space<vmem_shared>>) target(%dma_start3A_26 : memref<640x16xf32, #tpu.memory_space<hbm>>) target_semaphore(%run_scoped3A : memref<!tpu.dma_semaphore, #tpu.memory_space<semaphore_mem>>)
        %dma_wait3A = arith.constant 0 : i32
        %dma_wait3A_29 = tpu.memref_slice %arg5[%arg0, %mul3A_24, %dma_wait3A] : memref<2x10000x16xf32, #tpu.memory_space<hbm>> -> memref<1x640x16xf32, #tpu.memory_space<hbm>>
        %dma_wait3A_30 = tpu.memref_squeeze %dma_wait3A_29 : memref<1x640x16xf32, #tpu.memory_space<hbm>> -> memref<640x16xf32, #tpu.memory_space<hbm>>
        %dma_wait3A_31 = arith.constant 0 : i32
        %dma_wait3A_32 = tpu.memref_slice %arg8[%mul3A_24, %dma_wait3A_31] : memref<10000x16xf32, #tpu.memory_space<vmem_shared>> -> memref<640x16xf32, #tpu.memory_space<vmem_shared>>
        tpu.wait_dma2 semaphore(%run_scoped3A : memref<!tpu.dma_semaphore, #tpu.memory_space<semaphore_mem>>) src(%dma_wait3A_32 : memref<640x16xf32, #tpu.memory_space<vmem_shared>>) dst(%dma_wait3A_30 : memref<640x16xf32, #tpu.memory_space<hbm>>)
        tpu.yield
      }) : () -> ()
    } else {
    }
    %eq3A_18 = arith.constant 15 : i32
    %eq3A_19 = arith.cmpi eq, %arg1, %eq3A_18 : i32
    %convert_element_type3A_20 = arith.extui %eq3A_19 : i1 to i32
    %cond3A_21 = arith.constant 0 : i32
    %cond3A_22 = arith.cmpi ne, %convert_element_type3A_20, %cond3A_21 : i32
    scf.if %cond3A_22 {
      "tpu.region"() ({
        %run_scoped3A = tpu.sem_alloc : memref<!tpu.dma_semaphore, #tpu.memory_space<semaphore_mem>>
        %dma_start3A = arith.constant 9600 : i32
        %dma_start3A_23 = arith.constant 0 : i32
        %dma_start3A_24 = tpu.memref_slice %arg5[%arg0, %dma_start3A, %dma_start3A_23] : memref<2x10000x16xf32, #tpu.memory_space<hbm>> -> memref<1x400x16xf32, #tpu.memory_space<hbm>>
        %dma_start3A_25 = tpu.memref_squeeze %dma_start3A_24 : memref<1x400x16xf32, #tpu.memory_space<hbm>> -> memref<400x16xf32, #tpu.memory_space<hbm>>
        %dma_start3A_26 = arith.constant 9600 : i32
        %dma_start3A_27 = arith.constant 0 : i32
        %dma_start3A_28 = tpu.memref_slice %arg8[%dma_start3A_26, %dma_start3A_27] : memref<10000x16xf32, #tpu.memory_space<vmem_shared>> -> memref<400x16xf32, #tpu.memory_space<vmem_shared>>
        tpu.enqueue_dma source(%dma_start3A_28 : memref<400x16xf32, #tpu.memory_space<vmem_shared>>) target(%dma_start3A_25 : memref<400x16xf32, #tpu.memory_space<hbm>>) target_semaphore(%run_scoped3A : memref<!tpu.dma_semaphore, #tpu.memory_space<semaphore_mem>>)
        %dma_wait3A = arith.constant 9600 : i32
        %dma_wait3A_29 = arith.constant 0 : i32
        %dma_wait3A_30 = tpu.memref_slice %arg5[%arg0, %dma_wait3A, %dma_wait3A_29] : memref<2x10000x16xf32, #tpu.memory_space<hbm>> -> memref<1x400x16xf32, #tpu.memory_space<hbm>>
        %dma_wait3A_31 = tpu.memref_squeeze %dma_wait3A_30 : memref<1x400x16xf32, #tpu.memory_space<hbm>> -> memref<400x16xf32, #tpu.memory_space<hbm>>
        %dma_wait3A_32 = arith.constant 9600 : i32
        %dma_wait3A_33 = arith.constant 0 : i32
        %dma_wait3A_34 = tpu.memref_slice %arg8[%dma_wait3A_32, %dma_wait3A_33] : memref<10000x16xf32, #tpu.memory_space<vmem_shared>> -> memref<400x16xf32, #tpu.memory_space<vmem_shared>>
        tpu.wait_dma2 semaphore(%run_scoped3A : memref<!tpu.dma_semaphore, #tpu.memory_space<semaphore_mem>>) src(%dma_wait3A_34 : memref<400x16xf32, #tpu.memory_space<vmem_shared>>) dst(%dma_wait3A_31 : memref<400x16xf32, #tpu.memory_space<hbm>>)
        tpu.yield
      }) : () -> ()
    } else {
    }
    return
  }
}

#map = affine_map<(d0, d1) -> (0, 0)>
#map1 = affine_map<(d0, d1) -> (0, 0, 0)>
module attributes {stable_mosaic.version = 14 : i64} {
  func.func @sc_agg(%arg0: i32, %arg1: i32, %arg2: memref<10000x128xbf16, #tpu.memory_space<hbm>>, %arg3: memref<32x80x128xi32, #tpu.memory_space<hbm>>, %arg4: memref<32x80x128xi32, #tpu.memory_space<hbm>>, %arg5: memref<2x10000x128xbf16, #tpu.memory_space<hbm>>, %arg6: memref<80x128xi32, #tpu.memory_space<vmem>>, %arg7: memref<80x128xi32, #tpu.memory_space<vmem>>, %arg8: memref<128x128xbf16, #tpu.memory_space<vmem>>, %arg9: memref<128x128xbf16, #tpu.memory_space<vmem>>, %arg10: memref<128x128xbf16, #tpu.memory_space<vmem>>, %arg11: memref<128x128xbf16, #tpu.memory_space<vmem>>, %arg12: memref<128x128xbf16, #tpu.memory_space<vmem>>, %arg13: memref<128x128xbf16, #tpu.memory_space<vmem>>, %arg14: memref<128x128xbf16, #tpu.memory_space<vmem>>, %arg15: memref<128x128xbf16, #tpu.memory_space<vmem>>, %arg16: memref<10000x128xbf16, #tpu.memory_space<vmem_shared>>, %arg17: memref<!tpu.dma_semaphore, #tpu.memory_space<semaphore_mem>>, %arg18: memref<!tpu.dma_semaphore, #tpu.memory_space<semaphore_mem>>, %arg19: memref<!tpu.dma_semaphore, #tpu.memory_space<semaphore_mem>>, %arg20: memref<!tpu.dma_semaphore, #tpu.memory_space<semaphore_mem>>, %arg21: memref<!tpu.dma_semaphore, #tpu.memory_space<semaphore_mem>>, %arg22: memref<!tpu.dma_semaphore, #tpu.memory_space<semaphore_mem>>, %arg23: memref<!tpu.dma_semaphore, #tpu.memory_space<semaphore_mem>>, %arg24: memref<!tpu.dma_semaphore, #tpu.memory_space<semaphore_mem>>) attributes {dimension_semantics = [#tpu.dimension_semantics<core_parallel>, #tpu.dimension_semantics<subcore_parallel>], iteration_bounds = array<i64: 2, 16>, scalar_prefetch = 0 : i64, scratch_operands = 19 : i64, tpu.core_type = #tpu.core_type<sc_vector_subcore>, window_params = [{transform_indices = #map}, {transform_indices = #map1}, {transform_indices = #map1}, {transform_indices = #map1}]} {
    %mul3A = arith.constant 16 : i32
    %mul3A_0 = arith.muli %arg0, %mul3A : i32
    %add3A = arith.addi %mul3A_0, %arg1 : i32
    "tpu.region"() ({
      %run_scoped3A = tpu.sem_alloc : memref<!tpu.dma_semaphore, #tpu.memory_space<semaphore_mem>>
      %dma_start3A_133 = arith.constant 0 : i32
      %dma_start3A_134 = arith.constant 0 : i32
      %dma_start3A_135 = tpu.memref_slice %arg3[%add3A, %dma_start3A_133, %dma_start3A_134] : memref<32x80x128xi32, #tpu.memory_space<hbm>> -> memref<1x80x128xi32, #tpu.memory_space<hbm>>
      %dma_start3A_136 = tpu.memref_squeeze %dma_start3A_135 : memref<1x80x128xi32, #tpu.memory_space<hbm>> -> memref<80x128xi32, #tpu.memory_space<hbm>>
      %dma_start3A_137 = arith.constant 0 : i32
      %dma_start3A_138 = arith.constant 0 : i32
      %dma_start3A_139 = tpu.memref_slice %arg3[%add3A, %dma_start3A_137, %dma_start3A_138] : memref<32x80x128xi32, #tpu.memory_space<hbm>> -> memref<1x80x128xi32, #tpu.memory_space<hbm>>
      %dma_start3A_140 = tpu.memref_squeeze %dma_start3A_139 : memref<1x80x128xi32, #tpu.memory_space<hbm>> -> memref<80x128xi32, #tpu.memory_space<hbm>>
      tpu.enqueue_dma source(%dma_start3A_140 : memref<80x128xi32, #tpu.memory_space<hbm>>) target(%arg6 : memref<80x128xi32, #tpu.memory_space<vmem>>) target_semaphore(%run_scoped3A : memref<!tpu.dma_semaphore, #tpu.memory_space<semaphore_mem>>)
      %dma_wait3A_141 = arith.constant 0 : i32
      %dma_wait3A_142 = arith.constant 0 : i32
      %dma_wait3A_143 = tpu.memref_slice %arg3[%add3A, %dma_wait3A_141, %dma_wait3A_142] : memref<32x80x128xi32, #tpu.memory_space<hbm>> -> memref<1x80x128xi32, #tpu.memory_space<hbm>>
      %dma_wait3A_144 = tpu.memref_squeeze %dma_wait3A_143 : memref<1x80x128xi32, #tpu.memory_space<hbm>> -> memref<80x128xi32, #tpu.memory_space<hbm>>
      %dma_wait3A_145 = arith.constant 0 : i32
      %dma_wait3A_146 = arith.constant 0 : i32
      %dma_wait3A_147 = tpu.memref_slice %arg3[%add3A, %dma_wait3A_145, %dma_wait3A_146] : memref<32x80x128xi32, #tpu.memory_space<hbm>> -> memref<1x80x128xi32, #tpu.memory_space<hbm>>
      %dma_wait3A_148 = tpu.memref_squeeze %dma_wait3A_147 : memref<1x80x128xi32, #tpu.memory_space<hbm>> -> memref<80x128xi32, #tpu.memory_space<hbm>>
      tpu.wait_dma2 semaphore(%run_scoped3A : memref<!tpu.dma_semaphore, #tpu.memory_space<semaphore_mem>>) src(%dma_wait3A_148 : memref<80x128xi32, #tpu.memory_space<hbm>>) dst(%arg6 : memref<80x128xi32, #tpu.memory_space<vmem>>)
      tpu.yield
    }) : () -> ()
    "tpu.region"() ({
      %run_scoped3A = tpu.sem_alloc : memref<!tpu.dma_semaphore, #tpu.memory_space<semaphore_mem>>
      %dma_start3A_133 = arith.constant 0 : i32
      %dma_start3A_134 = arith.constant 0 : i32
      %dma_start3A_135 = tpu.memref_slice %arg4[%add3A, %dma_start3A_133, %dma_start3A_134] : memref<32x80x128xi32, #tpu.memory_space<hbm>> -> memref<1x80x128xi32, #tpu.memory_space<hbm>>
      %dma_start3A_136 = tpu.memref_squeeze %dma_start3A_135 : memref<1x80x128xi32, #tpu.memory_space<hbm>> -> memref<80x128xi32, #tpu.memory_space<hbm>>
      %dma_start3A_137 = arith.constant 0 : i32
      %dma_start3A_138 = arith.constant 0 : i32
      %dma_start3A_139 = tpu.memref_slice %arg4[%add3A, %dma_start3A_137, %dma_start3A_138] : memref<32x80x128xi32, #tpu.memory_space<hbm>> -> memref<1x80x128xi32, #tpu.memory_space<hbm>>
      %dma_start3A_140 = tpu.memref_squeeze %dma_start3A_139 : memref<1x80x128xi32, #tpu.memory_space<hbm>> -> memref<80x128xi32, #tpu.memory_space<hbm>>
      tpu.enqueue_dma source(%dma_start3A_140 : memref<80x128xi32, #tpu.memory_space<hbm>>) target(%arg7 : memref<80x128xi32, #tpu.memory_space<vmem>>) target_semaphore(%run_scoped3A : memref<!tpu.dma_semaphore, #tpu.memory_space<semaphore_mem>>)
      %dma_wait3A_141 = arith.constant 0 : i32
      %dma_wait3A_142 = arith.constant 0 : i32
      %dma_wait3A_143 = tpu.memref_slice %arg4[%add3A, %dma_wait3A_141, %dma_wait3A_142] : memref<32x80x128xi32, #tpu.memory_space<hbm>> -> memref<1x80x128xi32, #tpu.memory_space<hbm>>
      %dma_wait3A_144 = tpu.memref_squeeze %dma_wait3A_143 : memref<1x80x128xi32, #tpu.memory_space<hbm>> -> memref<80x128xi32, #tpu.memory_space<hbm>>
      %dma_wait3A_145 = arith.constant 0 : i32
      %dma_wait3A_146 = arith.constant 0 : i32
      %dma_wait3A_147 = tpu.memref_slice %arg4[%add3A, %dma_wait3A_145, %dma_wait3A_146] : memref<32x80x128xi32, #tpu.memory_space<hbm>> -> memref<1x80x128xi32, #tpu.memory_space<hbm>>
      %dma_wait3A_148 = tpu.memref_squeeze %dma_wait3A_147 : memref<1x80x128xi32, #tpu.memory_space<hbm>> -> memref<80x128xi32, #tpu.memory_space<hbm>>
      tpu.wait_dma2 semaphore(%run_scoped3A : memref<!tpu.dma_semaphore, #tpu.memory_space<semaphore_mem>>) src(%dma_wait3A_148 : memref<80x128xi32, #tpu.memory_space<hbm>>) dst(%arg7 : memref<80x128xi32, #tpu.memory_space<vmem>>)
      tpu.yield
    }) : () -> ()
    %dma_start3A = arith.constant 0 : i32
    %dma_start3A_1 = arith.constant 0 : i32
    %dma_start3A_2 = tpu.memref_slice %arg6[%dma_start3A, %dma_start3A_1] : memref<80x128xi32, #tpu.memory_space<vmem>> -> memref<1x128xi32, #tpu.memory_space<vmem>>
    %dma_start3A_3 = tpu.memref_squeeze %dma_start3A_2 : memref<1x128xi32, #tpu.memory_space<vmem>> -> memref<128xi32, #tpu.memory_space<vmem>>
    %dma_start3A_4 = arith.constant 0 : i32
    %dma_start3A_5 = arith.constant 0 : i32
    %dma_start3A_6 = tpu.memref_slice %arg2[%dma_start3A_4, %dma_start3A_5] : memref<10000x128xbf16, #tpu.memory_space<hbm>> -> memref<10000x128xbf16, #tpu.memory_space<hbm>>
    tpu.enqueue_indirect_dma source(%dma_start3A_6 : memref<10000x128xbf16, #tpu.memory_space<hbm>>) target(%arg8 : memref<128x128xbf16, #tpu.memory_space<vmem>>) offsets(%dma_start3A_3 : memref<128xi32, #tpu.memory_space<vmem>>) semaphore(%arg17 : memref<!tpu.dma_semaphore, #tpu.memory_space<semaphore_mem>>)
    %dma_start3A_7 = arith.constant 1 : i32
    %dma_start3A_8 = arith.constant 0 : i32
    %dma_start3A_9 = tpu.memref_slice %arg6[%dma_start3A_7, %dma_start3A_8] : memref<80x128xi32, #tpu.memory_space<vmem>> -> memref<1x128xi32, #tpu.memory_space<vmem>>
    %dma_start3A_10 = tpu.memref_squeeze %dma_start3A_9 : memref<1x128xi32, #tpu.memory_space<vmem>> -> memref<128xi32, #tpu.memory_space<vmem>>
    %dma_start3A_11 = arith.constant 0 : i32
    %dma_start3A_12 = arith.constant 0 : i32
    %dma_start3A_13 = tpu.memref_slice %arg2[%dma_start3A_11, %dma_start3A_12] : memref<10000x128xbf16, #tpu.memory_space<hbm>> -> memref<10000x128xbf16, #tpu.memory_space<hbm>>
    tpu.enqueue_indirect_dma source(%dma_start3A_13 : memref<10000x128xbf16, #tpu.memory_space<hbm>>) target(%arg9 : memref<128x128xbf16, #tpu.memory_space<vmem>>) offsets(%dma_start3A_10 : memref<128xi32, #tpu.memory_space<vmem>>) semaphore(%arg18 : memref<!tpu.dma_semaphore, #tpu.memory_space<semaphore_mem>>)
    %dma_start3A_14 = arith.constant 2 : i32
    %dma_start3A_15 = arith.constant 0 : i32
    %dma_start3A_16 = tpu.memref_slice %arg6[%dma_start3A_14, %dma_start3A_15] : memref<80x128xi32, #tpu.memory_space<vmem>> -> memref<1x128xi32, #tpu.memory_space<vmem>>
    %dma_start3A_17 = tpu.memref_squeeze %dma_start3A_16 : memref<1x128xi32, #tpu.memory_space<vmem>> -> memref<128xi32, #tpu.memory_space<vmem>>
    %dma_start3A_18 = arith.constant 0 : i32
    %dma_start3A_19 = arith.constant 0 : i32
    %dma_start3A_20 = tpu.memref_slice %arg2[%dma_start3A_18, %dma_start3A_19] : memref<10000x128xbf16, #tpu.memory_space<hbm>> -> memref<10000x128xbf16, #tpu.memory_space<hbm>>
    tpu.enqueue_indirect_dma source(%dma_start3A_20 : memref<10000x128xbf16, #tpu.memory_space<hbm>>) target(%arg10 : memref<128x128xbf16, #tpu.memory_space<vmem>>) offsets(%dma_start3A_17 : memref<128xi32, #tpu.memory_space<vmem>>) semaphore(%arg19 : memref<!tpu.dma_semaphore, #tpu.memory_space<semaphore_mem>>)
    %dma_start3A_21 = arith.constant 3 : i32
    %dma_start3A_22 = arith.constant 0 : i32
    %dma_start3A_23 = tpu.memref_slice %arg6[%dma_start3A_21, %dma_start3A_22] : memref<80x128xi32, #tpu.memory_space<vmem>> -> memref<1x128xi32, #tpu.memory_space<vmem>>
    %dma_start3A_24 = tpu.memref_squeeze %dma_start3A_23 : memref<1x128xi32, #tpu.memory_space<vmem>> -> memref<128xi32, #tpu.memory_space<vmem>>
    %dma_start3A_25 = arith.constant 0 : i32
    %dma_start3A_26 = arith.constant 0 : i32
    %dma_start3A_27 = tpu.memref_slice %arg2[%dma_start3A_25, %dma_start3A_26] : memref<10000x128xbf16, #tpu.memory_space<hbm>> -> memref<10000x128xbf16, #tpu.memory_space<hbm>>
    tpu.enqueue_indirect_dma source(%dma_start3A_27 : memref<10000x128xbf16, #tpu.memory_space<hbm>>) target(%arg11 : memref<128x128xbf16, #tpu.memory_space<vmem>>) offsets(%dma_start3A_24 : memref<128xi32, #tpu.memory_space<vmem>>) semaphore(%arg20 : memref<!tpu.dma_semaphore, #tpu.memory_space<semaphore_mem>>)
    %dma_start3A_28 = arith.constant 4 : i32
    %dma_start3A_29 = arith.constant 0 : i32
    %dma_start3A_30 = tpu.memref_slice %arg6[%dma_start3A_28, %dma_start3A_29] : memref<80x128xi32, #tpu.memory_space<vmem>> -> memref<1x128xi32, #tpu.memory_space<vmem>>
    %dma_start3A_31 = tpu.memref_squeeze %dma_start3A_30 : memref<1x128xi32, #tpu.memory_space<vmem>> -> memref<128xi32, #tpu.memory_space<vmem>>
    %dma_start3A_32 = arith.constant 0 : i32
    %dma_start3A_33 = arith.constant 0 : i32
    %dma_start3A_34 = tpu.memref_slice %arg2[%dma_start3A_32, %dma_start3A_33] : memref<10000x128xbf16, #tpu.memory_space<hbm>> -> memref<10000x128xbf16, #tpu.memory_space<hbm>>
    tpu.enqueue_indirect_dma source(%dma_start3A_34 : memref<10000x128xbf16, #tpu.memory_space<hbm>>) target(%arg12 : memref<128x128xbf16, #tpu.memory_space<vmem>>) offsets(%dma_start3A_31 : memref<128xi32, #tpu.memory_space<vmem>>) semaphore(%arg21 : memref<!tpu.dma_semaphore, #tpu.memory_space<semaphore_mem>>)
    %dma_start3A_35 = arith.constant 5 : i32
    %dma_start3A_36 = arith.constant 0 : i32
    %dma_start3A_37 = tpu.memref_slice %arg6[%dma_start3A_35, %dma_start3A_36] : memref<80x128xi32, #tpu.memory_space<vmem>> -> memref<1x128xi32, #tpu.memory_space<vmem>>
    %dma_start3A_38 = tpu.memref_squeeze %dma_start3A_37 : memref<1x128xi32, #tpu.memory_space<vmem>> -> memref<128xi32, #tpu.memory_space<vmem>>
    %dma_start3A_39 = arith.constant 0 : i32
    %dma_start3A_40 = arith.constant 0 : i32
    %dma_start3A_41 = tpu.memref_slice %arg2[%dma_start3A_39, %dma_start3A_40] : memref<10000x128xbf16, #tpu.memory_space<hbm>> -> memref<10000x128xbf16, #tpu.memory_space<hbm>>
    tpu.enqueue_indirect_dma source(%dma_start3A_41 : memref<10000x128xbf16, #tpu.memory_space<hbm>>) target(%arg13 : memref<128x128xbf16, #tpu.memory_space<vmem>>) offsets(%dma_start3A_38 : memref<128xi32, #tpu.memory_space<vmem>>) semaphore(%arg22 : memref<!tpu.dma_semaphore, #tpu.memory_space<semaphore_mem>>)
    %dma_start3A_42 = arith.constant 6 : i32
    %dma_start3A_43 = arith.constant 0 : i32
    %dma_start3A_44 = tpu.memref_slice %arg6[%dma_start3A_42, %dma_start3A_43] : memref<80x128xi32, #tpu.memory_space<vmem>> -> memref<1x128xi32, #tpu.memory_space<vmem>>
    %dma_start3A_45 = tpu.memref_squeeze %dma_start3A_44 : memref<1x128xi32, #tpu.memory_space<vmem>> -> memref<128xi32, #tpu.memory_space<vmem>>
    %dma_start3A_46 = arith.constant 0 : i32
    %dma_start3A_47 = arith.constant 0 : i32
    %dma_start3A_48 = tpu.memref_slice %arg2[%dma_start3A_46, %dma_start3A_47] : memref<10000x128xbf16, #tpu.memory_space<hbm>> -> memref<10000x128xbf16, #tpu.memory_space<hbm>>
    tpu.enqueue_indirect_dma source(%dma_start3A_48 : memref<10000x128xbf16, #tpu.memory_space<hbm>>) target(%arg14 : memref<128x128xbf16, #tpu.memory_space<vmem>>) offsets(%dma_start3A_45 : memref<128xi32, #tpu.memory_space<vmem>>) semaphore(%arg23 : memref<!tpu.dma_semaphore, #tpu.memory_space<semaphore_mem>>)
    %dma_start3A_49 = arith.constant 7 : i32
    %dma_start3A_50 = arith.constant 0 : i32
    %dma_start3A_51 = tpu.memref_slice %arg6[%dma_start3A_49, %dma_start3A_50] : memref<80x128xi32, #tpu.memory_space<vmem>> -> memref<1x128xi32, #tpu.memory_space<vmem>>
    %dma_start3A_52 = tpu.memref_squeeze %dma_start3A_51 : memref<1x128xi32, #tpu.memory_space<vmem>> -> memref<128xi32, #tpu.memory_space<vmem>>
    %dma_start3A_53 = arith.constant 0 : i32
    %dma_start3A_54 = arith.constant 0 : i32
    %dma_start3A_55 = tpu.memref_slice %arg2[%dma_start3A_53, %dma_start3A_54] : memref<10000x128xbf16, #tpu.memory_space<hbm>> -> memref<10000x128xbf16, #tpu.memory_space<hbm>>
    tpu.enqueue_indirect_dma source(%dma_start3A_55 : memref<10000x128xbf16, #tpu.memory_space<hbm>>) target(%arg15 : memref<128x128xbf16, #tpu.memory_space<vmem>>) offsets(%dma_start3A_52 : memref<128xi32, #tpu.memory_space<vmem>>) semaphore(%arg24 : memref<!tpu.dma_semaphore, #tpu.memory_space<semaphore_mem>>)
    %lt3A = arith.constant 15 : i32
    %lt3A_56 = arith.cmpi slt, %arg1, %lt3A : i32
    %convert_element_type3A = arith.extui %lt3A_56 : i1 to i32
    %cond3A = arith.constant 0 : i32
    %cond3A_57 = arith.cmpi ne, %convert_element_type3A, %cond3A : i32
    scf.if %cond3A_57 {
      %mul3A_133 = arith.constant 640 : i32
      %mul3A_134 = arith.muli %arg1, %mul3A_133 : i32
      "tpu.region"() ({
        %run_scoped3A = tpu.sem_alloc : memref<!tpu.dma_semaphore, #tpu.memory_space<semaphore_mem>>
        %dma_start3A_135 = arith.constant 0 : i32
        %dma_start3A_136 = tpu.memref_slice %arg16[%mul3A_134, %dma_start3A_135] : memref<10000x128xbf16, #tpu.memory_space<vmem_shared>> -> memref<640x128xbf16, #tpu.memory_space<vmem_shared>>
        %dma_start3A_137 = arith.constant 0 : i32
        %dma_start3A_138 = tpu.memref_slice %arg2[%mul3A_134, %dma_start3A_137] : memref<10000x128xbf16, #tpu.memory_space<hbm>> -> memref<640x128xbf16, #tpu.memory_space<hbm>>
        tpu.enqueue_dma source(%dma_start3A_138 : memref<640x128xbf16, #tpu.memory_space<hbm>>) target(%dma_start3A_136 : memref<640x128xbf16, #tpu.memory_space<vmem_shared>>) target_semaphore(%run_scoped3A : memref<!tpu.dma_semaphore, #tpu.memory_space<semaphore_mem>>)
        %dma_wait3A_139 = arith.constant 0 : i32
        %dma_wait3A_140 = tpu.memref_slice %arg16[%mul3A_134, %dma_wait3A_139] : memref<10000x128xbf16, #tpu.memory_space<vmem_shared>> -> memref<640x128xbf16, #tpu.memory_space<vmem_shared>>
        %dma_wait3A_141 = arith.constant 0 : i32
        %dma_wait3A_142 = tpu.memref_slice %arg2[%mul3A_134, %dma_wait3A_141] : memref<10000x128xbf16, #tpu.memory_space<hbm>> -> memref<640x128xbf16, #tpu.memory_space<hbm>>
        tpu.wait_dma2 semaphore(%run_scoped3A : memref<!tpu.dma_semaphore, #tpu.memory_space<semaphore_mem>>) src(%dma_wait3A_142 : memref<640x128xbf16, #tpu.memory_space<hbm>>) dst(%dma_wait3A_140 : memref<640x128xbf16, #tpu.memory_space<vmem_shared>>)
        tpu.yield
      }) : () -> ()
    } else {
    }
    %eq3A = arith.constant 15 : i32
    %eq3A_58 = arith.cmpi eq, %arg1, %eq3A : i32
    %convert_element_type3A_59 = arith.extui %eq3A_58 : i1 to i32
    %cond3A_60 = arith.constant 0 : i32
    %cond3A_61 = arith.cmpi ne, %convert_element_type3A_59, %cond3A_60 : i32
    scf.if %cond3A_61 {
      "tpu.region"() ({
        %run_scoped3A = tpu.sem_alloc : memref<!tpu.dma_semaphore, #tpu.memory_space<semaphore_mem>>
        %dma_start3A_133 = arith.constant 9600 : i32
        %dma_start3A_134 = arith.constant 0 : i32
        %dma_start3A_135 = tpu.memref_slice %arg16[%dma_start3A_133, %dma_start3A_134] : memref<10000x128xbf16, #tpu.memory_space<vmem_shared>> -> memref<400x128xbf16, #tpu.memory_space<vmem_shared>>
        %dma_start3A_136 = arith.constant 9600 : i32
        %dma_start3A_137 = arith.constant 0 : i32
        %dma_start3A_138 = tpu.memref_slice %arg2[%dma_start3A_136, %dma_start3A_137] : memref<10000x128xbf16, #tpu.memory_space<hbm>> -> memref<400x128xbf16, #tpu.memory_space<hbm>>
        tpu.enqueue_dma source(%dma_start3A_138 : memref<400x128xbf16, #tpu.memory_space<hbm>>) target(%dma_start3A_135 : memref<400x128xbf16, #tpu.memory_space<vmem_shared>>) target_semaphore(%run_scoped3A : memref<!tpu.dma_semaphore, #tpu.memory_space<semaphore_mem>>)
        %dma_wait3A_139 = arith.constant 9600 : i32
        %dma_wait3A_140 = arith.constant 0 : i32
        %dma_wait3A_141 = tpu.memref_slice %arg16[%dma_wait3A_139, %dma_wait3A_140] : memref<10000x128xbf16, #tpu.memory_space<vmem_shared>> -> memref<400x128xbf16, #tpu.memory_space<vmem_shared>>
        %dma_wait3A_142 = arith.constant 9600 : i32
        %dma_wait3A_143 = arith.constant 0 : i32
        %dma_wait3A_144 = tpu.memref_slice %arg2[%dma_wait3A_142, %dma_wait3A_143] : memref<10000x128xbf16, #tpu.memory_space<hbm>> -> memref<400x128xbf16, #tpu.memory_space<hbm>>
        tpu.wait_dma2 semaphore(%run_scoped3A : memref<!tpu.dma_semaphore, #tpu.memory_space<semaphore_mem>>) src(%dma_wait3A_144 : memref<400x128xbf16, #tpu.memory_space<hbm>>) dst(%dma_wait3A_141 : memref<400x128xbf16, #tpu.memory_space<vmem_shared>>)
        tpu.yield
      }) : () -> ()
    } else {
    }
    %barrier3A = arith.constant 0 : index
    tpu.barrier barrier_id(%barrier3A)
    %scan3A = arith.constant 0 : i32
    %scan3A_62 = arith.constant 0 : i32
    %scan3A_63 = arith.constant 10 : i32
    %scan3A_64 = arith.addi %scan3A_62, %scan3A_63 : i32
    %scan3A_65 = arith.constant 1 : i32
    scf.for %scan3A_133 = %scan3A_62 to %scan3A_64 step %scan3A_65  : i32 {
      %mul3A_134 = arith.constant 8 : i32
      %mul3A_135 = arith.muli %mul3A_134, %scan3A_133 : i32
      %add3A_136 = arith.constant 0 : i32
      %add3A_137 = arith.addi %mul3A_135, %add3A_136 : i32
      %add3A_138 = arith.constant 8 : i32
      %add3A_139 = arith.addi %add3A_137, %add3A_138 : i32
      %min3A = arith.constant 79 : i32
      %min3A_140 = arith.minsi %add3A_139, %min3A : i32
      %dma_wait3A_141 = arith.constant 0 : i32
      %dma_wait3A_142 = tpu.memref_slice %arg6[%add3A_137, %dma_wait3A_141] : memref<80x128xi32, #tpu.memory_space<vmem>> -> memref<1x128xi32, #tpu.memory_space<vmem>>
      %dma_wait3A_143 = tpu.memref_squeeze %dma_wait3A_142 : memref<1x128xi32, #tpu.memory_space<vmem>> -> memref<128xi32, #tpu.memory_space<vmem>>
      %dma_wait3A_144 = arith.constant 0 : i32
      %dma_wait3A_145 = arith.constant 0 : i32
      %dma_wait3A_146 = tpu.memref_slice %arg2[%dma_wait3A_144, %dma_wait3A_145] : memref<10000x128xbf16, #tpu.memory_space<hbm>> -> memref<10000x128xbf16, #tpu.memory_space<hbm>>
      tpu.wait_indirect_dma semaphore(%arg17 : memref<!tpu.dma_semaphore, #tpu.memory_space<semaphore_mem>>) src(%dma_wait3A_146 : memref<10000x128xbf16, #tpu.memory_space<hbm>>) dst(%arg8 : memref<128x128xbf16, #tpu.memory_space<vmem>>)
      "tpu.region"() ({
        %run_scoped3A = tpu.sem_alloc : memref<!tpu.dma_semaphore, #tpu.memory_space<semaphore_mem>>
        %dma_start3A_293 = arith.constant 0 : i32
        %dma_start3A_294 = tpu.memref_slice %arg7[%add3A_137, %dma_start3A_293] : memref<80x128xi32, #tpu.memory_space<vmem>> -> memref<1x128xi32, #tpu.memory_space<vmem>>
        %dma_start3A_295 = tpu.memref_squeeze %dma_start3A_294 : memref<1x128xi32, #tpu.memory_space<vmem>> -> memref<128xi32, #tpu.memory_space<vmem>>
        %dma_start3A_296 = arith.constant 0 : i32
        %dma_start3A_297 = arith.constant 0 : i32
        %dma_start3A_298 = tpu.memref_slice %arg16[%dma_start3A_296, %dma_start3A_297] : memref<10000x128xbf16, #tpu.memory_space<vmem_shared>> -> memref<10000x128xbf16, #tpu.memory_space<vmem_shared>>
        tpu.enqueue_indirect_dma source(%arg8 : memref<128x128xbf16, #tpu.memory_space<vmem>>) target(%dma_start3A_298 : memref<10000x128xbf16, #tpu.memory_space<vmem_shared>>) offsets(%dma_start3A_295 : memref<128xi32, #tpu.memory_space<vmem>>) semaphore(%run_scoped3A : memref<!tpu.dma_semaphore, #tpu.memory_space<semaphore_mem>>) {add = true}
        %dma_wait3A_299 = arith.constant 0 : i32
        %dma_wait3A_300 = tpu.memref_slice %arg7[%add3A_137, %dma_wait3A_299] : memref<80x128xi32, #tpu.memory_space<vmem>> -> memref<1x128xi32, #tpu.memory_space<vmem>>
        %dma_wait3A_301 = tpu.memref_squeeze %dma_wait3A_300 : memref<1x128xi32, #tpu.memory_space<vmem>> -> memref<128xi32, #tpu.memory_space<vmem>>
        %dma_wait3A_302 = arith.constant 0 : i32
        %dma_wait3A_303 = arith.constant 0 : i32
        %dma_wait3A_304 = tpu.memref_slice %arg16[%dma_wait3A_302, %dma_wait3A_303] : memref<10000x128xbf16, #tpu.memory_space<vmem_shared>> -> memref<10000x128xbf16, #tpu.memory_space<vmem_shared>>
        tpu.wait_indirect_dma semaphore(%run_scoped3A : memref<!tpu.dma_semaphore, #tpu.memory_space<semaphore_mem>>) src(%arg8 : memref<128x128xbf16, #tpu.memory_space<vmem>>) dst(%dma_wait3A_304 : memref<10000x128xbf16, #tpu.memory_space<vmem_shared>>)
        tpu.yield
      }) : () -> ()
      %dma_start3A_147 = arith.constant 0 : i32
      %dma_start3A_148 = tpu.memref_slice %arg6[%min3A_140, %dma_start3A_147] : memref<80x128xi32, #tpu.memory_space<vmem>> -> memref<1x128xi32, #tpu.memory_space<vmem>>
      %dma_start3A_149 = tpu.memref_squeeze %dma_start3A_148 : memref<1x128xi32, #tpu.memory_space<vmem>> -> memref<128xi32, #tpu.memory_space<vmem>>
      %dma_start3A_150 = arith.constant 0 : i32
      %dma_start3A_151 = arith.constant 0 : i32
      %dma_start3A_152 = tpu.memref_slice %arg2[%dma_start3A_150, %dma_start3A_151] : memref<10000x128xbf16, #tpu.memory_space<hbm>> -> memref<10000x128xbf16, #tpu.memory_space<hbm>>
      tpu.enqueue_indirect_dma source(%dma_start3A_152 : memref<10000x128xbf16, #tpu.memory_space<hbm>>) target(%arg8 : memref<128x128xbf16, #tpu.memory_space<vmem>>) offsets(%dma_start3A_149 : memref<128xi32, #tpu.memory_space<vmem>>) semaphore(%arg17 : memref<!tpu.dma_semaphore, #tpu.memory_space<semaphore_mem>>)
      %mul3A_153 = arith.constant 8 : i32
      %mul3A_154 = arith.muli %mul3A_153, %scan3A_133 : i32
      %add3A_155 = arith.constant 1 : i32
      %add3A_156 = arith.addi %mul3A_154, %add3A_155 : i32
      %add3A_157 = arith.constant 8 : i32
      %add3A_158 = arith.addi %add3A_156, %add3A_157 : i32
      %min3A_159 = arith.constant 79 : i32
      %min3A_160 = arith.minsi %add3A_158, %min3A_159 : i32
      %dma_wait3A_161 = arith.constant 0 : i32
      %dma_wait3A_162 = tpu.memref_slice %arg6[%add3A_156, %dma_wait3A_161] : memref<80x128xi32, #tpu.memory_space<vmem>> -> memref<1x128xi32, #tpu.memory_space<vmem>>
      %dma_wait3A_163 = tpu.memref_squeeze %dma_wait3A_162 : memref<1x128xi32, #tpu.memory_space<vmem>> -> memref<128xi32, #tpu.memory_space<vmem>>
      %dma_wait3A_164 = arith.constant 0 : i32
      %dma_wait3A_165 = arith.constant 0 : i32
      %dma_wait3A_166 = tpu.memref_slice %arg2[%dma_wait3A_164, %dma_wait3A_165] : memref<10000x128xbf16, #tpu.memory_space<hbm>> -> memref<10000x128xbf16, #tpu.memory_space<hbm>>
      tpu.wait_indirect_dma semaphore(%arg18 : memref<!tpu.dma_semaphore, #tpu.memory_space<semaphore_mem>>) src(%dma_wait3A_166 : memref<10000x128xbf16, #tpu.memory_space<hbm>>) dst(%arg9 : memref<128x128xbf16, #tpu.memory_space<vmem>>)
      "tpu.region"() ({
        %run_scoped3A = tpu.sem_alloc : memref<!tpu.dma_semaphore, #tpu.memory_space<semaphore_mem>>
        %dma_start3A_293 = arith.constant 0 : i32
        %dma_start3A_294 = tpu.memref_slice %arg7[%add3A_156, %dma_start3A_293] : memref<80x128xi32, #tpu.memory_space<vmem>> -> memref<1x128xi32, #tpu.memory_space<vmem>>
        %dma_start3A_295 = tpu.memref_squeeze %dma_start3A_294 : memref<1x128xi32, #tpu.memory_space<vmem>> -> memref<128xi32, #tpu.memory_space<vmem>>
        %dma_start3A_296 = arith.constant 0 : i32
        %dma_start3A_297 = arith.constant 0 : i32
        %dma_start3A_298 = tpu.memref_slice %arg16[%dma_start3A_296, %dma_start3A_297] : memref<10000x128xbf16, #tpu.memory_space<vmem_shared>> -> memref<10000x128xbf16, #tpu.memory_space<vmem_shared>>
        tpu.enqueue_indirect_dma source(%arg9 : memref<128x128xbf16, #tpu.memory_space<vmem>>) target(%dma_start3A_298 : memref<10000x128xbf16, #tpu.memory_space<vmem_shared>>) offsets(%dma_start3A_295 : memref<128xi32, #tpu.memory_space<vmem>>) semaphore(%run_scoped3A : memref<!tpu.dma_semaphore, #tpu.memory_space<semaphore_mem>>) {add = true}
        %dma_wait3A_299 = arith.constant 0 : i32
        %dma_wait3A_300 = tpu.memref_slice %arg7[%add3A_156, %dma_wait3A_299] : memref<80x128xi32, #tpu.memory_space<vmem>> -> memref<1x128xi32, #tpu.memory_space<vmem>>
        %dma_wait3A_301 = tpu.memref_squeeze %dma_wait3A_300 : memref<1x128xi32, #tpu.memory_space<vmem>> -> memref<128xi32, #tpu.memory_space<vmem>>
        %dma_wait3A_302 = arith.constant 0 : i32
        %dma_wait3A_303 = arith.constant 0 : i32
        %dma_wait3A_304 = tpu.memref_slice %arg16[%dma_wait3A_302, %dma_wait3A_303] : memref<10000x128xbf16, #tpu.memory_space<vmem_shared>> -> memref<10000x128xbf16, #tpu.memory_space<vmem_shared>>
        tpu.wait_indirect_dma semaphore(%run_scoped3A : memref<!tpu.dma_semaphore, #tpu.memory_space<semaphore_mem>>) src(%arg9 : memref<128x128xbf16, #tpu.memory_space<vmem>>) dst(%dma_wait3A_304 : memref<10000x128xbf16, #tpu.memory_space<vmem_shared>>)
        tpu.yield
      }) : () -> ()
      %dma_start3A_167 = arith.constant 0 : i32
      %dma_start3A_168 = tpu.memref_slice %arg6[%min3A_160, %dma_start3A_167] : memref<80x128xi32, #tpu.memory_space<vmem>> -> memref<1x128xi32, #tpu.memory_space<vmem>>
      %dma_start3A_169 = tpu.memref_squeeze %dma_start3A_168 : memref<1x128xi32, #tpu.memory_space<vmem>> -> memref<128xi32, #tpu.memory_space<vmem>>
      %dma_start3A_170 = arith.constant 0 : i32
      %dma_start3A_171 = arith.constant 0 : i32
      %dma_start3A_172 = tpu.memref_slice %arg2[%dma_start3A_170, %dma_start3A_171] : memref<10000x128xbf16, #tpu.memory_space<hbm>> -> memref<10000x128xbf16, #tpu.memory_space<hbm>>
      tpu.enqueue_indirect_dma source(%dma_start3A_172 : memref<10000x128xbf16, #tpu.memory_space<hbm>>) target(%arg9 : memref<128x128xbf16, #tpu.memory_space<vmem>>) offsets(%dma_start3A_169 : memref<128xi32, #tpu.memory_space<vmem>>) semaphore(%arg18 : memref<!tpu.dma_semaphore, #tpu.memory_space<semaphore_mem>>)
      %mul3A_173 = arith.constant 8 : i32
      %mul3A_174 = arith.muli %mul3A_173, %scan3A_133 : i32
      %add3A_175 = arith.constant 2 : i32
      %add3A_176 = arith.addi %mul3A_174, %add3A_175 : i32
      %add3A_177 = arith.constant 8 : i32
      %add3A_178 = arith.addi %add3A_176, %add3A_177 : i32
      %min3A_179 = arith.constant 79 : i32
      %min3A_180 = arith.minsi %add3A_178, %min3A_179 : i32
      %dma_wait3A_181 = arith.constant 0 : i32
      %dma_wait3A_182 = tpu.memref_slice %arg6[%add3A_176, %dma_wait3A_181] : memref<80x128xi32, #tpu.memory_space<vmem>> -> memref<1x128xi32, #tpu.memory_space<vmem>>
      %dma_wait3A_183 = tpu.memref_squeeze %dma_wait3A_182 : memref<1x128xi32, #tpu.memory_space<vmem>> -> memref<128xi32, #tpu.memory_space<vmem>>
      %dma_wait3A_184 = arith.constant 0 : i32
      %dma_wait3A_185 = arith.constant 0 : i32
      %dma_wait3A_186 = tpu.memref_slice %arg2[%dma_wait3A_184, %dma_wait3A_185] : memref<10000x128xbf16, #tpu.memory_space<hbm>> -> memref<10000x128xbf16, #tpu.memory_space<hbm>>
      tpu.wait_indirect_dma semaphore(%arg19 : memref<!tpu.dma_semaphore, #tpu.memory_space<semaphore_mem>>) src(%dma_wait3A_186 : memref<10000x128xbf16, #tpu.memory_space<hbm>>) dst(%arg10 : memref<128x128xbf16, #tpu.memory_space<vmem>>)
      "tpu.region"() ({
        %run_scoped3A = tpu.sem_alloc : memref<!tpu.dma_semaphore, #tpu.memory_space<semaphore_mem>>
        %dma_start3A_293 = arith.constant 0 : i32
        %dma_start3A_294 = tpu.memref_slice %arg7[%add3A_176, %dma_start3A_293] : memref<80x128xi32, #tpu.memory_space<vmem>> -> memref<1x128xi32, #tpu.memory_space<vmem>>
        %dma_start3A_295 = tpu.memref_squeeze %dma_start3A_294 : memref<1x128xi32, #tpu.memory_space<vmem>> -> memref<128xi32, #tpu.memory_space<vmem>>
        %dma_start3A_296 = arith.constant 0 : i32
        %dma_start3A_297 = arith.constant 0 : i32
        %dma_start3A_298 = tpu.memref_slice %arg16[%dma_start3A_296, %dma_start3A_297] : memref<10000x128xbf16, #tpu.memory_space<vmem_shared>> -> memref<10000x128xbf16, #tpu.memory_space<vmem_shared>>
        tpu.enqueue_indirect_dma source(%arg10 : memref<128x128xbf16, #tpu.memory_space<vmem>>) target(%dma_start3A_298 : memref<10000x128xbf16, #tpu.memory_space<vmem_shared>>) offsets(%dma_start3A_295 : memref<128xi32, #tpu.memory_space<vmem>>) semaphore(%run_scoped3A : memref<!tpu.dma_semaphore, #tpu.memory_space<semaphore_mem>>) {add = true}
        %dma_wait3A_299 = arith.constant 0 : i32
        %dma_wait3A_300 = tpu.memref_slice %arg7[%add3A_176, %dma_wait3A_299] : memref<80x128xi32, #tpu.memory_space<vmem>> -> memref<1x128xi32, #tpu.memory_space<vmem>>
        %dma_wait3A_301 = tpu.memref_squeeze %dma_wait3A_300 : memref<1x128xi32, #tpu.memory_space<vmem>> -> memref<128xi32, #tpu.memory_space<vmem>>
        %dma_wait3A_302 = arith.constant 0 : i32
        %dma_wait3A_303 = arith.constant 0 : i32
        %dma_wait3A_304 = tpu.memref_slice %arg16[%dma_wait3A_302, %dma_wait3A_303] : memref<10000x128xbf16, #tpu.memory_space<vmem_shared>> -> memref<10000x128xbf16, #tpu.memory_space<vmem_shared>>
        tpu.wait_indirect_dma semaphore(%run_scoped3A : memref<!tpu.dma_semaphore, #tpu.memory_space<semaphore_mem>>) src(%arg10 : memref<128x128xbf16, #tpu.memory_space<vmem>>) dst(%dma_wait3A_304 : memref<10000x128xbf16, #tpu.memory_space<vmem_shared>>)
        tpu.yield
      }) : () -> ()
      %dma_start3A_187 = arith.constant 0 : i32
      %dma_start3A_188 = tpu.memref_slice %arg6[%min3A_180, %dma_start3A_187] : memref<80x128xi32, #tpu.memory_space<vmem>> -> memref<1x128xi32, #tpu.memory_space<vmem>>
      %dma_start3A_189 = tpu.memref_squeeze %dma_start3A_188 : memref<1x128xi32, #tpu.memory_space<vmem>> -> memref<128xi32, #tpu.memory_space<vmem>>
      %dma_start3A_190 = arith.constant 0 : i32
      %dma_start3A_191 = arith.constant 0 : i32
      %dma_start3A_192 = tpu.memref_slice %arg2[%dma_start3A_190, %dma_start3A_191] : memref<10000x128xbf16, #tpu.memory_space<hbm>> -> memref<10000x128xbf16, #tpu.memory_space<hbm>>
      tpu.enqueue_indirect_dma source(%dma_start3A_192 : memref<10000x128xbf16, #tpu.memory_space<hbm>>) target(%arg10 : memref<128x128xbf16, #tpu.memory_space<vmem>>) offsets(%dma_start3A_189 : memref<128xi32, #tpu.memory_space<vmem>>) semaphore(%arg19 : memref<!tpu.dma_semaphore, #tpu.memory_space<semaphore_mem>>)
      %mul3A_193 = arith.constant 8 : i32
      %mul3A_194 = arith.muli %mul3A_193, %scan3A_133 : i32
      %add3A_195 = arith.constant 3 : i32
      %add3A_196 = arith.addi %mul3A_194, %add3A_195 : i32
      %add3A_197 = arith.constant 8 : i32
      %add3A_198 = arith.addi %add3A_196, %add3A_197 : i32
      %min3A_199 = arith.constant 79 : i32
      %min3A_200 = arith.minsi %add3A_198, %min3A_199 : i32
      %dma_wait3A_201 = arith.constant 0 : i32
      %dma_wait3A_202 = tpu.memref_slice %arg6[%add3A_196, %dma_wait3A_201] : memref<80x128xi32, #tpu.memory_space<vmem>> -> memref<1x128xi32, #tpu.memory_space<vmem>>
      %dma_wait3A_203 = tpu.memref_squeeze %dma_wait3A_202 : memref<1x128xi32, #tpu.memory_space<vmem>> -> memref<128xi32, #tpu.memory_space<vmem>>
      %dma_wait3A_204 = arith.constant 0 : i32
      %dma_wait3A_205 = arith.constant 0 : i32
      %dma_wait3A_206 = tpu.memref_slice %arg2[%dma_wait3A_204, %dma_wait3A_205] : memref<10000x128xbf16, #tpu.memory_space<hbm>> -> memref<10000x128xbf16, #tpu.memory_space<hbm>>
      tpu.wait_indirect_dma semaphore(%arg20 : memref<!tpu.dma_semaphore, #tpu.memory_space<semaphore_mem>>) src(%dma_wait3A_206 : memref<10000x128xbf16, #tpu.memory_space<hbm>>) dst(%arg11 : memref<128x128xbf16, #tpu.memory_space<vmem>>)
      "tpu.region"() ({
        %run_scoped3A = tpu.sem_alloc : memref<!tpu.dma_semaphore, #tpu.memory_space<semaphore_mem>>
        %dma_start3A_293 = arith.constant 0 : i32
        %dma_start3A_294 = tpu.memref_slice %arg7[%add3A_196, %dma_start3A_293] : memref<80x128xi32, #tpu.memory_space<vmem>> -> memref<1x128xi32, #tpu.memory_space<vmem>>
        %dma_start3A_295 = tpu.memref_squeeze %dma_start3A_294 : memref<1x128xi32, #tpu.memory_space<vmem>> -> memref<128xi32, #tpu.memory_space<vmem>>
        %dma_start3A_296 = arith.constant 0 : i32
        %dma_start3A_297 = arith.constant 0 : i32
        %dma_start3A_298 = tpu.memref_slice %arg16[%dma_start3A_296, %dma_start3A_297] : memref<10000x128xbf16, #tpu.memory_space<vmem_shared>> -> memref<10000x128xbf16, #tpu.memory_space<vmem_shared>>
        tpu.enqueue_indirect_dma source(%arg11 : memref<128x128xbf16, #tpu.memory_space<vmem>>) target(%dma_start3A_298 : memref<10000x128xbf16, #tpu.memory_space<vmem_shared>>) offsets(%dma_start3A_295 : memref<128xi32, #tpu.memory_space<vmem>>) semaphore(%run_scoped3A : memref<!tpu.dma_semaphore, #tpu.memory_space<semaphore_mem>>) {add = true}
        %dma_wait3A_299 = arith.constant 0 : i32
        %dma_wait3A_300 = tpu.memref_slice %arg7[%add3A_196, %dma_wait3A_299] : memref<80x128xi32, #tpu.memory_space<vmem>> -> memref<1x128xi32, #tpu.memory_space<vmem>>
        %dma_wait3A_301 = tpu.memref_squeeze %dma_wait3A_300 : memref<1x128xi32, #tpu.memory_space<vmem>> -> memref<128xi32, #tpu.memory_space<vmem>>
        %dma_wait3A_302 = arith.constant 0 : i32
        %dma_wait3A_303 = arith.constant 0 : i32
        %dma_wait3A_304 = tpu.memref_slice %arg16[%dma_wait3A_302, %dma_wait3A_303] : memref<10000x128xbf16, #tpu.memory_space<vmem_shared>> -> memref<10000x128xbf16, #tpu.memory_space<vmem_shared>>
        tpu.wait_indirect_dma semaphore(%run_scoped3A : memref<!tpu.dma_semaphore, #tpu.memory_space<semaphore_mem>>) src(%arg11 : memref<128x128xbf16, #tpu.memory_space<vmem>>) dst(%dma_wait3A_304 : memref<10000x128xbf16, #tpu.memory_space<vmem_shared>>)
        tpu.yield
      }) : () -> ()
      %dma_start3A_207 = arith.constant 0 : i32
      %dma_start3A_208 = tpu.memref_slice %arg6[%min3A_200, %dma_start3A_207] : memref<80x128xi32, #tpu.memory_space<vmem>> -> memref<1x128xi32, #tpu.memory_space<vmem>>
      %dma_start3A_209 = tpu.memref_squeeze %dma_start3A_208 : memref<1x128xi32, #tpu.memory_space<vmem>> -> memref<128xi32, #tpu.memory_space<vmem>>
      %dma_start3A_210 = arith.constant 0 : i32
      %dma_start3A_211 = arith.constant 0 : i32
      %dma_start3A_212 = tpu.memref_slice %arg2[%dma_start3A_210, %dma_start3A_211] : memref<10000x128xbf16, #tpu.memory_space<hbm>> -> memref<10000x128xbf16, #tpu.memory_space<hbm>>
      tpu.enqueue_indirect_dma source(%dma_start3A_212 : memref<10000x128xbf16, #tpu.memory_space<hbm>>) target(%arg11 : memref<128x128xbf16, #tpu.memory_space<vmem>>) offsets(%dma_start3A_209 : memref<128xi32, #tpu.memory_space<vmem>>) semaphore(%arg20 : memref<!tpu.dma_semaphore, #tpu.memory_space<semaphore_mem>>)
      %mul3A_213 = arith.constant 8 : i32
      %mul3A_214 = arith.muli %mul3A_213, %scan3A_133 : i32
      %add3A_215 = arith.constant 4 : i32
      %add3A_216 = arith.addi %mul3A_214, %add3A_215 : i32
      %add3A_217 = arith.constant 8 : i32
      %add3A_218 = arith.addi %add3A_216, %add3A_217 : i32
      %min3A_219 = arith.constant 79 : i32
      %min3A_220 = arith.minsi %add3A_218, %min3A_219 : i32
      %dma_wait3A_221 = arith.constant 0 : i32
      %dma_wait3A_222 = tpu.memref_slice %arg6[%add3A_216, %dma_wait3A_221] : memref<80x128xi32, #tpu.memory_space<vmem>> -> memref<1x128xi32, #tpu.memory_space<vmem>>
      %dma_wait3A_223 = tpu.memref_squeeze %dma_wait3A_222 : memref<1x128xi32, #tpu.memory_space<vmem>> -> memref<128xi32, #tpu.memory_space<vmem>>
      %dma_wait3A_224 = arith.constant 0 : i32
      %dma_wait3A_225 = arith.constant 0 : i32
      %dma_wait3A_226 = tpu.memref_slice %arg2[%dma_wait3A_224, %dma_wait3A_225] : memref<10000x128xbf16, #tpu.memory_space<hbm>> -> memref<10000x128xbf16, #tpu.memory_space<hbm>>
      tpu.wait_indirect_dma semaphore(%arg21 : memref<!tpu.dma_semaphore, #tpu.memory_space<semaphore_mem>>) src(%dma_wait3A_226 : memref<10000x128xbf16, #tpu.memory_space<hbm>>) dst(%arg12 : memref<128x128xbf16, #tpu.memory_space<vmem>>)
      "tpu.region"() ({
        %run_scoped3A = tpu.sem_alloc : memref<!tpu.dma_semaphore, #tpu.memory_space<semaphore_mem>>
        %dma_start3A_293 = arith.constant 0 : i32
        %dma_start3A_294 = tpu.memref_slice %arg7[%add3A_216, %dma_start3A_293] : memref<80x128xi32, #tpu.memory_space<vmem>> -> memref<1x128xi32, #tpu.memory_space<vmem>>
        %dma_start3A_295 = tpu.memref_squeeze %dma_start3A_294 : memref<1x128xi32, #tpu.memory_space<vmem>> -> memref<128xi32, #tpu.memory_space<vmem>>
        %dma_start3A_296 = arith.constant 0 : i32
        %dma_start3A_297 = arith.constant 0 : i32
        %dma_start3A_298 = tpu.memref_slice %arg16[%dma_start3A_296, %dma_start3A_297] : memref<10000x128xbf16, #tpu.memory_space<vmem_shared>> -> memref<10000x128xbf16, #tpu.memory_space<vmem_shared>>
        tpu.enqueue_indirect_dma source(%arg12 : memref<128x128xbf16, #tpu.memory_space<vmem>>) target(%dma_start3A_298 : memref<10000x128xbf16, #tpu.memory_space<vmem_shared>>) offsets(%dma_start3A_295 : memref<128xi32, #tpu.memory_space<vmem>>) semaphore(%run_scoped3A : memref<!tpu.dma_semaphore, #tpu.memory_space<semaphore_mem>>) {add = true}
        %dma_wait3A_299 = arith.constant 0 : i32
        %dma_wait3A_300 = tpu.memref_slice %arg7[%add3A_216, %dma_wait3A_299] : memref<80x128xi32, #tpu.memory_space<vmem>> -> memref<1x128xi32, #tpu.memory_space<vmem>>
        %dma_wait3A_301 = tpu.memref_squeeze %dma_wait3A_300 : memref<1x128xi32, #tpu.memory_space<vmem>> -> memref<128xi32, #tpu.memory_space<vmem>>
        %dma_wait3A_302 = arith.constant 0 : i32
        %dma_wait3A_303 = arith.constant 0 : i32
        %dma_wait3A_304 = tpu.memref_slice %arg16[%dma_wait3A_302, %dma_wait3A_303] : memref<10000x128xbf16, #tpu.memory_space<vmem_shared>> -> memref<10000x128xbf16, #tpu.memory_space<vmem_shared>>
        tpu.wait_indirect_dma semaphore(%run_scoped3A : memref<!tpu.dma_semaphore, #tpu.memory_space<semaphore_mem>>) src(%arg12 : memref<128x128xbf16, #tpu.memory_space<vmem>>) dst(%dma_wait3A_304 : memref<10000x128xbf16, #tpu.memory_space<vmem_shared>>)
        tpu.yield
      }) : () -> ()
      %dma_start3A_227 = arith.constant 0 : i32
      %dma_start3A_228 = tpu.memref_slice %arg6[%min3A_220, %dma_start3A_227] : memref<80x128xi32, #tpu.memory_space<vmem>> -> memref<1x128xi32, #tpu.memory_space<vmem>>
      %dma_start3A_229 = tpu.memref_squeeze %dma_start3A_228 : memref<1x128xi32, #tpu.memory_space<vmem>> -> memref<128xi32, #tpu.memory_space<vmem>>
      %dma_start3A_230 = arith.constant 0 : i32
      %dma_start3A_231 = arith.constant 0 : i32
      %dma_start3A_232 = tpu.memref_slice %arg2[%dma_start3A_230, %dma_start3A_231] : memref<10000x128xbf16, #tpu.memory_space<hbm>> -> memref<10000x128xbf16, #tpu.memory_space<hbm>>
      tpu.enqueue_indirect_dma source(%dma_start3A_232 : memref<10000x128xbf16, #tpu.memory_space<hbm>>) target(%arg12 : memref<128x128xbf16, #tpu.memory_space<vmem>>) offsets(%dma_start3A_229 : memref<128xi32, #tpu.memory_space<vmem>>) semaphore(%arg21 : memref<!tpu.dma_semaphore, #tpu.memory_space<semaphore_mem>>)
      %mul3A_233 = arith.constant 8 : i32
      %mul3A_234 = arith.muli %mul3A_233, %scan3A_133 : i32
      %add3A_235 = arith.constant 5 : i32
      %add3A_236 = arith.addi %mul3A_234, %add3A_235 : i32
      %add3A_237 = arith.constant 8 : i32
      %add3A_238 = arith.addi %add3A_236, %add3A_237 : i32
      %min3A_239 = arith.constant 79 : i32
      %min3A_240 = arith.minsi %add3A_238, %min3A_239 : i32
      %dma_wait3A_241 = arith.constant 0 : i32
      %dma_wait3A_242 = tpu.memref_slice %arg6[%add3A_236, %dma_wait3A_241] : memref<80x128xi32, #tpu.memory_space<vmem>> -> memref<1x128xi32, #tpu.memory_space<vmem>>
      %dma_wait3A_243 = tpu.memref_squeeze %dma_wait3A_242 : memref<1x128xi32, #tpu.memory_space<vmem>> -> memref<128xi32, #tpu.memory_space<vmem>>
      %dma_wait3A_244 = arith.constant 0 : i32
      %dma_wait3A_245 = arith.constant 0 : i32
      %dma_wait3A_246 = tpu.memref_slice %arg2[%dma_wait3A_244, %dma_wait3A_245] : memref<10000x128xbf16, #tpu.memory_space<hbm>> -> memref<10000x128xbf16, #tpu.memory_space<hbm>>
      tpu.wait_indirect_dma semaphore(%arg22 : memref<!tpu.dma_semaphore, #tpu.memory_space<semaphore_mem>>) src(%dma_wait3A_246 : memref<10000x128xbf16, #tpu.memory_space<hbm>>) dst(%arg13 : memref<128x128xbf16, #tpu.memory_space<vmem>>)
      "tpu.region"() ({
        %run_scoped3A = tpu.sem_alloc : memref<!tpu.dma_semaphore, #tpu.memory_space<semaphore_mem>>
        %dma_start3A_293 = arith.constant 0 : i32
        %dma_start3A_294 = tpu.memref_slice %arg7[%add3A_236, %dma_start3A_293] : memref<80x128xi32, #tpu.memory_space<vmem>> -> memref<1x128xi32, #tpu.memory_space<vmem>>
        %dma_start3A_295 = tpu.memref_squeeze %dma_start3A_294 : memref<1x128xi32, #tpu.memory_space<vmem>> -> memref<128xi32, #tpu.memory_space<vmem>>
        %dma_start3A_296 = arith.constant 0 : i32
        %dma_start3A_297 = arith.constant 0 : i32
        %dma_start3A_298 = tpu.memref_slice %arg16[%dma_start3A_296, %dma_start3A_297] : memref<10000x128xbf16, #tpu.memory_space<vmem_shared>> -> memref<10000x128xbf16, #tpu.memory_space<vmem_shared>>
        tpu.enqueue_indirect_dma source(%arg13 : memref<128x128xbf16, #tpu.memory_space<vmem>>) target(%dma_start3A_298 : memref<10000x128xbf16, #tpu.memory_space<vmem_shared>>) offsets(%dma_start3A_295 : memref<128xi32, #tpu.memory_space<vmem>>) semaphore(%run_scoped3A : memref<!tpu.dma_semaphore, #tpu.memory_space<semaphore_mem>>) {add = true}
        %dma_wait3A_299 = arith.constant 0 : i32
        %dma_wait3A_300 = tpu.memref_slice %arg7[%add3A_236, %dma_wait3A_299] : memref<80x128xi32, #tpu.memory_space<vmem>> -> memref<1x128xi32, #tpu.memory_space<vmem>>
        %dma_wait3A_301 = tpu.memref_squeeze %dma_wait3A_300 : memref<1x128xi32, #tpu.memory_space<vmem>> -> memref<128xi32, #tpu.memory_space<vmem>>
        %dma_wait3A_302 = arith.constant 0 : i32
        %dma_wait3A_303 = arith.constant 0 : i32
        %dma_wait3A_304 = tpu.memref_slice %arg16[%dma_wait3A_302, %dma_wait3A_303] : memref<10000x128xbf16, #tpu.memory_space<vmem_shared>> -> memref<10000x128xbf16, #tpu.memory_space<vmem_shared>>
        tpu.wait_indirect_dma semaphore(%run_scoped3A : memref<!tpu.dma_semaphore, #tpu.memory_space<semaphore_mem>>) src(%arg13 : memref<128x128xbf16, #tpu.memory_space<vmem>>) dst(%dma_wait3A_304 : memref<10000x128xbf16, #tpu.memory_space<vmem_shared>>)
        tpu.yield
      }) : () -> ()
      %dma_start3A_247 = arith.constant 0 : i32
      %dma_start3A_248 = tpu.memref_slice %arg6[%min3A_240, %dma_start3A_247] : memref<80x128xi32, #tpu.memory_space<vmem>> -> memref<1x128xi32, #tpu.memory_space<vmem>>
      %dma_start3A_249 = tpu.memref_squeeze %dma_start3A_248 : memref<1x128xi32, #tpu.memory_space<vmem>> -> memref<128xi32, #tpu.memory_space<vmem>>
      %dma_start3A_250 = arith.constant 0 : i32
      %dma_start3A_251 = arith.constant 0 : i32
      %dma_start3A_252 = tpu.memref_slice %arg2[%dma_start3A_250, %dma_start3A_251] : memref<10000x128xbf16, #tpu.memory_space<hbm>> -> memref<10000x128xbf16, #tpu.memory_space<hbm>>
      tpu.enqueue_indirect_dma source(%dma_start3A_252 : memref<10000x128xbf16, #tpu.memory_space<hbm>>) target(%arg13 : memref<128x128xbf16, #tpu.memory_space<vmem>>) offsets(%dma_start3A_249 : memref<128xi32, #tpu.memory_space<vmem>>) semaphore(%arg22 : memref<!tpu.dma_semaphore, #tpu.memory_space<semaphore_mem>>)
      %mul3A_253 = arith.constant 8 : i32
      %mul3A_254 = arith.muli %mul3A_253, %scan3A_133 : i32
      %add3A_255 = arith.constant 6 : i32
      %add3A_256 = arith.addi %mul3A_254, %add3A_255 : i32
      %add3A_257 = arith.constant 8 : i32
      %add3A_258 = arith.addi %add3A_256, %add3A_257 : i32
      %min3A_259 = arith.constant 79 : i32
      %min3A_260 = arith.minsi %add3A_258, %min3A_259 : i32
      %dma_wait3A_261 = arith.constant 0 : i32
      %dma_wait3A_262 = tpu.memref_slice %arg6[%add3A_256, %dma_wait3A_261] : memref<80x128xi32, #tpu.memory_space<vmem>> -> memref<1x128xi32, #tpu.memory_space<vmem>>
      %dma_wait3A_263 = tpu.memref_squeeze %dma_wait3A_262 : memref<1x128xi32, #tpu.memory_space<vmem>> -> memref<128xi32, #tpu.memory_space<vmem>>
      %dma_wait3A_264 = arith.constant 0 : i32
      %dma_wait3A_265 = arith.constant 0 : i32
      %dma_wait3A_266 = tpu.memref_slice %arg2[%dma_wait3A_264, %dma_wait3A_265] : memref<10000x128xbf16, #tpu.memory_space<hbm>> -> memref<10000x128xbf16, #tpu.memory_space<hbm>>
      tpu.wait_indirect_dma semaphore(%arg23 : memref<!tpu.dma_semaphore, #tpu.memory_space<semaphore_mem>>) src(%dma_wait3A_266 : memref<10000x128xbf16, #tpu.memory_space<hbm>>) dst(%arg14 : memref<128x128xbf16, #tpu.memory_space<vmem>>)
      "tpu.region"() ({
        %run_scoped3A = tpu.sem_alloc : memref<!tpu.dma_semaphore, #tpu.memory_space<semaphore_mem>>
        %dma_start3A_293 = arith.constant 0 : i32
        %dma_start3A_294 = tpu.memref_slice %arg7[%add3A_256, %dma_start3A_293] : memref<80x128xi32, #tpu.memory_space<vmem>> -> memref<1x128xi32, #tpu.memory_space<vmem>>
        %dma_start3A_295 = tpu.memref_squeeze %dma_start3A_294 : memref<1x128xi32, #tpu.memory_space<vmem>> -> memref<128xi32, #tpu.memory_space<vmem>>
        %dma_start3A_296 = arith.constant 0 : i32
        %dma_start3A_297 = arith.constant 0 : i32
        %dma_start3A_298 = tpu.memref_slice %arg16[%dma_start3A_296, %dma_start3A_297] : memref<10000x128xbf16, #tpu.memory_space<vmem_shared>> -> memref<10000x128xbf16, #tpu.memory_space<vmem_shared>>
        tpu.enqueue_indirect_dma source(%arg14 : memref<128x128xbf16, #tpu.memory_space<vmem>>) target(%dma_start3A_298 : memref<10000x128xbf16, #tpu.memory_space<vmem_shared>>) offsets(%dma_start3A_295 : memref<128xi32, #tpu.memory_space<vmem>>) semaphore(%run_scoped3A : memref<!tpu.dma_semaphore, #tpu.memory_space<semaphore_mem>>) {add = true}
        %dma_wait3A_299 = arith.constant 0 : i32
        %dma_wait3A_300 = tpu.memref_slice %arg7[%add3A_256, %dma_wait3A_299] : memref<80x128xi32, #tpu.memory_space<vmem>> -> memref<1x128xi32, #tpu.memory_space<vmem>>
        %dma_wait3A_301 = tpu.memref_squeeze %dma_wait3A_300 : memref<1x128xi32, #tpu.memory_space<vmem>> -> memref<128xi32, #tpu.memory_space<vmem>>
        %dma_wait3A_302 = arith.constant 0 : i32
        %dma_wait3A_303 = arith.constant 0 : i32
        %dma_wait3A_304 = tpu.memref_slice %arg16[%dma_wait3A_302, %dma_wait3A_303] : memref<10000x128xbf16, #tpu.memory_space<vmem_shared>> -> memref<10000x128xbf16, #tpu.memory_space<vmem_shared>>
        tpu.wait_indirect_dma semaphore(%run_scoped3A : memref<!tpu.dma_semaphore, #tpu.memory_space<semaphore_mem>>) src(%arg14 : memref<128x128xbf16, #tpu.memory_space<vmem>>) dst(%dma_wait3A_304 : memref<10000x128xbf16, #tpu.memory_space<vmem_shared>>)
        tpu.yield
      }) : () -> ()
      %dma_start3A_267 = arith.constant 0 : i32
      %dma_start3A_268 = tpu.memref_slice %arg6[%min3A_260, %dma_start3A_267] : memref<80x128xi32, #tpu.memory_space<vmem>> -> memref<1x128xi32, #tpu.memory_space<vmem>>
      %dma_start3A_269 = tpu.memref_squeeze %dma_start3A_268 : memref<1x128xi32, #tpu.memory_space<vmem>> -> memref<128xi32, #tpu.memory_space<vmem>>
      %dma_start3A_270 = arith.constant 0 : i32
      %dma_start3A_271 = arith.constant 0 : i32
      %dma_start3A_272 = tpu.memref_slice %arg2[%dma_start3A_270, %dma_start3A_271] : memref<10000x128xbf16, #tpu.memory_space<hbm>> -> memref<10000x128xbf16, #tpu.memory_space<hbm>>
      tpu.enqueue_indirect_dma source(%dma_start3A_272 : memref<10000x128xbf16, #tpu.memory_space<hbm>>) target(%arg14 : memref<128x128xbf16, #tpu.memory_space<vmem>>) offsets(%dma_start3A_269 : memref<128xi32, #tpu.memory_space<vmem>>) semaphore(%arg23 : memref<!tpu.dma_semaphore, #tpu.memory_space<semaphore_mem>>)
      %mul3A_273 = arith.constant 8 : i32
      %mul3A_274 = arith.muli %mul3A_273, %scan3A_133 : i32
      %add3A_275 = arith.constant 7 : i32
      %add3A_276 = arith.addi %mul3A_274, %add3A_275 : i32
      %add3A_277 = arith.constant 8 : i32
      %add3A_278 = arith.addi %add3A_276, %add3A_277 : i32
      %min3A_279 = arith.constant 79 : i32
      %min3A_280 = arith.minsi %add3A_278, %min3A_279 : i32
      %dma_wait3A_281 = arith.constant 0 : i32
      %dma_wait3A_282 = tpu.memref_slice %arg6[%add3A_276, %dma_wait3A_281] : memref<80x128xi32, #tpu.memory_space<vmem>> -> memref<1x128xi32, #tpu.memory_space<vmem>>
      %dma_wait3A_283 = tpu.memref_squeeze %dma_wait3A_282 : memref<1x128xi32, #tpu.memory_space<vmem>> -> memref<128xi32, #tpu.memory_space<vmem>>
      %dma_wait3A_284 = arith.constant 0 : i32
      %dma_wait3A_285 = arith.constant 0 : i32
      %dma_wait3A_286 = tpu.memref_slice %arg2[%dma_wait3A_284, %dma_wait3A_285] : memref<10000x128xbf16, #tpu.memory_space<hbm>> -> memref<10000x128xbf16, #tpu.memory_space<hbm>>
      tpu.wait_indirect_dma semaphore(%arg24 : memref<!tpu.dma_semaphore, #tpu.memory_space<semaphore_mem>>) src(%dma_wait3A_286 : memref<10000x128xbf16, #tpu.memory_space<hbm>>) dst(%arg15 : memref<128x128xbf16, #tpu.memory_space<vmem>>)
      "tpu.region"() ({
        %run_scoped3A = tpu.sem_alloc : memref<!tpu.dma_semaphore, #tpu.memory_space<semaphore_mem>>
        %dma_start3A_293 = arith.constant 0 : i32
        %dma_start3A_294 = tpu.memref_slice %arg7[%add3A_276, %dma_start3A_293] : memref<80x128xi32, #tpu.memory_space<vmem>> -> memref<1x128xi32, #tpu.memory_space<vmem>>
        %dma_start3A_295 = tpu.memref_squeeze %dma_start3A_294 : memref<1x128xi32, #tpu.memory_space<vmem>> -> memref<128xi32, #tpu.memory_space<vmem>>
        %dma_start3A_296 = arith.constant 0 : i32
        %dma_start3A_297 = arith.constant 0 : i32
        %dma_start3A_298 = tpu.memref_slice %arg16[%dma_start3A_296, %dma_start3A_297] : memref<10000x128xbf16, #tpu.memory_space<vmem_shared>> -> memref<10000x128xbf16, #tpu.memory_space<vmem_shared>>
        tpu.enqueue_indirect_dma source(%arg15 : memref<128x128xbf16, #tpu.memory_space<vmem>>) target(%dma_start3A_298 : memref<10000x128xbf16, #tpu.memory_space<vmem_shared>>) offsets(%dma_start3A_295 : memref<128xi32, #tpu.memory_space<vmem>>) semaphore(%run_scoped3A : memref<!tpu.dma_semaphore, #tpu.memory_space<semaphore_mem>>) {add = true}
        %dma_wait3A_299 = arith.constant 0 : i32
        %dma_wait3A_300 = tpu.memref_slice %arg7[%add3A_276, %dma_wait3A_299] : memref<80x128xi32, #tpu.memory_space<vmem>> -> memref<1x128xi32, #tpu.memory_space<vmem>>
        %dma_wait3A_301 = tpu.memref_squeeze %dma_wait3A_300 : memref<1x128xi32, #tpu.memory_space<vmem>> -> memref<128xi32, #tpu.memory_space<vmem>>
        %dma_wait3A_302 = arith.constant 0 : i32
        %dma_wait3A_303 = arith.constant 0 : i32
        %dma_wait3A_304 = tpu.memref_slice %arg16[%dma_wait3A_302, %dma_wait3A_303] : memref<10000x128xbf16, #tpu.memory_space<vmem_shared>> -> memref<10000x128xbf16, #tpu.memory_space<vmem_shared>>
        tpu.wait_indirect_dma semaphore(%run_scoped3A : memref<!tpu.dma_semaphore, #tpu.memory_space<semaphore_mem>>) src(%arg15 : memref<128x128xbf16, #tpu.memory_space<vmem>>) dst(%dma_wait3A_304 : memref<10000x128xbf16, #tpu.memory_space<vmem_shared>>)
        tpu.yield
      }) : () -> ()
      %dma_start3A_287 = arith.constant 0 : i32
      %dma_start3A_288 = tpu.memref_slice %arg6[%min3A_280, %dma_start3A_287] : memref<80x128xi32, #tpu.memory_space<vmem>> -> memref<1x128xi32, #tpu.memory_space<vmem>>
      %dma_start3A_289 = tpu.memref_squeeze %dma_start3A_288 : memref<1x128xi32, #tpu.memory_space<vmem>> -> memref<128xi32, #tpu.memory_space<vmem>>
      %dma_start3A_290 = arith.constant 0 : i32
      %dma_start3A_291 = arith.constant 0 : i32
      %dma_start3A_292 = tpu.memref_slice %arg2[%dma_start3A_290, %dma_start3A_291] : memref<10000x128xbf16, #tpu.memory_space<hbm>> -> memref<10000x128xbf16, #tpu.memory_space<hbm>>
      tpu.enqueue_indirect_dma source(%dma_start3A_292 : memref<10000x128xbf16, #tpu.memory_space<hbm>>) target(%arg15 : memref<128x128xbf16, #tpu.memory_space<vmem>>) offsets(%dma_start3A_289 : memref<128xi32, #tpu.memory_space<vmem>>) semaphore(%arg24 : memref<!tpu.dma_semaphore, #tpu.memory_space<semaphore_mem>>)
    }
    %scan3A_66 = arith.constant 10 : i32
    %dma_wait3A = arith.constant 0 : i32
    %dma_wait3A_67 = arith.constant 0 : i32
    %dma_wait3A_68 = tpu.memref_slice %arg6[%dma_wait3A, %dma_wait3A_67] : memref<80x128xi32, #tpu.memory_space<vmem>> -> memref<1x128xi32, #tpu.memory_space<vmem>>
    %dma_wait3A_69 = tpu.memref_squeeze %dma_wait3A_68 : memref<1x128xi32, #tpu.memory_space<vmem>> -> memref<128xi32, #tpu.memory_space<vmem>>
    %dma_wait3A_70 = arith.constant 0 : i32
    %dma_wait3A_71 = arith.constant 0 : i32
    %dma_wait3A_72 = tpu.memref_slice %arg2[%dma_wait3A_70, %dma_wait3A_71] : memref<10000x128xbf16, #tpu.memory_space<hbm>> -> memref<10000x128xbf16, #tpu.memory_space<hbm>>
    tpu.wait_indirect_dma semaphore(%arg17 : memref<!tpu.dma_semaphore, #tpu.memory_space<semaphore_mem>>) src(%dma_wait3A_72 : memref<10000x128xbf16, #tpu.memory_space<hbm>>) dst(%arg8 : memref<128x128xbf16, #tpu.memory_space<vmem>>)
    %dma_wait3A_73 = arith.constant 0 : i32
    %dma_wait3A_74 = arith.constant 0 : i32
    %dma_wait3A_75 = tpu.memref_slice %arg6[%dma_wait3A_73, %dma_wait3A_74] : memref<80x128xi32, #tpu.memory_space<vmem>> -> memref<1x128xi32, #tpu.memory_space<vmem>>
    %dma_wait3A_76 = tpu.memref_squeeze %dma_wait3A_75 : memref<1x128xi32, #tpu.memory_space<vmem>> -> memref<128xi32, #tpu.memory_space<vmem>>
    %dma_wait3A_77 = arith.constant 0 : i32
    %dma_wait3A_78 = arith.constant 0 : i32
    %dma_wait3A_79 = tpu.memref_slice %arg2[%dma_wait3A_77, %dma_wait3A_78] : memref<10000x128xbf16, #tpu.memory_space<hbm>> -> memref<10000x128xbf16, #tpu.memory_space<hbm>>
    tpu.wait_indirect_dma semaphore(%arg18 : memref<!tpu.dma_semaphore, #tpu.memory_space<semaphore_mem>>) src(%dma_wait3A_79 : memref<10000x128xbf16, #tpu.memory_space<hbm>>) dst(%arg9 : memref<128x128xbf16, #tpu.memory_space<vmem>>)
    %dma_wait3A_80 = arith.constant 0 : i32
    %dma_wait3A_81 = arith.constant 0 : i32
    %dma_wait3A_82 = tpu.memref_slice %arg6[%dma_wait3A_80, %dma_wait3A_81] : memref<80x128xi32, #tpu.memory_space<vmem>> -> memref<1x128xi32, #tpu.memory_space<vmem>>
    %dma_wait3A_83 = tpu.memref_squeeze %dma_wait3A_82 : memref<1x128xi32, #tpu.memory_space<vmem>> -> memref<128xi32, #tpu.memory_space<vmem>>
    %dma_wait3A_84 = arith.constant 0 : i32
    %dma_wait3A_85 = arith.constant 0 : i32
    %dma_wait3A_86 = tpu.memref_slice %arg2[%dma_wait3A_84, %dma_wait3A_85] : memref<10000x128xbf16, #tpu.memory_space<hbm>> -> memref<10000x128xbf16, #tpu.memory_space<hbm>>
    tpu.wait_indirect_dma semaphore(%arg19 : memref<!tpu.dma_semaphore, #tpu.memory_space<semaphore_mem>>) src(%dma_wait3A_86 : memref<10000x128xbf16, #tpu.memory_space<hbm>>) dst(%arg10 : memref<128x128xbf16, #tpu.memory_space<vmem>>)
    %dma_wait3A_87 = arith.constant 0 : i32
    %dma_wait3A_88 = arith.constant 0 : i32
    %dma_wait3A_89 = tpu.memref_slice %arg6[%dma_wait3A_87, %dma_wait3A_88] : memref<80x128xi32, #tpu.memory_space<vmem>> -> memref<1x128xi32, #tpu.memory_space<vmem>>
    %dma_wait3A_90 = tpu.memref_squeeze %dma_wait3A_89 : memref<1x128xi32, #tpu.memory_space<vmem>> -> memref<128xi32, #tpu.memory_space<vmem>>
    %dma_wait3A_91 = arith.constant 0 : i32
    %dma_wait3A_92 = arith.constant 0 : i32
    %dma_wait3A_93 = tpu.memref_slice %arg2[%dma_wait3A_91, %dma_wait3A_92] : memref<10000x128xbf16, #tpu.memory_space<hbm>> -> memref<10000x128xbf16, #tpu.memory_space<hbm>>
    tpu.wait_indirect_dma semaphore(%arg20 : memref<!tpu.dma_semaphore, #tpu.memory_space<semaphore_mem>>) src(%dma_wait3A_93 : memref<10000x128xbf16, #tpu.memory_space<hbm>>) dst(%arg11 : memref<128x128xbf16, #tpu.memory_space<vmem>>)
    %dma_wait3A_94 = arith.constant 0 : i32
    %dma_wait3A_95 = arith.constant 0 : i32
    %dma_wait3A_96 = tpu.memref_slice %arg6[%dma_wait3A_94, %dma_wait3A_95] : memref<80x128xi32, #tpu.memory_space<vmem>> -> memref<1x128xi32, #tpu.memory_space<vmem>>
    %dma_wait3A_97 = tpu.memref_squeeze %dma_wait3A_96 : memref<1x128xi32, #tpu.memory_space<vmem>> -> memref<128xi32, #tpu.memory_space<vmem>>
    %dma_wait3A_98 = arith.constant 0 : i32
    %dma_wait3A_99 = arith.constant 0 : i32
    %dma_wait3A_100 = tpu.memref_slice %arg2[%dma_wait3A_98, %dma_wait3A_99] : memref<10000x128xbf16, #tpu.memory_space<hbm>> -> memref<10000x128xbf16, #tpu.memory_space<hbm>>
    tpu.wait_indirect_dma semaphore(%arg21 : memref<!tpu.dma_semaphore, #tpu.memory_space<semaphore_mem>>) src(%dma_wait3A_100 : memref<10000x128xbf16, #tpu.memory_space<hbm>>) dst(%arg12 : memref<128x128xbf16, #tpu.memory_space<vmem>>)
    %dma_wait3A_101 = arith.constant 0 : i32
    %dma_wait3A_102 = arith.constant 0 : i32
    %dma_wait3A_103 = tpu.memref_slice %arg6[%dma_wait3A_101, %dma_wait3A_102] : memref<80x128xi32, #tpu.memory_space<vmem>> -> memref<1x128xi32, #tpu.memory_space<vmem>>
    %dma_wait3A_104 = tpu.memref_squeeze %dma_wait3A_103 : memref<1x128xi32, #tpu.memory_space<vmem>> -> memref<128xi32, #tpu.memory_space<vmem>>
    %dma_wait3A_105 = arith.constant 0 : i32
    %dma_wait3A_106 = arith.constant 0 : i32
    %dma_wait3A_107 = tpu.memref_slice %arg2[%dma_wait3A_105, %dma_wait3A_106] : memref<10000x128xbf16, #tpu.memory_space<hbm>> -> memref<10000x128xbf16, #tpu.memory_space<hbm>>
    tpu.wait_indirect_dma semaphore(%arg22 : memref<!tpu.dma_semaphore, #tpu.memory_space<semaphore_mem>>) src(%dma_wait3A_107 : memref<10000x128xbf16, #tpu.memory_space<hbm>>) dst(%arg13 : memref<128x128xbf16, #tpu.memory_space<vmem>>)
    %dma_wait3A_108 = arith.constant 0 : i32
    %dma_wait3A_109 = arith.constant 0 : i32
    %dma_wait3A_110 = tpu.memref_slice %arg6[%dma_wait3A_108, %dma_wait3A_109] : memref<80x128xi32, #tpu.memory_space<vmem>> -> memref<1x128xi32, #tpu.memory_space<vmem>>
    %dma_wait3A_111 = tpu.memref_squeeze %dma_wait3A_110 : memref<1x128xi32, #tpu.memory_space<vmem>> -> memref<128xi32, #tpu.memory_space<vmem>>
    %dma_wait3A_112 = arith.constant 0 : i32
    %dma_wait3A_113 = arith.constant 0 : i32
    %dma_wait3A_114 = tpu.memref_slice %arg2[%dma_wait3A_112, %dma_wait3A_113] : memref<10000x128xbf16, #tpu.memory_space<hbm>> -> memref<10000x128xbf16, #tpu.memory_space<hbm>>
    tpu.wait_indirect_dma semaphore(%arg23 : memref<!tpu.dma_semaphore, #tpu.memory_space<semaphore_mem>>) src(%dma_wait3A_114 : memref<10000x128xbf16, #tpu.memory_space<hbm>>) dst(%arg14 : memref<128x128xbf16, #tpu.memory_space<vmem>>)
    %dma_wait3A_115 = arith.constant 0 : i32
    %dma_wait3A_116 = arith.constant 0 : i32
    %dma_wait3A_117 = tpu.memref_slice %arg6[%dma_wait3A_115, %dma_wait3A_116] : memref<80x128xi32, #tpu.memory_space<vmem>> -> memref<1x128xi32, #tpu.memory_space<vmem>>
    %dma_wait3A_118 = tpu.memref_squeeze %dma_wait3A_117 : memref<1x128xi32, #tpu.memory_space<vmem>> -> memref<128xi32, #tpu.memory_space<vmem>>
    %dma_wait3A_119 = arith.constant 0 : i32
    %dma_wait3A_120 = arith.constant 0 : i32
    %dma_wait3A_121 = tpu.memref_slice %arg2[%dma_wait3A_119, %dma_wait3A_120] : memref<10000x128xbf16, #tpu.memory_space<hbm>> -> memref<10000x128xbf16, #tpu.memory_space<hbm>>
    tpu.wait_indirect_dma semaphore(%arg24 : memref<!tpu.dma_semaphore, #tpu.memory_space<semaphore_mem>>) src(%dma_wait3A_121 : memref<10000x128xbf16, #tpu.memory_space<hbm>>) dst(%arg15 : memref<128x128xbf16, #tpu.memory_space<vmem>>)
    %barrier3A_122 = arith.constant 0 : index
    tpu.barrier barrier_id(%barrier3A_122)
    %lt3A_123 = arith.constant 15 : i32
    %lt3A_124 = arith.cmpi slt, %arg1, %lt3A_123 : i32
    %convert_element_type3A_125 = arith.extui %lt3A_124 : i1 to i32
    %cond3A_126 = arith.constant 0 : i32
    %cond3A_127 = arith.cmpi ne, %convert_element_type3A_125, %cond3A_126 : i32
    scf.if %cond3A_127 {
      %mul3A_133 = arith.constant 640 : i32
      %mul3A_134 = arith.muli %arg1, %mul3A_133 : i32
      "tpu.region"() ({
        %run_scoped3A = tpu.sem_alloc : memref<!tpu.dma_semaphore, #tpu.memory_space<semaphore_mem>>
        %dma_start3A_135 = arith.constant 0 : i32
        %dma_start3A_136 = tpu.memref_slice %arg5[%arg0, %mul3A_134, %dma_start3A_135] : memref<2x10000x128xbf16, #tpu.memory_space<hbm>> -> memref<1x640x128xbf16, #tpu.memory_space<hbm>>
        %dma_start3A_137 = tpu.memref_squeeze %dma_start3A_136 : memref<1x640x128xbf16, #tpu.memory_space<hbm>> -> memref<640x128xbf16, #tpu.memory_space<hbm>>
        %dma_start3A_138 = arith.constant 0 : i32
        %dma_start3A_139 = tpu.memref_slice %arg16[%mul3A_134, %dma_start3A_138] : memref<10000x128xbf16, #tpu.memory_space<vmem_shared>> -> memref<640x128xbf16, #tpu.memory_space<vmem_shared>>
        tpu.enqueue_dma source(%dma_start3A_139 : memref<640x128xbf16, #tpu.memory_space<vmem_shared>>) target(%dma_start3A_137 : memref<640x128xbf16, #tpu.memory_space<hbm>>) target_semaphore(%run_scoped3A : memref<!tpu.dma_semaphore, #tpu.memory_space<semaphore_mem>>)
        %dma_wait3A_140 = arith.constant 0 : i32
        %dma_wait3A_141 = tpu.memref_slice %arg5[%arg0, %mul3A_134, %dma_wait3A_140] : memref<2x10000x128xbf16, #tpu.memory_space<hbm>> -> memref<1x640x128xbf16, #tpu.memory_space<hbm>>
        %dma_wait3A_142 = tpu.memref_squeeze %dma_wait3A_141 : memref<1x640x128xbf16, #tpu.memory_space<hbm>> -> memref<640x128xbf16, #tpu.memory_space<hbm>>
        %dma_wait3A_143 = arith.constant 0 : i32
        %dma_wait3A_144 = tpu.memref_slice %arg16[%mul3A_134, %dma_wait3A_143] : memref<10000x128xbf16, #tpu.memory_space<vmem_shared>> -> memref<640x128xbf16, #tpu.memory_space<vmem_shared>>
        tpu.wait_dma2 semaphore(%run_scoped3A : memref<!tpu.dma_semaphore, #tpu.memory_space<semaphore_mem>>) src(%dma_wait3A_144 : memref<640x128xbf16, #tpu.memory_space<vmem_shared>>) dst(%dma_wait3A_142 : memref<640x128xbf16, #tpu.memory_space<hbm>>)
        tpu.yield
      }) : () -> ()
    } else {
    }
    %eq3A_128 = arith.constant 15 : i32
    %eq3A_129 = arith.cmpi eq, %arg1, %eq3A_128 : i32
    %convert_element_type3A_130 = arith.extui %eq3A_129 : i1 to i32
    %cond3A_131 = arith.constant 0 : i32
    %cond3A_132 = arith.cmpi ne, %convert_element_type3A_130, %cond3A_131 : i32
    scf.if %cond3A_132 {
      "tpu.region"() ({
        %run_scoped3A = tpu.sem_alloc : memref<!tpu.dma_semaphore, #tpu.memory_space<semaphore_mem>>
        %dma_start3A_133 = arith.constant 9600 : i32
        %dma_start3A_134 = arith.constant 0 : i32
        %dma_start3A_135 = tpu.memref_slice %arg5[%arg0, %dma_start3A_133, %dma_start3A_134] : memref<2x10000x128xbf16, #tpu.memory_space<hbm>> -> memref<1x400x128xbf16, #tpu.memory_space<hbm>>
        %dma_start3A_136 = tpu.memref_squeeze %dma_start3A_135 : memref<1x400x128xbf16, #tpu.memory_space<hbm>> -> memref<400x128xbf16, #tpu.memory_space<hbm>>
        %dma_start3A_137 = arith.constant 9600 : i32
        %dma_start3A_138 = arith.constant 0 : i32
        %dma_start3A_139 = tpu.memref_slice %arg16[%dma_start3A_137, %dma_start3A_138] : memref<10000x128xbf16, #tpu.memory_space<vmem_shared>> -> memref<400x128xbf16, #tpu.memory_space<vmem_shared>>
        tpu.enqueue_dma source(%dma_start3A_139 : memref<400x128xbf16, #tpu.memory_space<vmem_shared>>) target(%dma_start3A_136 : memref<400x128xbf16, #tpu.memory_space<hbm>>) target_semaphore(%run_scoped3A : memref<!tpu.dma_semaphore, #tpu.memory_space<semaphore_mem>>)
        %dma_wait3A_140 = arith.constant 9600 : i32
        %dma_wait3A_141 = arith.constant 0 : i32
        %dma_wait3A_142 = tpu.memref_slice %arg5[%arg0, %dma_wait3A_140, %dma_wait3A_141] : memref<2x10000x128xbf16, #tpu.memory_space<hbm>> -> memref<1x400x128xbf16, #tpu.memory_space<hbm>>
        %dma_wait3A_143 = tpu.memref_squeeze %dma_wait3A_142 : memref<1x400x128xbf16, #tpu.memory_space<hbm>> -> memref<400x128xbf16, #tpu.memory_space<hbm>>
        %dma_wait3A_144 = arith.constant 9600 : i32
        %dma_wait3A_145 = arith.constant 0 : i32
        %dma_wait3A_146 = tpu.memref_slice %arg16[%dma_wait3A_144, %dma_wait3A_145] : memref<10000x128xbf16, #tpu.memory_space<vmem_shared>> -> memref<400x128xbf16, #tpu.memory_space<vmem_shared>>
        tpu.wait_dma2 semaphore(%run_scoped3A : memref<!tpu.dma_semaphore, #tpu.memory_space<semaphore_mem>>) src(%dma_wait3A_146 : memref<400x128xbf16, #tpu.memory_space<vmem_shared>>) dst(%dma_wait3A_143 : memref<400x128xbf16, #tpu.memory_space<hbm>>)
        tpu.yield
      }) : () -> ()
    } else {
    }
    return
  }
}

module attributes {stable_mosaic.version = 14 : i64} {
  func.func @_tc1_body(%arg0: memref<10000x128xf32, #tpu.memory_space<vmem>>, %arg1: memref<128x128xf32, #tpu.memory_space<vmem>>, %arg2: memref<2x10000x16xf32, #tpu.memory_space<vmem>>, %arg3: memref<10000x128xbf16, #tpu.memory_space<vmem>>, %arg4: memref<10000x16xf32, #tpu.memory_space<vmem>>) attributes {dimension_semantics = [], scalar_prefetch = 0 : i64, scratch_operands = 0 : i64, tpu.core_type = #tpu.core_type<tc>} {
    %get3A = arith.constant 0 : index
    %get3A_0 = arith.constant 0 : index
    %get3A_1 = arith.constant 0 : index
    %get3A_2 = vector.load %arg2[%get3A, %get3A_0, %get3A_1] : memref<2x10000x16xf32, #tpu.memory_space<vmem>>, vector<1x10000x16xf32>
    %get3A_3 = vector.shape_cast %get3A_2 : vector<1x10000x16xf32> to vector<10000x16xf32>
    %get3A_4 = arith.constant 1 : index
    %get3A_5 = arith.constant 0 : index
    %get3A_6 = arith.constant 0 : index
    %get3A_7 = vector.load %arg2[%get3A_4, %get3A_5, %get3A_6] : memref<2x10000x16xf32, #tpu.memory_space<vmem>>, vector<1x10000x16xf32>
    %get3A_8 = vector.shape_cast %get3A_7 : vector<1x10000x16xf32> to vector<10000x16xf32>
    %add3A = arith.addf %get3A_3, %get3A_8 : vector<10000x16xf32>
    %iota3A = tpu.iota {dimensions = array<i32: 0>} : vector<10000x16xi32>
    %lt3A = arith.constant 7680 : i32
    %lt3A_9 = vector.broadcast %lt3A : i32 to vector<10000x16xi32>
    %lt3A_10 = arith.cmpi slt, %iota3A, %lt3A_9 : vector<10000x16xi32>
    %jit3A = arith.constant 1.000000e+00 : f32
    %jit3A_11 = arith.constant 0.000000e+00 : f32
    %broadcast_in_dim3A = vector.broadcast %jit3A : f32 to vector<10000x16xf32>
    %broadcast_in_dim3A_12 = vector.broadcast %jit3A_11 : f32 to vector<10000x16xf32>
    %select_n3A = arith.select %lt3A_10, %broadcast_in_dim3A, %broadcast_in_dim3A_12 : vector<10000x16xi1>, vector<10000x16xf32>
    %sub3A = arith.constant 1.000000e+00 : f32
    %sub3A_13 = vector.broadcast %sub3A : f32 to vector<10000x16xf32>
    %sub3A_14 = arith.subf %sub3A_13, %select_n3A : vector<10000x16xf32>
    %add3A_15 = arith.addf %add3A, %sub3A_14 : vector<10000x16xf32>
    %rsqrt3A = math.rsqrt %add3A_15 : vector<10000x16xf32>
    %swap3A = arith.constant 0 : index
    %swap3A_16 = arith.constant 0 : index
    %swap3A_17 = vector.load %arg4[%swap3A, %swap3A_16] : memref<10000x16xf32, #tpu.memory_space<vmem>>, vector<10000x16xf32>
    tpu.vector_store %arg4[%swap3A, %swap3A_16], %rsqrt3A {strides = array<i32>} : memref<10000x16xf32, #tpu.memory_space<vmem>>, vector<10000x16xf32>,
    %get3A_18 = arith.constant 0 : index
    %get3A_19 = arith.constant 0 : index
    %get3A_20 = vector.load %arg0[%get3A_18, %get3A_19] : memref<10000x128xf32, #tpu.memory_space<vmem>>, vector<10000x128xf32>
    %get3A_21 = arith.constant 0 : index
    %get3A_22 = arith.constant 0 : index
    %get3A_23 = vector.load %arg1[%get3A_21, %get3A_22] : memref<128x128xf32, #tpu.memory_space<vmem>>, vector<128x128xf32>
    %dot_general3A = arith.constant dense<0.000000e+00> : vector<10000x128xf32>
    %dot_general3A_24 = tpu.matmul %get3A_20, %get3A_23, %dot_general3A {dimension_numbers = #tpu.dot_dimension_numbers<[1], [0], [0], [1], [0, 0, 1, 1], [], []>, transpose_lhs_hint = false} : vector<10000x128xf32>, vector<128x128xf32>, vector<10000x128xf32> -> vector<10000x128xf32>
    %slice3A = vector.extract_strided_slice %rsqrt3A {offsets = [0, 0], sizes = [10000, 1], strides = [1, 1]} : vector<10000x16xf32> to vector<10000x1xf32>
    %mul3A = vector.broadcast %slice3A : vector<10000x1xf32> to vector<10000x128xf32>
    %mul3A_25 = arith.mulf %dot_general3A_24, %mul3A : vector<10000x128xf32>
    %convert_element_type3A = arith.truncf %mul3A_25 : vector<10000x128xf32> to vector<10000x128xbf16>
    %swap3A_26 = arith.constant 0 : index
    %swap3A_27 = arith.constant 0 : index
    %swap3A_28 = vector.load %arg3[%swap3A_26, %swap3A_27] : memref<10000x128xbf16, #tpu.memory_space<vmem>>, vector<10000x128xbf16>
    tpu.vector_store %arg3[%swap3A_26, %swap3A_27], %convert_element_type3A {strides = array<i32>} : memref<10000x128xbf16, #tpu.memory_space<vmem>>, vector<10000x128xbf16>,
    return
  }
}

module attributes {stable_mosaic.version = 14 : i64} {
  func.func @_tc2_body(%arg0: memref<2x10000x128xbf16, #tpu.memory_space<vmem>>, %arg1: memref<10000x128xbf16, #tpu.memory_space<vmem>>, %arg2: memref<10000x16xf32, #tpu.memory_space<vmem>>, %arg3: memref<1x128xf32, #tpu.memory_space<vmem>>, %arg4: memref<1x128xf32, #tpu.memory_space<vmem>>, %arg5: memref<1x128xf32, #tpu.memory_space<vmem>>, %arg6: memref<128x64xf32, #tpu.memory_space<vmem>>, %arg7: memref<10000x64xbf16, #tpu.memory_space<vmem>>) attributes {dimension_semantics = [], scalar_prefetch = 0 : i64, scratch_operands = 0 : i64, tpu.core_type = #tpu.core_type<tc>} {
    %get3A = arith.constant 0 : index
    %get3A_0 = arith.constant 0 : index
    %get3A_1 = vector.load %arg2[%get3A, %get3A_0] : memref<10000x16xf32, #tpu.memory_space<vmem>>, vector<10000x1xf32>
    %get3A_2 = arith.constant 0 : index
    %get3A_3 = arith.constant 0 : index
    %get3A_4 = vector.load %arg1[%get3A_2, %get3A_3] : memref<10000x128xbf16, #tpu.memory_space<vmem>>, vector<10000x128xbf16>
    %convert_element_type3A = arith.extf %get3A_4 : vector<10000x128xbf16> to vector<10000x128xf32>
    %iota3A = tpu.iota {dimensions = array<i32: 0>} : vector<10000x1xi32>
    %lt3A = arith.constant 7680 : i32
    %lt3A_5 = vector.broadcast %lt3A : i32 to vector<10000x1xi32>
    %lt3A_6 = arith.cmpi slt, %iota3A, %lt3A_5 : vector<10000x1xi32>
    %jit3A = arith.constant 1.000000e+00 : f32
    %jit3A_7 = arith.constant 0.000000e+00 : f32
    %broadcast_in_dim3A = vector.broadcast %jit3A : f32 to vector<10000x1xf32>
    %broadcast_in_dim3A_8 = vector.broadcast %jit3A_7 : f32 to vector<10000x1xf32>
    %select_n3A = arith.select %lt3A_6, %broadcast_in_dim3A, %broadcast_in_dim3A_8 : vector<10000x1xi1>, vector<10000x1xf32>
    %add3A = arith.constant 1.000000e+00 : f32
    %add3A_9 = vector.broadcast %add3A : f32 to vector<10000x1xf32>
    %add3A_10 = arith.addf %add3A_9, %select_n3A : vector<10000x1xf32>
    %mul3A = vector.broadcast %add3A_10 : vector<10000x1xf32> to vector<10000x128xf32>
    %mul3A_11 = arith.mulf %convert_element_type3A, %mul3A : vector<10000x128xf32>
    %get3A_12 = arith.constant 0 : index
    %get3A_13 = arith.constant 0 : index
    %get3A_14 = arith.constant 0 : index
    %get3A_15 = vector.load %arg0[%get3A_12, %get3A_13, %get3A_14] : memref<2x10000x128xbf16, #tpu.memory_space<vmem>>, vector<1x10000x128xbf16>
    %get3A_16 = vector.shape_cast %get3A_15 : vector<1x10000x128xbf16> to vector<10000x128xbf16>
    %convert_element_type3A_17 = arith.extf %get3A_16 : vector<10000x128xbf16> to vector<10000x128xf32>
    %get3A_18 = arith.constant 1 : index
    %get3A_19 = arith.constant 0 : index
    %get3A_20 = arith.constant 0 : index
    %get3A_21 = vector.load %arg0[%get3A_18, %get3A_19, %get3A_20] : memref<2x10000x128xbf16, #tpu.memory_space<vmem>>, vector<1x10000x128xbf16>
    %get3A_22 = vector.shape_cast %get3A_21 : vector<1x10000x128xbf16> to vector<10000x128xbf16>
    %convert_element_type3A_23 = arith.extf %get3A_22 : vector<10000x128xbf16> to vector<10000x128xf32>
    %add3A_24 = arith.addf %convert_element_type3A_17, %convert_element_type3A_23 : vector<10000x128xf32>
    %sub3A = arith.subf %add3A_24, %mul3A_11 : vector<10000x128xf32>
    %mul3A_25 = vector.broadcast %get3A_1 : vector<10000x1xf32> to vector<10000x128xf32>
    %mul3A_26 = arith.mulf %mul3A_25, %sub3A : vector<10000x128xf32>
    %get3A_27 = arith.constant 0 : index
    %get3A_28 = arith.constant 0 : index
    %get3A_29 = vector.load %arg5[%get3A_27, %get3A_28] : memref<1x128xf32, #tpu.memory_space<vmem>>, vector<1x128xf32>
    %add3A_30 = vector.broadcast %get3A_29 : vector<1x128xf32> to vector<10000x128xf32>
    %add3A_31 = arith.addf %mul3A_26, %add3A_30 : vector<10000x128xf32>
    %reduce_sum3A = arith.constant dense<0.000000e+00> : vector<128xf32>
    %reduce_sum3A_32 = vector.multi_reduction <add>, %add3A_31, %reduce_sum3A [0] : vector<10000x128xf32> to vector<128xf32>
    %broadcast_in_dim3A_33 = vector.shape_cast %reduce_sum3A_32 : vector<128xf32> to vector<1x128xf32>
    %div3A = arith.constant 1.000000e+04 : f32
    %div3A_34 = vector.broadcast %div3A : f32 to vector<1x128xf32>
    %div3A_35 = arith.divf %broadcast_in_dim3A_33, %div3A_34 : vector<1x128xf32>
    %sub3A_36 = vector.broadcast %div3A_35 : vector<1x128xf32> to vector<10000x128xf32>
    %sub3A_37 = arith.subf %add3A_31, %sub3A_36 : vector<10000x128xf32>
    %integer_pow3A = arith.mulf %sub3A_37, %sub3A_37 : vector<10000x128xf32>
    %reduce_sum3A_38 = arith.constant dense<0.000000e+00> : vector<128xf32>
    %reduce_sum3A_39 = vector.multi_reduction <add>, %integer_pow3A, %reduce_sum3A_38 [0] : vector<10000x128xf32> to vector<128xf32>
    %broadcast_in_dim3A_40 = vector.shape_cast %reduce_sum3A_39 : vector<128xf32> to vector<1x128xf32>
    %div3A_41 = arith.constant 1.000000e+04 : f32
    %div3A_42 = vector.broadcast %div3A_41 : f32 to vector<1x128xf32>
    %div3A_43 = arith.divf %broadcast_in_dim3A_40, %div3A_42 : vector<1x128xf32>
    %sub3A_44 = vector.broadcast %div3A_35 : vector<1x128xf32> to vector<10000x128xf32>
    %sub3A_45 = arith.subf %add3A_31, %sub3A_44 : vector<10000x128xf32>
    %add3A_46 = arith.constant 9.99999974E-6 : f32
    %add3A_47 = vector.broadcast %add3A_46 : f32 to vector<1x128xf32>
    %add3A_48 = arith.addf %div3A_43, %add3A_47 : vector<1x128xf32>
    %rsqrt3A = math.rsqrt %add3A_48 : vector<1x128xf32>
    %mul3A_49 = vector.broadcast %rsqrt3A : vector<1x128xf32> to vector<10000x128xf32>
    %mul3A_50 = arith.mulf %sub3A_45, %mul3A_49 : vector<10000x128xf32>
    %get3A_51 = arith.constant 0 : index
    %get3A_52 = arith.constant 0 : index
    %get3A_53 = vector.load %arg3[%get3A_51, %get3A_52] : memref<1x128xf32, #tpu.memory_space<vmem>>, vector<1x128xf32>
    %mul3A_54 = vector.broadcast %get3A_53 : vector<1x128xf32> to vector<10000x128xf32>
    %mul3A_55 = arith.mulf %mul3A_50, %mul3A_54 : vector<10000x128xf32>
    %get3A_56 = arith.constant 0 : index
    %get3A_57 = arith.constant 0 : index
    %get3A_58 = vector.load %arg4[%get3A_56, %get3A_57] : memref<1x128xf32, #tpu.memory_space<vmem>>, vector<1x128xf32>
    %add3A_59 = vector.broadcast %get3A_58 : vector<1x128xf32> to vector<10000x128xf32>
    %add3A_60 = arith.addf %mul3A_55, %add3A_59 : vector<10000x128xf32>
    %max3A = arith.constant 0.000000e+00 : f32
    %max3A_61 = vector.broadcast %max3A : f32 to vector<10000x128xf32>
    %max3A_62 = arith.maximumf %add3A_60, %max3A_61 : vector<10000x128xf32>
    %get3A_63 = arith.constant 0 : index
    %get3A_64 = arith.constant 0 : index
    %get3A_65 = vector.load %arg6[%get3A_63, %get3A_64] : memref<128x64xf32, #tpu.memory_space<vmem>>, vector<128x64xf32>
    %dot_general3A = arith.constant dense<0.000000e+00> : vector<10000x64xf32>
    %dot_general3A_66 = tpu.matmul %max3A_62, %get3A_65, %dot_general3A {dimension_numbers = #tpu.dot_dimension_numbers<[1], [0], [0], [1], [0, 0, 1, 1], [], []>, transpose_lhs_hint = false} : vector<10000x128xf32>, vector<128x64xf32>, vector<10000x64xf32> -> vector<10000x64xf32>
    %mul3A_67 = vector.broadcast %get3A_1 : vector<10000x1xf32> to vector<10000x64xf32>
    %mul3A_68 = arith.mulf %dot_general3A_66, %mul3A_67 : vector<10000x64xf32>
    %convert_element_type3A_69 = arith.truncf %mul3A_68 : vector<10000x64xf32> to vector<10000x64xbf16>
    %swap3A = arith.constant 0 : index
    %swap3A_70 = arith.constant 0 : index
    %swap3A_71 = vector.load %arg7[%swap3A, %swap3A_70] : memref<10000x64xbf16, #tpu.memory_space<vmem>>, vector<10000x64xbf16>
    tpu.vector_store %arg7[%swap3A, %swap3A_70], %convert_element_type3A_69 {strides = array<i32>} : memref<10000x64xbf16, #tpu.memory_space<vmem>>, vector<10000x64xbf16>,
    return
  }
}

module attributes {stable_mosaic.version = 14 : i64} {
  func.func @_tc3_body(%arg0: memref<2x10000x64xbf16, #tpu.memory_space<vmem>>, %arg1: memref<10000x64xbf16, #tpu.memory_space<vmem>>, %arg2: memref<10000x16xf32, #tpu.memory_space<vmem>>, %arg3: memref<1x64xf32, #tpu.memory_space<vmem>>, %arg4: memref<10000x64xf32, #tpu.memory_space<vmem>>) attributes {dimension_semantics = [], scalar_prefetch = 0 : i64, scratch_operands = 0 : i64, tpu.core_type = #tpu.core_type<tc>} {
    %get3A = arith.constant 0 : index
    %get3A_0 = arith.constant 0 : index
    %get3A_1 = vector.load %arg2[%get3A, %get3A_0] : memref<10000x16xf32, #tpu.memory_space<vmem>>, vector<10000x1xf32>
    %get3A_2 = arith.constant 0 : index
    %get3A_3 = arith.constant 0 : index
    %get3A_4 = vector.load %arg1[%get3A_2, %get3A_3] : memref<10000x64xbf16, #tpu.memory_space<vmem>>, vector<10000x64xbf16>
    %convert_element_type3A = arith.extf %get3A_4 : vector<10000x64xbf16> to vector<10000x64xf32>
    %iota3A = tpu.iota {dimensions = array<i32: 0>} : vector<10000x1xi32>
    %lt3A = arith.constant 7680 : i32
    %lt3A_5 = vector.broadcast %lt3A : i32 to vector<10000x1xi32>
    %lt3A_6 = arith.cmpi slt, %iota3A, %lt3A_5 : vector<10000x1xi32>
    %jit3A = arith.constant 1.000000e+00 : f32
    %jit3A_7 = arith.constant 0.000000e+00 : f32
    %broadcast_in_dim3A = vector.broadcast %jit3A : f32 to vector<10000x1xf32>
    %broadcast_in_dim3A_8 = vector.broadcast %jit3A_7 : f32 to vector<10000x1xf32>
    %select_n3A = arith.select %lt3A_6, %broadcast_in_dim3A, %broadcast_in_dim3A_8 : vector<10000x1xi1>, vector<10000x1xf32>
    %add3A = arith.constant 1.000000e+00 : f32
    %add3A_9 = vector.broadcast %add3A : f32 to vector<10000x1xf32>
    %add3A_10 = arith.addf %add3A_9, %select_n3A : vector<10000x1xf32>
    %mul3A = vector.broadcast %add3A_10 : vector<10000x1xf32> to vector<10000x64xf32>
    %mul3A_11 = arith.mulf %convert_element_type3A, %mul3A : vector<10000x64xf32>
    %get3A_12 = arith.constant 0 : index
    %get3A_13 = arith.constant 0 : index
    %get3A_14 = arith.constant 0 : index
    %get3A_15 = vector.load %arg0[%get3A_12, %get3A_13, %get3A_14] : memref<2x10000x64xbf16, #tpu.memory_space<vmem>>, vector<1x10000x64xbf16>
    %get3A_16 = vector.shape_cast %get3A_15 : vector<1x10000x64xbf16> to vector<10000x64xbf16>
    %convert_element_type3A_17 = arith.extf %get3A_16 : vector<10000x64xbf16> to vector<10000x64xf32>
    %get3A_18 = arith.constant 1 : index
    %get3A_19 = arith.constant 0 : index
    %get3A_20 = arith.constant 0 : index
    %get3A_21 = vector.load %arg0[%get3A_18, %get3A_19, %get3A_20] : memref<2x10000x64xbf16, #tpu.memory_space<vmem>>, vector<1x10000x64xbf16>
    %get3A_22 = vector.shape_cast %get3A_21 : vector<1x10000x64xbf16> to vector<10000x64xbf16>
    %convert_element_type3A_23 = arith.extf %get3A_22 : vector<10000x64xbf16> to vector<10000x64xf32>
    %add3A_24 = arith.addf %convert_element_type3A_17, %convert_element_type3A_23 : vector<10000x64xf32>
    %sub3A = arith.subf %add3A_24, %mul3A_11 : vector<10000x64xf32>
    %mul3A_25 = vector.broadcast %get3A_1 : vector<10000x1xf32> to vector<10000x64xf32>
    %mul3A_26 = arith.mulf %mul3A_25, %sub3A : vector<10000x64xf32>
    %get3A_27 = arith.constant 0 : index
    %get3A_28 = arith.constant 0 : index
    %get3A_29 = vector.load %arg3[%get3A_27, %get3A_28] : memref<1x64xf32, #tpu.memory_space<vmem>>, vector<1x64xf32>
    %add3A_30 = vector.broadcast %get3A_29 : vector<1x64xf32> to vector<10000x64xf32>
    %add3A_31 = arith.addf %mul3A_26, %add3A_30 : vector<10000x64xf32>
    %swap3A = arith.constant 0 : index
    %swap3A_32 = arith.constant 0 : index
    %swap3A_33 = vector.load %arg4[%swap3A, %swap3A_32] : memref<10000x64xf32, #tpu.memory_space<vmem>>, vector<10000x64xf32>
    tpu.vector_store %arg4[%swap3A, %swap3A_32], %add3A_31 {strides = array<i32>} : memref<10000x64xf32, #tpu.memory_space<vmem>>, vector<10000x64xf32>,
    return
  }
}

</mosaic_0001>

<sc_bundles>
// kernel: kernel.11.cloned.1.call-start
scs
__scs_entry_jumppad:
0x0: {  	(pc) =	sbr.rel $0x88, $3  }
0x1: {  	(tag) =	ssettag $0x0;
	lr =	simm.s32 $0x1  }
0x2: {  	[smem:$0x3F99] =	sst lr;
	_ =	strace $0xD0000000  }
0x3: {  	_ = 	snop  }
0x4: {  	_ = 	snop  }
0x5: {  	_ = 	snop  }
0x6: {  	_ = 	snop  }
0x7: {  	_ = 	snop  }
__scs_overlays_trampoline_lowered:
0x8: {  	[smem:$0x3FA8] =	sst s0  }
0x9: {  	[smem:$0x3FA9] =	sst s1  }
0xa: {  	[smem:$0x3FAA] =	sst s2  }
0xb: {  	[smem:$0x3FAB] =	sst s3  }
0xc: {  	[smem:$0x3FAC] =	sst s4  }
0xd: {  	[smem:$0x3FAD] =	sst s5  }
0xe: {  	[smem:$0x3FAE] =	sst s6  }
0xf: {  	[smem:$0x3FAF] =	sst s7  }
0x10: {  	[smem:$0x3FB0] =	sst s8  }
0x11: {  	[smem:$0x3FB1] =	sst s9;
	s0 =	simm.s32 @!p0 $0x0  }
0x12: {  	s1 =	sld [smem:$0x3F97];
	s0 =	simm.s32 @p0 $0x1  }
0x13: {  	[smem:$0x3FB2] =	sst s0;
	s0 =	simm.s32 @!p1 $0x0  }
0x14: {  	s2 =	sld [smem:$0x3F96];
	s0 =	simm.s32 @p1 $0x1  }
0x15: {  	[smem:$0x3FB3] =	sst s0;
	s0 =	simm.s32 @!p2 $0x0  }
0x16: {  	s3 =	sld [smem:$0x3FDB];
	s0 =	simm.s32 @p2 $0x1  }
0x17: {  	s4 =	simm.s32 $0x1BF5;
	[smem:$0x3FB5] =	sst s0  }
0x18: {  	s0 =	sld [smem:$0x3F98];
	_ =	swait.ge [sflag:s4], $0x0  }
0x19: {  	s7 =	sld [smem:$0x3F99]  }
0x1a: {  	s8 =	sadd.s32 $0xFFFFE003, lr  }
0x1b: {  	s9 =	sadd.s32 $0xFFFFFEF7, lr;
	s5 =	simm.s32 $0xFFFFFFFF;
	p2 =	slt.u32 s8, $0xFFFFF086  }
0x1c: {  	p1 =	slt.u32 s9, $0xF7A;
	s5 =	simm.s32 @!p2 $0x0  }
0x1d: {  	s5 =	simm.s32 @p1 $0x1;
	p0 =	seq.s32 s7, s2  }
0x1e: {  	s7 =	smul.u32 @!p0 $0xF7A, s2;
	p2 =	seq.s32 @!p0 s5, $0x0  }
0x1f: {  	s9 =	smul.u32 $0xF7A, s1;
	s8 =	simm.s32 @!p0 $0x1BF5;
	p2 =	por !p2, p0  }
0x20: {  	[sflag:s8] =	ssyncset.s32 @!p0 $0xFFFFF086;
	s6 =	sadd.s32 @!p0 s3, s7;
	s7 =	simm.s32 @!p0 $0x108  }
0x21: {  	s3 =	sadd.s32 s3, s9;
	s6 =	sadd.s32 @!p0 $0x88, s6;
	s7 =	simm.s32 @p2 $0x1082  }
0x22: {  	[simem:s7], [sflag:s8] =	dma.local @!p0 [hbm:s6], $0xF7A  }
0x23: {  	s9 =	sor.u32 $0xD0000000, s2;
	s6 =	simm.s32 $0x108;
	_ =	swait.ge @!p0 [sflag:s8], $0x0  }
0x24: {  	s3 =	sadd.s32 $0x88, s3;
	s6 =	simm.s32 @!p1 $0x1082;
	[sflag:s4] =	ssyncset.s32 $0xFFFFF086  }
0x25: {  	[simem:s6], [sflag:s4] =	dma.local [hbm:s3], $0xF7A  }
0x26: {  	[smem:$0x3F99] =	sst s1;
	(tag) =	ssettag s2;
	_ =	strace s9  }
0x27: {  	s1 =	sld [smem:$0x3FA9]  }
0x28: {  	s2 =	sld [smem:$0x3FAA]  }
0x29: {  	s4 =	sld [smem:$0x3FAC]  }
0x2a: {  	p0 =	seq.s32 s5, $0x0;
	s5 =	sld [smem:$0x3FAD]  }
0x2b: {  	s6 =	sld [smem:$0x3FAE]  }
0x2c: {  	s7 =	sld [smem:$0x3FAF]  }
0x2d: {  	s3 =	simm.s32 $0x108;
	s8 =	sld [smem:$0x3FB0]  }
0x2e: {  	s3 =	simm.s32 @!p0 $0x1082;
	s9 =	sld [smem:$0x3FB1]  }
0x2f: {  	lr =	sadd.s32 s0, s3;
	s0 =	sld [smem:$0x3FA8]  }
0x30: {  	s3 =	sld [smem:$0x3FAB]  }
0x31: {  	[smem:$0x3FB4] =	sst s10  }
0x32: {  	s10 =	sld [smem:$0x3FB2];
	_ =	sdelay $0x3  }
0x33: {  	p0 =	seq.s32 s10, $0x1;
	s10 =	sld [smem:$0x3FB4];
	_ =	sdelay $0x3  }
0x34: {  	[smem:$0x3FB4] =	sst s10  }
0x35: {  	s10 =	sld [smem:$0x3FB3];
	_ =	sdelay $0x3  }
0x36: {  	p1 =	seq.s32 s10, $0x1;
	s10 =	sld [smem:$0x3FB4];
	_ =	sdelay $0x3  }
0x37: {  	[smem:$0x3FB4] =	sst s10  }
0x38: {  	s10 =	sld [smem:$0x3FB5]  }
0x39: {  	_ = 	snop;
	(pc) =	sbr.ind lr, $3  }
0x3a: {  	_ = 	snop  }
0x3b: {  	_ = 	snop  }
0x3c: {  	p2 =	seq.s32 s10, $0x1;
	s10 =	sld [smem:$0x3FB4]  }
0x3d: {  	_ =	shalt  }
0x3e: {  	_ =	shalt  }
0x3f: {  	_ =	shalt  }
0x40: {  	_ =	shalt  }
0x41: {  	_ =	shalt  }
0x42: {  	_ =	shalt  }
0x43: {  	_ =	shalt  }
0x44: {  	_ =	shalt  }
0x45: {  	_ =	shalt  }
0x46: {  	_ =	shalt  }
0x47: {  	_ =	shalt  }
0x48: {  	_ =	shalt  }
0x49: {  	_ =	shalt  }
0x4a: {  	_ =	shalt  }
0x4b: {  	_ =	shalt  }
0x4c: {  	_ =	shalt  }
0x4d: {  	_ =	shalt  }
0x4e: {  	_ =	shalt  }
0x4f: {  	_ =	shalt  }
0x50: {  	_ =	shalt  }
0x51: {  	_ =	shalt  }
0x52: {  	_ =	shalt  }
0x53: {  	_ =	shalt  }
0x54: {  	_ =	shalt  }
0x55: {  	_ =	shalt  }
0x56: {  	_ =	shalt  }
0x57: {  	_ =	shalt  }
0x58: {  	_ =	shalt  }
0x59: {  	_ =	shalt  }
0x5a: {  	_ =	shalt  }
0x5b: {  	_ =	shalt  }
0x5c: {  	_ =	shalt  }
0x5d: {  	_ =	shalt  }
0x5e: {  	_ =	shalt  }
0x5f: {  	_ =	shalt  }
0x60: {  	_ =	shalt  }
0x61: {  	_ =	shalt  }
0x62: {  	_ =	shalt  }
0x63: {  	_ =	shalt  }
0x64: {  	_ =	shalt  }
0x65: {  	_ =	shalt  }
0x66: {  	_ =	shalt  }
0x67: {  	_ =	shalt  }
0x68: {  	_ =	shalt  }
0x69: {  	_ =	shalt  }
0x6a: {  	_ =	shalt  }
0x6b: {  	_ =	shalt  }
0x6c: {  	_ =	shalt  }
0x6d: {  	_ =	shalt  }
0x6e: {  	_ =	shalt  }
0x6f: {  	_ =	shalt  }
0x70: {  	_ =	shalt  }
0x71: {  	_ =	shalt  }
0x72: {  	_ =	shalt  }
0x73: {  	_ =	shalt  }
0x74: {  	_ =	shalt  }
0x75: {  	_ =	shalt  }
0x76: {  	_ =	shalt  }
0x77: {  	_ =	shalt  }
0x78: {  	_ =	shalt  }
0x79: {  	_ =	shalt  }
0x7a: {  	_ =	shalt  }
0x7b: {  	_ =	shalt  }
0x7c: {  	_ =	shalt  }
0x7d: {  	_ =	shalt  }
0x7e: {  	_ =	shalt  }
0x7f: {  	_ =	shalt  }
0x80: {  	_ =	shalt  }
0x81: {  	_ =	shalt  }
0x82: {  	_ =	shalt  }
0x83: {  	_ =	shalt  }
0x84: {  	_ =	shalt  }
0x85: {  	_ =	shalt  }
0x86: {  	_ =	shalt  }
0x87: {  	_ =	shalt  }
.Lfunc_end0:
.L_simem_size_0:
called_computation.1_lowered:
.L_overlay_start_0:
0x88: {  	s2 =	sld [smem:$0x3FD9]  }
0x89: {  	s3 =	sld [smem:$0x3FFE];
	_ =	sdelay $0x1  }
0x8a: {  	s1 =	srdreg.scid  }
0x8b: {  	s0 =	sand.u32 $0x1, s1  }
0x8c: {  	s17 =	sshll.u32 s0, $0xA;
	s2 =	sadd.s32 s3, s2  }
0x8d: {  	s2 =	sadd.s32 s2, s17  }
0x8e: {  	[smem:$0x3FC0] =	sst s2  }
0x8f: {  	_ = 	snop  }
0x90: {  	s2 =	sld [smem:$0x3FD0];
	(tm) =	ssettm $0x1  }
0x91: {  	s18 =	sld [smem:$0x3FFB];
	_ =	sdelay $0x3  }
0x92: {  	_ =	strace s18  }
0x93: {  	s3 =	sld [smem:$0x3FFC];
	_ =	sdelay $0x3  }
0x94: {  	_ =	strace s3  }
0x95: {  	s3 =	sld [smem:$0x3FFD];
	_ =	sdelay $0x3  }
0x96: {  	_ =	strace s3  }
0x97: {  	_ =	strace $0x8FFFFFFF  }
0x98: {  	s19 =	sld [smem:$0x3FDB];
	_ =	sdelay $0x1  }
0x99: {  	s4 =	simm.s32 $_scs_section_size  }
0x9a: {  	s5 =	simm.s32 $_size__tile_overlayer_lowered;
	s6 =	simm.s32 $_tile_overlayer_lowered  }
0x9b: {  	s22 =	simm.s32 $0x1BFF;
	s21 =	sshll.u32 s6, $0x1;
	s3 =	sadd.s32 s4, s19  }
0x9c: {  	s7 =	simm.s32 $0x0;
	s20 =	sshll.u32 s5, $0x1;
	s5 =	sadd.s32 s21, s3  }
0x9d: {  	[timem:s7], [sflag:s22] =	dma.local [hbm:s5], s20  }
0x9e: {  	_ =	swait.ge [sflag:s22], s20  }
0x9f: {  	s4 =	ssub.s32 $0x0, s20;
	[sflag:s22] =	ssyncset.done $0x0  }
0xa0: {  	[sflag:s22] =	ssyncadd.s32 s4;
	_ =	sdelay $0x1  }
0xa1: {  	s23 =	simm.s32 $0x1B8B  }
0xa2: {  	_ =	swait.ge [sflag:s23], $0x1  }
0xa3: {  	[sflag:s23] =	ssyncset.done $0x0  }
0xa4: {  	s25 =	simm.s32 $0x1B8E;
	s24 =	sld [smem:$0x3FFE];
	[sflag:s23] =	ssyncadd.s32 $0xFFFFFFFF  }
0xa5: {  	s26 =	simm.s32 $execute0_lowered;
	[smem:$0x3FD2] =	sst s25  }
0xa6: {  	s5 =	sshll.u32 s26, $0x1;
	_ =	strace $0x80000049;
	[dreg:$0x1] =	wrdreg $0xFFFFFFFF  }
0xa7: {  	s28 =	simm.s32 $_size_execute0_lowered;
	s3 =	sadd.s32 s3, s5;
	[dreg:$0x0] =	wrdreg $0x0  }
0xa8: {  	s5 =	sshll.u32 s28, $0x1;
	[dreg:$0x2] =	wrdreg s3  }
0xa9: {  	[dreg:$0x3] =	wrdreg s5  }
0xaa: {  	[dreg:$0x4] =	wrdreg $0xC0  }
0xab: {  	_ =	task [dreg:s7], $0x5FFFF  }
0xac: {  	[dreg:$0x1] =	wrdreg $0xFFFFFFFF  }
0xad: {  	[dreg:$0x0] =	wrdreg $0x60  }
0xae: {  	[dreg:$0x2] =	wrdreg s2  }
0xaf: {  	[dreg:$0x3] =	wrdreg s24  }
0xb0: {  	[dreg:$0x4] =	wrdreg $0x150000  }
0xb1: {  	[dreg:$0x5] =	wrdreg $0x9  }
0xb2: {  	_ =	task.clear_ibuf [dreg:s7], $0x6FFFF;
	_ =	strace $0x90000049  }
0xb3: {  	s29 =	simm.s32 $0x9;
	_ =	strace $0x8000004B  }
0xb4: {  	_ =	swait.ge [sflag:s29], $0x1  }
0xb5: {  	[sflag:s29] =	ssyncadd.s32 $0xFFFFFFFF  }
0xb6: {  	_ =	strace $0x9000004B  }
0xb7: {  	_ =	sfence  }
0xb8: {  	s30 =	sld [smem:$0x0];
	_ =	sdelay $0x2  }
0xb9: {  	s31 =	sshll.u32 s1, $0xD;
	s1 =	sshrl.u32 s1, $0x2  }
0xba: {  	s3 =	sand.u32 $0x4000, s31;
	s1 =	sadd.s32 s1, s30  }
0xbb: {  	s0 =	sor.u32 s3, s0;
	s1 =	sshll.u32 s1, $0x11  }
0xbc: {  	s0 =	sor.u32 s1, s0  }
0xbd: {  	s0 =	sadd.s32 $0x8F2B, s0  }
0xbe: {  	[sflag:s0] =	ssyncadd.remote.s32 $0x1  }
0xbf: {  	_ =	sfence.sel $0xFFFF  }
0xc0: {  	[dreg:$0x0] =	wrdreg $0xFFFFFFFF;
	(pc) =	sbr.abs _section_cstart, $3  }
0xc1: {  	[dreg:$0x1] =	wrdreg $0xFFFFFFFF  }
0xc2: {  	_ =	task.clear_ibuf [dreg:s7], $0x2FFFF;
	_ =	strace $0x9FFFFFFF  }
0xc3: {  	(tm) =	ssettm $0x7FFFFFFF  }
tec
execute0_lowered:
.L_overlay_start_1:
0x0: {  	(tag) =	ssettag $0x1  }
0x1: {  	s0 =	rddreg [dreg:$0x0]  }
0x2: {  	s2 =	rddreg [dreg:$0x1]  }
0x3: {  	s1 =	srdreg.scid;
	s3 =	rddreg [dreg:$0x2]  }
0x4: {  	s10 =	stileid.u32;
	s4 =	simm.s32 $0x0;
	s14 =	simm.s32 $0x9  }
0x5: {  	s16 =	simm.s32 $0x80;
	s17 =	simm.s32 $0x5000;
	s18 =	simm.s32 $0x7000  }
0x6: {  	s29 =	simm.s32 $0x11000;
	s31 =	simm.s32 $0x13000;
	s15 =	simm.s32 $0x2  }
0x7: {  	s19 =	simm.s32 $0x3;
	s28 =	simm.s32 $0x8;
	s30 =	simm.s32 $0x0  }
0x8: {  	s1 =	sand.u32 $0x1, s1;
	[smem:$0x7FF] =	sst s4;
	s8 =	smul.u32 $0x14000, s10  }
0x9: {  	s24 =	sadd.s32 $0x96000, s3;
	s26 =	sadd.s32 $0x12C00, s0;
	p0 =	seq.s32 s10, $0xF  }
0xa: {  	s5 =	sshll.u32 s1, $0x4;
	_ =	strace $0x8000004A;
	[dreg:$0x8] =	wrdreg s24  }
0xb: {  	s6 =	ssub.s32 $0x2, s1;
	s1 =	smul.u32 $0x138800, s1;
	[dreg:$0x9] =	wrdreg s26  }
0xc: {  	s24 =	simm.s32 $0xD000;
	s26 =	simm.s32 $0xF000;
	s5 =	sor.u32 s10, s5  }
0xd: {  	s7 =	sshrl.u32 s6, $0x1;
	s21 =	sshrl.u32 s8, $0x1;
	s9 =	sshrl.u32 s8, $0x4  }
0xe: {  	s5 =	smul.u32 $0x500, s5;
	s6 =	ssub.s32 s6, s7;
	s22 =	sadd.s32 s21, s3  }
0xf: {  	s23 =	sadd.s32 s0, s9;
	s25 =	sadd.s32 s8, s1;
	[dreg:$0x6] =	wrdreg s22  }
0x10: {  	s1 =	sshrl.u32 s1, $0x4;
	s21 =	simm.s32 $0x4;
	[dreg:$0x7] =	wrdreg s23  }
0x11: {  	s13 =	smax.u32 s6, $0x1;
	s22 =	simm.s32 $0xB000;
	s5 =	sadd.s32 s5, s2  }
0x12: {  	s23 =	simm.s32 $0x5;
	s2 =	sadd.s32 $0x16400, s2;
	s20 =	sadd.s32 $0x2400, s5  }
0x13: {  	s5 =	sadd.s32 $0xC400, s5;
	s1 =	sadd.s32 s2, s1;
	[dreg:$0x4] =	wrdreg s20  }
0x14: {  	[dreg:$0x5] =	wrdreg s5;
	s5 =	sshrl.u32 s25, $0x4;
	s12 =	sadd.s32 $0x12C00, s1  }
0x15: {  	s20 =	simm.s32 $0x9000;
	s1 =	simm.s32 $0x1;
	s2 =	sadd.s32 s2, s5  }
0x16: {  	s25 =	simm.s32 $0x7;
	[dreg:$0xa] =	wrdreg s2;
	s2 =	simm.s32 $0x6  }
.LBB2_1:
0x17: {  	s5 =	rddreg [dreg:$0x4]  }
0x18: {  	[tilespmem:s4], [sflag:$0x9] =	stream.linear.gather [hbm4b:s5+s4], $0x2800, $0x38;
	[tilespmem:$0x1EC40] =	vst v63  }
0x19: {  	_ =	swait.ge [sflag:s14], $0x2800  }
0x1a: {  	[sflag:s14] =	ssyncset.done $0x0  }
0x1b: {  	s6 =	simm.s32 $0x2800;
	s8 =	rddreg [dreg:$0x5];
	[sflag:s14] =	ssyncadd.s32 $0xFFFFD800  }
0x1c: {  	[tilespmem:s6], [sflag:$0x9] =	stream.linear.gather [hbm4b:s8+s4], $0x2800, $0x38;
	[tilespmem:$0x1EC40] =	vst v63  }
0x1d: {  	_ =	swait.ge [sflag:s14], $0x2800  }
0x1e: {  	[sflag:s14] =	ssyncset.done $0x0  }
0x1f: {  	[sflag:s14] =	ssyncadd.s32 $0xFFFFD800  }
0x20: {  	[tilespmem:s17], [sflag:$0x1] =	stream.indirect.gather [hbm4b:s0+s16], $0x40, s4, s16, $0xb8;
	[tilespmem:$0x1EC40] =	vst v63  }
0x21: {  	_ = 	snop  }
0x22: {  	[tilespmem:s18], [sflag:$0x2] =	stream.indirect.gather [hbm4b:s0+s16], $0x40, s16, s16, $0xb8;
	[tilespmem:$0x1EC40] =	vst v63  }
0x23: {  	s9 =	simm.s32 $0x100  }
0x24: {  	[tilespmem:s20], [sflag:$0x3] =	stream.indirect.gather [hbm4b:s0+s16], $0x40, s9, s16, $0xb8;
	[tilespmem:$0x1EC40] =	vst v63  }
0x25: {  	s10 =	simm.s32 $0x180  }
0x26: {  	[tilespmem:s22], [sflag:$0x4] =	stream.indirect.gather [hbm4b:s0+s16], $0x40, s10, s16, $0xb8;
	[tilespmem:$0x1EC40] =	vst v63  }
0x27: {  	s11 =	simm.s32 $0x200  }
0x28: {  	[tilespmem:s24], [sflag:$0x5] =	stream.indirect.gather [hbm4b:s0+s16], $0x40, s11, s16, $0xb8;
	[tilespmem:$0x1EC40] =	vst v63  }
0x29: {  	s6 =	simm.s32 $0x280  }
0x2a: {  	[tilespmem:s26], [sflag:$0x6] =	stream.indirect.gather [hbm4b:s0+s16], $0x40, s6, s16, $0xb8;
	[tilespmem:$0x1EC40] =	vst v63  }
0x2b: {  	s7 =	simm.s32 $0x300;
	s8 =	simm.s32 $0x380;
	s5 =	rddreg [dreg:$0x8]  }
0x2c: {  	[tilespmem:s29], [sflag:$0x7] =	stream.indirect.gather [hbm4b:s0+s16], $0x40, s7, s16, $0xb8;
	[tilespmem:$0x1EC40] =	vst v63  }
0x2d: {  	s5 =	sshrl.u32 @p0 s5, $0x3;
	s6 =	simm.s32 @p0 $0x1FC9;
	s7 =	rddreg [dreg:$0x9]  }
0x2e: {  	[tilespmem:s31], [sflag:$0x8] =	stream.indirect.gather [hbm4b:s0+s16], $0x40, s8, s16, $0xb8;
	[tilespmem:$0x1EC40] =	vst v63  }
0x2f: {  	[spmem:s5], [sflag:s6] =	dma.local @p0 [hbm:s7], $0xC80  }
0x30: {  	s6 =	simm.s32 @p0 $0x9  }
0x31: {  	s7 =	stileid.u32;
	_ =	swait.ge @p0 [sflag:s6], $0xC80  }
0x32: {  	s7 =	sshll.u32 @!p0 s7, $0x6;
	[sflag:s6] =	ssyncset.done @p0 $0x0  }
0x33: {  	[sflag:s6] =	ssyncadd.s32 @p0 $0xFFFFF380;
	s6 =	sor.u32 @!p0 $0x1C09, s7;
	s7 =	rddreg [dreg:$0x6]  }
0x34: {  	s8 =	rddreg [dreg:$0x7];
	s7 =	sshrl.u32 @!p0 s7, $0x3  }
0x35: {  	[spmem:s7], [sflag:s6] =	dma.local @!p0 [hbm:s8], $0x1400  }
0x36: {  	s8 =	simm.s32 @!p0 $0x9  }
0x37: {  	_ =	swait.ge @!p0 [sflag:s8], $0x1400  }
0x38: {  	[sflag:s8] =	ssyncset.done @!p0 $0x0  }
0x39: {  	[sflag:s8] =	ssyncadd.s32 @!p0 $0xFFFFEC00  }
0x3a: {  	[bflag:$0x0] =	sbarrier.arrive $0xFFFF  }
0x3b: {  	_ =	swait.ge [sflag:s1], $0x2000  }
0x3c: {  	[sflag:s1] =	ssyncset.done $0x0  }
0x3d: {  	s9 =	simm.s32 $0x2800;
	[sflag:s1] =	ssyncadd.s32 $0xFFFFE000  }
0x3e: {  	[spmem:s3] =	stream.indirect.scatter.add.bf16 [tilespmem:s17], [sflag:$0x9], $0x40, s9, s16, $0xb8;
	[tilespmem:$0x1EC40] =	vst v63  }
0x3f: {  	s10 =	smin.u32 s4, $0x47;
	_ =	swait.ge [sflag:s14], $0x2000  }
0x40: {  	s8 =	sshll.u32 s10, $0x7;
	[sflag:s14] =	ssyncset.done $0x0  }
0x41: {  	s8 =	sadd.s32 $0x400, s8;
	[sflag:s14] =	ssyncadd.s32 $0xFFFFE000  }
0x42: {  	[tilespmem:s17], [sflag:$0x1] =	stream.indirect.gather [hbm4b:s0+s16], $0x40, s8, s16, $0xb8;
	[tilespmem:$0x1EC40] =	vst v63  }
0x43: {  	_ =	swait.ge [sflag:s15], $0x2000  }
0x44: {  	[sflag:s15] =	ssyncset.done $0x0  }
0x45: {  	s11 =	simm.s32 $0x2880;
	[sflag:s15] =	ssyncadd.s32 $0xFFFFE000  }
0x46: {  	[spmem:s3] =	stream.indirect.scatter.add.bf16 [tilespmem:s18], [sflag:$0x9], $0x40, s11, s16, $0xb8;
	[tilespmem:$0x1EC40] =	vst v63  }
0x47: {  	s9 =	smin.u32 s4, $0x46;
	_ =	swait.ge [sflag:s14], $0x2000  }
0x48: {  	s8 =	sshll.u32 s9, $0x7;
	[sflag:s14] =	ssyncset.done $0x0  }
0x49: {  	s8 =	sadd.s32 $0x480, s8;
	[sflag:s14] =	ssyncadd.s32 $0xFFFFE000  }
0x4a: {  	[tilespmem:s18], [sflag:$0x2] =	stream.indirect.gather [hbm4b:s0+s16], $0x40, s8, s16, $0xb8;
	[tilespmem:$0x1EC40] =	vst v63  }
0x4b: {  	_ =	swait.ge [sflag:s19], $0x2000  }
0x4c: {  	[sflag:s19] =	ssyncset.done $0x0  }
0x4d: {  	s10 =	simm.s32 $0x2900;
	[sflag:s19] =	ssyncadd.s32 $0xFFFFE000  }
0x4e: {  	[spmem:s3] =	stream.indirect.scatter.add.bf16 [tilespmem:s20], [sflag:$0x9], $0x40, s10, s16, $0xb8;
	[tilespmem:$0x1EC40] =	vst v63  }
0x4f: {  	s11 =	smin.u32 s4, $0x45;
	_ =	swait.ge [sflag:s14], $0x2000  }
0x50: {  	s8 =	sshll.u32 s11, $0x7;
	[sflag:s14] =	ssyncset.done $0x0  }
0x51: {  	s8 =	sadd.s32 $0x500, s8;
	[sflag:s14] =	ssyncadd.s32 $0xFFFFE000  }
0x52: {  	[tilespmem:s20], [sflag:$0x3] =	stream.indirect.gather [hbm4b:s0+s16], $0x40, s8, s16, $0xb8;
	[tilespmem:$0x1EC40] =	vst v63  }
0x53: {  	_ =	swait.ge [sflag:s21], $0x2000  }
0x54: {  	[sflag:s21] =	ssyncset.done $0x0  }
0x55: {  	s9 =	simm.s32 $0x2980;
	[sflag:s21] =	ssyncadd.s32 $0xFFFFE000  }
0x56: {  	[spmem:s3] =	stream.indirect.scatter.add.bf16 [tilespmem:s22], [sflag:$0x9], $0x40, s9, s16, $0xb8;
	[tilespmem:$0x1EC40] =	vst v63  }
0x57: {  	s10 =	smin.u32 s4, $0x44;
	_ =	swait.ge [sflag:s14], $0x2000  }
0x58: {  	s8 =	sshll.u32 s10, $0x7;
	[sflag:s14] =	ssyncset.done $0x0  }
0x59: {  	s8 =	sadd.s32 $0x580, s8;
	[sflag:s14] =	ssyncadd.s32 $0xFFFFE000  }
0x5a: {  	[tilespmem:s22], [sflag:$0x4] =	stream.indirect.gather [hbm4b:s0+s16], $0x40, s8, s16, $0xb8;
	[tilespmem:$0x1EC40] =	vst v63  }
0x5b: {  	_ =	swait.ge [sflag:s23], $0x2000  }
0x5c: {  	[sflag:s23] =	ssyncset.done $0x0  }
0x5d: {  	s11 =	simm.s32 $0x2A00;
	[sflag:s23] =	ssyncadd.s32 $0xFFFFE000  }
0x5e: {  	[spmem:s3] =	stream.indirect.scatter.add.bf16 [tilespmem:s24], [sflag:$0x9], $0x40, s11, s16, $0xb8;
	[tilespmem:$0x1EC40] =	vst v63  }
0x5f: {  	s9 =	smin.u32 s4, $0x43;
	_ =	swait.ge [sflag:s14], $0x2000  }
0x60: {  	s8 =	sshll.u32 s9, $0x7;
	[sflag:s14] =	ssyncset.done $0x0  }
0x61: {  	s8 =	sadd.s32 $0x600, s8;
	[sflag:s14] =	ssyncadd.s32 $0xFFFFE000  }
0x62: {  	[tilespmem:s24], [sflag:$0x5] =	stream.indirect.gather [hbm4b:s0+s16], $0x40, s8, s16, $0xb8;
	[tilespmem:$0x1EC40] =	vst v63  }
0x63: {  	_ =	swait.ge [sflag:s2], $0x2000  }
0x64: {  	[sflag:s2] =	ssyncset.done $0x0  }
0x65: {  	s10 =	simm.s32 $0x2A80;
	[sflag:s2] =	ssyncadd.s32 $0xFFFFE000  }
0x66: {  	[spmem:s3] =	stream.indirect.scatter.add.bf16 [tilespmem:s26], [sflag:$0x9], $0x40, s10, s16, $0xb8;
	[tilespmem:$0x1EC40] =	vst v63  }
0x67: {  	s11 =	smin.u32 s4, $0x42;
	_ =	swait.ge [sflag:s14], $0x2000  }
0x68: {  	s8 =	sshll.u32 s11, $0x7;
	[sflag:s14] =	ssyncset.done $0x0  }
0x69: {  	s8 =	sadd.s32 $0x680, s8;
	[sflag:s14] =	ssyncadd.s32 $0xFFFFE000  }
0x6a: {  	[tilespmem:s26], [sflag:$0x6] =	stream.indirect.gather [hbm4b:s0+s16], $0x40, s8, s16, $0xb8;
	[tilespmem:$0x1EC40] =	vst v63  }
0x6b: {  	_ =	swait.ge [sflag:s25], $0x2000  }
0x6c: {  	[sflag:s25] =	ssyncset.done $0x0  }
0x6d: {  	s9 =	simm.s32 $0x2B00;
	[sflag:s25] =	ssyncadd.s32 $0xFFFFE000  }
0x6e: {  	[spmem:s3] =	stream.indirect.scatter.add.bf16 [tilespmem:s29], [sflag:$0x9], $0x40, s9, s16, $0xb8;
	[tilespmem:$0x1EC40] =	vst v63  }
0x6f: {  	s10 =	smin.u32 s4, $0x41;
	_ =	swait.ge [sflag:s14], $0x2000  }
0x70: {  	s8 =	sshll.u32 s10, $0x7;
	[sflag:s14] =	ssyncset.done $0x0  }
0x71: {  	s8 =	sadd.s32 $0x700, s8;
	[sflag:s14] =	ssyncadd.s32 $0xFFFFE000  }
0x72: {  	[tilespmem:s29], [sflag:$0x7] =	stream.indirect.gather [hbm4b:s0+s16], $0x40, s8, s16, $0xb8;
	[tilespmem:$0x1EC40] =	vst v63  }
0x73: {  	_ =	swait.ge [sflag:s28], $0x2000  }
0x74: {  	[sflag:s28] =	ssyncset.done $0x0  }
0x75: {  	s11 =	simm.s32 $0x2B80;
	s9 =	smin.u32 s4, $0x40;
	[sflag:s28] =	ssyncadd.s32 $0xFFFFE000  }
0x76: {  	[spmem:s3] =	stream.indirect.scatter.add.bf16 [tilespmem:s31], [sflag:$0x9], $0x40, s11, s16, $0xb8;
	[tilespmem:$0x1EC40] =	vst v63  }
0x77: {  	s9 =	sshll.u32 s9, $0x7;
	_ =	swait.ge [sflag:s14], $0x2000  }
0x78: {  	s10 =	sadd.s32 $0x780, s9;
	[sflag:s14] =	ssyncset.done $0x0  }
0x79: {  	s9 =	simm.s32 $0x8;
	s8 =	simm.s32 $0x1000;
	[sflag:s14] =	ssyncadd.s32 $0xFFFFE000  }
.LBB2_2:
0x7a: {  	[tilespmem:s31], [sflag:$0x8] =	stream.indirect.gather [hbm4b:s0+s16], $0x40, s10, s16, $0xb8;
	[tilespmem:$0x1EC40] =	vst v63  }
0x7b: {  	s10 =	smov.u32 s8  }
0x7c: {  	p1 =	sne.s32 s8, $0x9000;
	s8 =	sadd.s32 $0x1000, s8;
	_ =	swait.ge [sflag:s1], $0x2000  }
0x7d: {  	s10 =	sshra.s32 s10, $0x2;
	[sflag:s1] =	ssyncset.done $0x0  }
0x7e: {  	s11 =	sadd.s32 $0x2800, s10;
	[sflag:s1] =	ssyncadd.s32 $0xFFFFE000  }
0x7f: {  	[spmem:s3] =	stream.indirect.scatter.add.bf16 [tilespmem:s17], [sflag:$0x9], $0x40, s11, s16, $0xb8;
	[tilespmem:$0x1EC40] =	vst v63  }
0x80: {  	s11 =	smin.u32 s9, $0x47;
	_ =	swait.ge [sflag:s14], $0x2000  }
0x81: {  	s11 =	sshll.u32 s11, $0x7;
	[sflag:s14] =	ssyncset.done $0x0  }
0x82: {  	s11 =	sadd.s32 $0x400, s11;
	[sflag:s14] =	ssyncadd.s32 $0xFFFFE000  }
0x83: {  	[tilespmem:s17], [sflag:$0x1] =	stream.indirect.gather [hbm4b:s0+s16], $0x40, s11, s16, $0xb8;
	[tilespmem:$0x1EC40] =	vst v63  }
0x84: {  	_ =	swait.ge [sflag:s15], $0x2000  }
0x85: {  	[sflag:s15] =	ssyncset.done $0x0  }
0x86: {  	s11 =	sadd.s32 $0x2880, s10;
	[sflag:s15] =	ssyncadd.s32 $0xFFFFE000  }
0x87: {  	[spmem:s3] =	stream.indirect.scatter.add.bf16 [tilespmem:s18], [sflag:$0x9], $0x40, s11, s16, $0xb8;
	[tilespmem:$0x1EC40] =	vst v63  }
0x88: {  	s11 =	smin.u32 s9, $0x46;
	_ =	swait.ge [sflag:s14], $0x2000  }
0x89: {  	s11 =	sshll.u32 s11, $0x7;
	[sflag:s14] =	ssyncset.done $0x0  }
0x8a: {  	s11 =	sadd.s32 $0x480, s11;
	[sflag:s14] =	ssyncadd.s32 $0xFFFFE000  }
0x8b: {  	[tilespmem:s18], [sflag:$0x2] =	stream.indirect.gather [hbm4b:s0+s16], $0x40, s11, s16, $0xb8;
	[tilespmem:$0x1EC40] =	vst v63  }
0x8c: {  	_ =	swait.ge [sflag:s19], $0x2000  }
0x8d: {  	[sflag:s19] =	ssyncset.done $0x0  }
0x8e: {  	s11 =	sadd.s32 $0x2900, s10;
	[sflag:s19] =	ssyncadd.s32 $0xFFFFE000  }
0x8f: {  	[spmem:s3] =	stream.indirect.scatter.add.bf16 [tilespmem:s20], [sflag:$0x9], $0x40, s11, s16, $0xb8;
	[tilespmem:$0x1EC40] =	vst v63  }
0x90: {  	s11 =	smin.u32 s9, $0x45;
	_ =	swait.ge [sflag:s14], $0x2000  }
0x91: {  	s11 =	sshll.u32 s11, $0x7;
	[sflag:s14] =	ssyncset.done $0x0  }
0x92: {  	s11 =	sadd.s32 $0x500, s11;
	[sflag:s14] =	ssyncadd.s32 $0xFFFFE000  }
0x93: {  	[tilespmem:s20], [sflag:$0x3] =	stream.indirect.gather [hbm4b:s0+s16], $0x40, s11, s16, $0xb8;
	[tilespmem:$0x1EC40] =	vst v63  }
0x94: {  	_ =	swait.ge [sflag:s21], $0x2000  }
0x95: {  	[sflag:s21] =	ssyncset.done $0x0  }
0x96: {  	s11 =	sadd.s32 $0x2980, s10;
	[sflag:s21] =	ssyncadd.s32 $0xFFFFE000  }
0x97: {  	[spmem:s3] =	stream.indirect.scatter.add.bf16 [tilespmem:s22], [sflag:$0x9], $0x40, s11, s16, $0xb8;
	[tilespmem:$0x1EC40] =	vst v63  }
0x98: {  	s11 =	smin.u32 s9, $0x44;
	_ =	swait.ge [sflag:s14], $0x2000  }
0x99: {  	s11 =	sshll.u32 s11, $0x7;
	[sflag:s14] =	ssyncset.done $0x0  }
0x9a: {  	s11 =	sadd.s32 $0x580, s11;
	[sflag:s14] =	ssyncadd.s32 $0xFFFFE000  }
0x9b: {  	[tilespmem:s22], [sflag:$0x4] =	stream.indirect.gather [hbm4b:s0+s16], $0x40, s11, s16, $0xb8;
	[tilespmem:$0x1EC40] =	vst v63  }
0x9c: {  	_ =	swait.ge [sflag:s23], $0x2000  }
0x9d: {  	[sflag:s23] =	ssyncset.done $0x0  }
0x9e: {  	s11 =	sadd.s32 $0x2A00, s10;
	[sflag:s23] =	ssyncadd.s32 $0xFFFFE000  }
0x9f: {  	[spmem:s3] =	stream.indirect.scatter.add.bf16 [tilespmem:s24], [sflag:$0x9], $0x40, s11, s16, $0xb8;
	[tilespmem:$0x1EC40] =	vst v63  }
0xa0: {  	s11 =	smin.u32 s9, $0x43;
	_ =	swait.ge [sflag:s14], $0x2000  }
0xa1: {  	s11 =	sshll.u32 s11, $0x7;
	[sflag:s14] =	ssyncset.done $0x0  }
0xa2: {  	s11 =	sadd.s32 $0x600, s11;
	[sflag:s14] =	ssyncadd.s32 $0xFFFFE000  }
0xa3: {  	[tilespmem:s24], [sflag:$0x5] =	stream.indirect.gather [hbm4b:s0+s16], $0x40, s11, s16, $0xb8;
	[tilespmem:$0x1EC40] =	vst v63  }
0xa4: {  	_ =	swait.ge [sflag:s2], $0x2000  }
0xa5: {  	[sflag:s2] =	ssyncset.done $0x0  }
0xa6: {  	s11 =	sadd.s32 $0x2A80, s10;
	[sflag:s2] =	ssyncadd.s32 $0xFFFFE000  }
0xa7: {  	[spmem:s3] =	stream.indirect.scatter.add.bf16 [tilespmem:s26], [sflag:$0x9], $0x40, s11, s16, $0xb8;
	[tilespmem:$0x1EC40] =	vst v63  }
0xa8: {  	s11 =	smin.u32 s9, $0x42;
	_ =	swait.ge [sflag:s14], $0x2000  }
0xa9: {  	s11 =	sshll.u32 s11, $0x7;
	[sflag:s14] =	ssyncset.done $0x0  }
0xaa: {  	s11 =	sadd.s32 $0x680, s11;
	[sflag:s14] =	ssyncadd.s32 $0xFFFFE000  }
0xab: {  	[tilespmem:s26], [sflag:$0x6] =	stream.indirect.gather [hbm4b:s0+s16], $0x40, s11, s16, $0xb8;
	[tilespmem:$0x1EC40] =	vst v63  }
0xac: {  	_ =	swait.ge [sflag:s25], $0x2000  }
0xad: {  	[sflag:s25] =	ssyncset.done $0x0  }
0xae: {  	s11 =	sadd.s32 $0x2B00, s10;
	[sflag:s25] =	ssyncadd.s32 $0xFFFFE000  }
0xaf: {  	[spmem:s3] =	stream.indirect.scatter.add.bf16 [tilespmem:s29], [sflag:$0x9], $0x40, s11, s16, $0xb8;
	[tilespmem:$0x1EC40] =	vst v63  }
0xb0: {  	s11 =	smin.u32 s9, $0x41;
	_ =	swait.ge [sflag:s14], $0x2000  }
0xb1: {  	s11 =	sshll.u32 s11, $0x7;
	[sflag:s14] =	ssyncset.done $0x0  }
0xb2: {  	s11 =	sadd.s32 $0x700, s11;
	[sflag:s14] =	ssyncadd.s32 $0xFFFFE000  }
0xb3: {  	[tilespmem:s29], [sflag:$0x7] =	stream.indirect.gather [hbm4b:s0+s16], $0x40, s11, s16, $0xb8;
	[tilespmem:$0x1EC40] =	vst v63  }
0xb4: {  	_ =	swait.ge [sflag:s28], $0x2000  }
0xb5: {  	[sflag:s28] =	ssyncset.done $0x0  }
.Ltmp0:
0xb6: {  	s10 =	sadd.s32 $0x2B80, s10;
	[sflag:s28] =	ssyncadd.s32 $0xFFFFE000;
	(pc) =	sbr.rel @p1 .LBB2_2-.Ltmp0, $4  }
0xb7: {  	[spmem:s3] =	stream.indirect.scatter.add.bf16 [tilespmem:s31], [sflag:$0x9], $0x40, s10, s16, $0xb8;
	[tilespmem:$0x1EC40] =	vst v63  }
0xb8: {  	s10 =	smin.u32 s9, $0x40;
	_ =	swait.ge [sflag:s14], $0x2000  }
0xb9: {  	s10 =	sshll.u32 s10, $0x7;
	[sflag:s14] =	ssyncset.done $0x0  }
0xba: {  	s9 =	sadd.s32 $0x8, s9;
	s10 =	sadd.s32 $0x780, s10;
	[sflag:s14] =	ssyncadd.s32 $0xFFFFE000  }
0xbb: {  	[tilespmem:s31], [sflag:$0x8] =	stream.indirect.gather [hbm4b:s0+s16], $0x40, s10, s16, $0xb8;
	[tilespmem:$0x1EC40] =	vst v63  }
0xbc: {  	_ =	swait.ge [sflag:s1], $0x2000  }
0xbd: {  	[sflag:s1] =	ssyncset.done $0x0  }
0xbe: {  	[sflag:s1] =	ssyncadd.s32 $0xFFFFE000  }
0xbf: {  	_ =	swait.ge [sflag:s15], $0x2000  }
0xc0: {  	[sflag:s15] =	ssyncset.done $0x0  }
0xc1: {  	[sflag:s15] =	ssyncadd.s32 $0xFFFFE000  }
0xc2: {  	_ =	swait.ge [sflag:s19], $0x2000  }
0xc3: {  	[sflag:s19] =	ssyncset.done $0x0  }
0xc4: {  	[sflag:s19] =	ssyncadd.s32 $0xFFFFE000  }
0xc5: {  	_ =	swait.ge [sflag:s21], $0x2000  }
0xc6: {  	[sflag:s21] =	ssyncset.done $0x0  }
0xc7: {  	[sflag:s21] =	ssyncadd.s32 $0xFFFFE000  }
0xc8: {  	_ =	swait.ge [sflag:s23], $0x2000  }
0xc9: {  	[sflag:s23] =	ssyncset.done $0x0  }
0xca: {  	[sflag:s23] =	ssyncadd.s32 $0xFFFFE000  }
0xcb: {  	_ =	swait.ge [sflag:s2], $0x2000  }
0xcc: {  	[sflag:s2] =	ssyncset.done $0x0  }
0xcd: {  	[sflag:s2] =	ssyncadd.s32 $0xFFFFE000  }
0xce: {  	_ =	swait.ge [sflag:s25], $0x2000  }
0xcf: {  	[sflag:s25] =	ssyncset.done $0x0  }
0xd0: {  	[sflag:s25] =	ssyncadd.s32 $0xFFFFE000  }
0xd1: {  	_ =	swait.ge [sflag:s28], $0x2000  }
0xd2: {  	[sflag:s28] =	ssyncset.done $0x0  }
0xd3: {  	[sflag:s28] =	ssyncadd.s32 $0xFFFFE000  }
0xd4: {  	s8 =	simm.s32 @p0 $0x1FC9;
	[bflag:$0x0] =	sbarrier.arrive $0xFFFF  }
0xd5: {  	[hbm:s12], [sflag:s8] =	dma.local @p0 [spmem:s5], $0xC80  }
0xd6: {  	s5 =	simm.s32 @p0 $0x9  }
0xd7: {  	_ =	swait.ge @p0 [sflag:s5], $0xC80  }
0xd8: {  	s30 =	sadd.s32 $0x1, s30;
	[sflag:s5] =	ssyncset.done @p0 $0x0  }
0xd9: {  	p1 =	sne.s32 s30, s13;
	[sflag:s5] =	ssyncadd.s32 @p0 $0xFFFFF380;
	s5 =	rddreg [dreg:$0xa]  }
0xda: {  	[hbm:s5], [sflag:s6] =	dma.local @!p0 [spmem:s7], $0x1400  }
.Ltmp1:
0xdb: {  	_ = 	snop;
	(pc) =	sbr.rel @p1 .LBB2_1-.Ltmp1, $4  }
0xdc: {  	s5 =	simm.s32 @!p0 $0x9  }
0xdd: {  	_ =	swait.ge @!p0 [sflag:s5], $0x1400  }
0xde: {  	[sflag:s5] =	ssyncset.done @!p0 $0x0  }
0xdf: {  	[sflag:s5] =	ssyncadd.s32 @!p0 $0xFFFFEC00  }
0xe0: {  	_ =	sfence.sel $0x180000  }
0xe1: {  	[bflag:$0x0] =	sbarrier.arrive $0xFFFF  }
0xe2: {  	_ =	strace $0x9000004A  }
0xe3: {  	s0 =	stileid.u32;
	[bflag:$0x2] =	sbarrier.arrive $0xFFFF  }
0xe4: {  	p0 =	sne.s32 s0, $0x0;
	s0 =	rddreg [dreg:$0x3]  }
0xe5: {  	s0 =	sadd.s32 @!p0 $0x100000, s0  }
0xe6: {  	[sflag:s0] =	ssyncadd.tile.s32 @!p0 $0x1;
	_ =	shalt  }
.Lfunc_end2:
_tile_overlayer_lowered:
.L_overlay_start_2:
0xe7: {  	(tag) =	ssettag $0x2  }
0xe8: {  	s0 =	rddreg [dreg:$0x0];
	s2 =	stileid.u32  }
0xe9: {  	s1 =	rddreg [dreg:$0x1];
	p0 =	sne.s32 s2, $0x0  }
0xea: {  	s3 =	rddreg [dreg:$0x2];
	[bflag:$0x3] =	sbarrier.arrive $0xFFFF;
	s2 =	simm.s32 @!p0 $0x1C09  }
0xeb: {  	[timem:s3], [sflag:s2] =	dma.local @!p0 [hbm:s0], s1  }
0xec: {  	s0 =	simm.s32 @!p0 $0x9  }
0xed: {  	_ =	swait.ge @!p0 [sflag:s0], s1  }
0xee: {  	s1 =	ssub.s32 @!p0 $0x0, s1;
	[sflag:s0] =	ssyncset.done @!p0 $0x0  }
0xef: {  	[sflag:s0] =	ssyncadd.s32 @!p0 s1  }
0xf0: {  	[bflag:$0x3] =	sbarrier.arrive $0xFFFF  }
0xf1: {  	_ =	shalt  }

// kernel: kernel.14.cloned.1.call-start
scs
__scs_entry_jumppad:
0x0: {  	(pc) =	sbr.rel $0x88, $3  }
0x1: {  	(tag) =	ssettag $0x0;
	lr =	simm.s32 $0x1  }
0x2: {  	[smem:$0x3F99] =	sst lr;
	_ =	strace $0xD0000000  }
0x3: {  	_ = 	snop  }
0x4: {  	_ = 	snop  }
0x5: {  	_ = 	snop  }
0x6: {  	_ = 	snop  }
0x7: {  	_ = 	snop  }
__scs_overlays_trampoline_lowered:
0x8: {  	[smem:$0x3FA8] =	sst s0  }
0x9: {  	[smem:$0x3FA9] =	sst s1  }
0xa: {  	[smem:$0x3FAA] =	sst s2  }
0xb: {  	[smem:$0x3FAB] =	sst s3  }
0xc: {  	[smem:$0x3FAC] =	sst s4  }
0xd: {  	[smem:$0x3FAD] =	sst s5  }
0xe: {  	[smem:$0x3FAE] =	sst s6  }
0xf: {  	[smem:$0x3FAF] =	sst s7  }
0x10: {  	[smem:$0x3FB0] =	sst s8  }
0x11: {  	[smem:$0x3FB1] =	sst s9;
	s0 =	simm.s32 @!p0 $0x0  }
0x12: {  	s1 =	sld [smem:$0x3F97];
	s0 =	simm.s32 @p0 $0x1  }
0x13: {  	[smem:$0x3FB2] =	sst s0;
	s0 =	simm.s32 @!p1 $0x0  }
0x14: {  	s2 =	sld [smem:$0x3F96];
	s0 =	simm.s32 @p1 $0x1  }
0x15: {  	[smem:$0x3FB3] =	sst s0;
	s0 =	simm.s32 @!p2 $0x0  }
0x16: {  	s3 =	sld [smem:$0x3FDB];
	s0 =	simm.s32 @p2 $0x1  }
0x17: {  	s4 =	simm.s32 $0x1BF5;
	[smem:$0x3FB5] =	sst s0  }
0x18: {  	s0 =	sld [smem:$0x3F98];
	_ =	swait.ge [sflag:s4], $0x0  }
0x19: {  	s7 =	sld [smem:$0x3F99]  }
0x1a: {  	s8 =	sadd.s32 $0xFFFFE003, lr  }
0x1b: {  	s9 =	sadd.s32 $0xFFFFFEF7, lr;
	s5 =	simm.s32 $0xFFFFFFFF;
	p2 =	slt.u32 s8, $0xFFFFF086  }
0x1c: {  	p1 =	slt.u32 s9, $0xF7A;
	s5 =	simm.s32 @!p2 $0x0  }
0x1d: {  	s5 =	simm.s32 @p1 $0x1;
	p0 =	seq.s32 s7, s2  }
0x1e: {  	s7 =	smul.u32 @!p0 $0xF7A, s2;
	p2 =	seq.s32 @!p0 s5, $0x0  }
0x1f: {  	s9 =	smul.u32 $0xF7A, s1;
	s8 =	simm.s32 @!p0 $0x1BF5;
	p2 =	por !p2, p0  }
0x20: {  	[sflag:s8] =	ssyncset.s32 @!p0 $0xFFFFF086;
	s6 =	sadd.s32 @!p0 s3, s7;
	s7 =	simm.s32 @!p0 $0x108  }
0x21: {  	s3 =	sadd.s32 s3, s9;
	s6 =	sadd.s32 @!p0 $0x88, s6;
	s7 =	simm.s32 @p2 $0x1082  }
0x22: {  	[simem:s7], [sflag:s8] =	dma.local @!p0 [hbm:s6], $0xF7A  }
0x23: {  	s9 =	sor.u32 $0xD0000000, s2;
	s6 =	simm.s32 $0x108;
	_ =	swait.ge @!p0 [sflag:s8], $0x0  }
0x24: {  	s3 =	sadd.s32 $0x88, s3;
	s6 =	simm.s32 @!p1 $0x1082;
	[sflag:s4] =	ssyncset.s32 $0xFFFFF086  }
0x25: {  	[simem:s6], [sflag:s4] =	dma.local [hbm:s3], $0xF7A  }
0x26: {  	[smem:$0x3F99] =	sst s1;
	(tag) =	ssettag s2;
	_ =	strace s9  }
0x27: {  	s1 =	sld [smem:$0x3FA9]  }
0x28: {  	s2 =	sld [smem:$0x3FAA]  }
0x29: {  	s4 =	sld [smem:$0x3FAC]  }
0x2a: {  	p0 =	seq.s32 s5, $0x0;
	s5 =	sld [smem:$0x3FAD]  }
0x2b: {  	s6 =	sld [smem:$0x3FAE]  }
0x2c: {  	s7 =	sld [smem:$0x3FAF]  }
0x2d: {  	s3 =	simm.s32 $0x108;
	s8 =	sld [smem:$0x3FB0]  }
0x2e: {  	s3 =	simm.s32 @!p0 $0x1082;
	s9 =	sld [smem:$0x3FB1]  }
0x2f: {  	lr =	sadd.s32 s0, s3;
	s0 =	sld [smem:$0x3FA8]  }
0x30: {  	s3 =	sld [smem:$0x3FAB]  }
0x31: {  	[smem:$0x3FB4] =	sst s10  }
0x32: {  	s10 =	sld [smem:$0x3FB2];
	_ =	sdelay $0x3  }
0x33: {  	p0 =	seq.s32 s10, $0x1;
	s10 =	sld [smem:$0x3FB4];
	_ =	sdelay $0x3  }
0x34: {  	[smem:$0x3FB4] =	sst s10  }
0x35: {  	s10 =	sld [smem:$0x3FB3];
	_ =	sdelay $0x3  }
0x36: {  	p1 =	seq.s32 s10, $0x1;
	s10 =	sld [smem:$0x3FB4];
	_ =	sdelay $0x3  }
0x37: {  	[smem:$0x3FB4] =	sst s10  }
0x38: {  	s10 =	sld [smem:$0x3FB5]  }
0x39: {  	_ = 	snop;
	(pc) =	sbr.ind lr, $3  }
0x3a: {  	_ = 	snop  }
0x3b: {  	_ = 	snop  }
0x3c: {  	p2 =	seq.s32 s10, $0x1;
	s10 =	sld [smem:$0x3FB4]  }
0x3d: {  	_ =	shalt  }
0x3e: {  	_ =	shalt  }
0x3f: {  	_ =	shalt  }
0x40: {  	_ =	shalt  }
0x41: {  	_ =	shalt  }
0x42: {  	_ =	shalt  }
0x43: {  	_ =	shalt  }
0x44: {  	_ =	shalt  }
0x45: {  	_ =	shalt  }
0x46: {  	_ =	shalt  }
0x47: {  	_ =	shalt  }
0x48: {  	_ =	shalt  }
0x49: {  	_ =	shalt  }
0x4a: {  	_ =	shalt  }
0x4b: {  	_ =	shalt  }
0x4c: {  	_ =	shalt  }
0x4d: {  	_ =	shalt  }
0x4e: {  	_ =	shalt  }
0x4f: {  	_ =	shalt  }
0x50: {  	_ =	shalt  }
0x51: {  	_ =	shalt  }
0x52: {  	_ =	shalt  }
0x53: {  	_ =	shalt  }
0x54: {  	_ =	shalt  }
0x55: {  	_ =	shalt  }
0x56: {  	_ =	shalt  }
0x57: {  	_ =	shalt  }
0x58: {  	_ =	shalt  }
0x59: {  	_ =	shalt  }
0x5a: {  	_ =	shalt  }
0x5b: {  	_ =	shalt  }
0x5c: {  	_ =	shalt  }
0x5d: {  	_ =	shalt  }
0x5e: {  	_ =	shalt  }
0x5f: {  	_ =	shalt  }
0x60: {  	_ =	shalt  }
0x61: {  	_ =	shalt  }
0x62: {  	_ =	shalt  }
0x63: {  	_ =	shalt  }
0x64: {  	_ =	shalt  }
0x65: {  	_ =	shalt  }
0x66: {  	_ =	shalt  }
0x67: {  	_ =	shalt  }
0x68: {  	_ =	shalt  }
0x69: {  	_ =	shalt  }
0x6a: {  	_ =	shalt  }
0x6b: {  	_ =	shalt  }
0x6c: {  	_ =	shalt  }
0x6d: {  	_ =	shalt  }
0x6e: {  	_ =	shalt  }
0x6f: {  	_ =	shalt  }
0x70: {  	_ =	shalt  }
0x71: {  	_ =	shalt  }
0x72: {  	_ =	shalt  }
0x73: {  	_ =	shalt  }
0x74: {  	_ =	shalt  }
0x75: {  	_ =	shalt  }
0x76: {  	_ =	shalt  }
0x77: {  	_ =	shalt  }
0x78: {  	_ =	shalt  }
0x79: {  	_ =	shalt  }
0x7a: {  	_ =	shalt  }
0x7b: {  	_ =	shalt  }
0x7c: {  	_ =	shalt  }
0x7d: {  	_ =	shalt  }
0x7e: {  	_ =	shalt  }
0x7f: {  	_ =	shalt  }
0x80: {  	_ =	shalt  }
0x81: {  	_ =	shalt  }
0x82: {  	_ =	shalt  }
0x83: {  	_ =	shalt  }
0x84: {  	_ =	shalt  }
0x85: {  	_ =	shalt  }
0x86: {  	_ =	shalt  }
0x87: {  	_ =	shalt  }
.Lfunc_end0:
.L_simem_size_0:
called_computation.2_lowered:
.L_overlay_start_0:
0x88: {  	s2 =	sld [smem:$0x3FD9]  }
0x89: {  	s3 =	sld [smem:$0x3FFE];
	_ =	sdelay $0x1  }
0x8a: {  	s1 =	srdreg.scid  }
0x8b: {  	s0 =	sand.u32 $0x1, s1  }
0x8c: {  	s17 =	sshll.u32 s0, $0xA;
	s2 =	sadd.s32 s3, s2  }
0x8d: {  	s2 =	sadd.s32 s2, s17  }
0x8e: {  	[smem:$0x3FC0] =	sst s2  }
0x8f: {  	_ = 	snop  }
0x90: {  	s2 =	sld [smem:$0x3FD0];
	(tm) =	ssettm $0x1  }
0x91: {  	s18 =	sld [smem:$0x3FFB];
	_ =	sdelay $0x3  }
0x92: {  	_ =	strace s18  }
0x93: {  	s3 =	sld [smem:$0x3FFC];
	_ =	sdelay $0x3  }
0x94: {  	_ =	strace s3  }
0x95: {  	s3 =	sld [smem:$0x3FFD];
	_ =	sdelay $0x3  }
0x96: {  	_ =	strace s3  }
0x97: {  	_ =	strace $0x8FFFFFFF  }
0x98: {  	s19 =	sld [smem:$0x3FDB];
	_ =	sdelay $0x1  }
0x99: {  	s4 =	simm.s32 $_scs_section_size  }
0x9a: {  	s5 =	simm.s32 $_size__tile_overlayer_lowered;
	s6 =	simm.s32 $_tile_overlayer_lowered  }
0x9b: {  	s22 =	simm.s32 $0x1BFF;
	s21 =	sshll.u32 s6, $0x1;
	s3 =	sadd.s32 s4, s19  }
0x9c: {  	s7 =	simm.s32 $0x0;
	s20 =	sshll.u32 s5, $0x1;
	s5 =	sadd.s32 s21, s3  }
0x9d: {  	[timem:s7], [sflag:s22] =	dma.local [hbm:s5], s20  }
0x9e: {  	_ =	swait.ge [sflag:s22], s20  }
0x9f: {  	s4 =	ssub.s32 $0x0, s20;
	[sflag:s22] =	ssyncset.done $0x0  }
0xa0: {  	[sflag:s22] =	ssyncadd.s32 s4;
	_ =	sdelay $0x1  }
0xa1: {  	s23 =	simm.s32 $0x1B8B  }
0xa2: {  	_ =	swait.ge [sflag:s23], $0x1  }
0xa3: {  	[sflag:s23] =	ssyncset.done $0x0  }
0xa4: {  	s25 =	simm.s32 $0x1B8E;
	s24 =	sld [smem:$0x3FFE];
	[sflag:s23] =	ssyncadd.s32 $0xFFFFFFFF  }
0xa5: {  	s26 =	simm.s32 $execute0_lowered;
	[smem:$0x3FD2] =	sst s25  }
0xa6: {  	s5 =	sshll.u32 s26, $0x1;
	_ =	strace $0x8000004C;
	[dreg:$0x1] =	wrdreg $0xFFFFFFFF  }
0xa7: {  	s28 =	simm.s32 $_size_execute0_lowered;
	s3 =	sadd.s32 s3, s5;
	[dreg:$0x0] =	wrdreg $0x0  }
0xa8: {  	s5 =	sshll.u32 s28, $0x1;
	[dreg:$0x2] =	wrdreg s3  }
0xa9: {  	[dreg:$0x3] =	wrdreg s5  }
0xaa: {  	[dreg:$0x4] =	wrdreg $0xC0  }
0xab: {  	_ =	task [dreg:s7], $0x5FFFF  }
0xac: {  	[dreg:$0x1] =	wrdreg $0xFFFFFFFF  }
0xad: {  	[dreg:$0x0] =	wrdreg $0x60  }
0xae: {  	[dreg:$0x2] =	wrdreg s24  }
0xaf: {  	[dreg:$0x3] =	wrdreg s2  }
0xb0: {  	[dreg:$0x4] =	wrdreg $0xD0000  }
0xb1: {  	[dreg:$0x5] =	wrdreg $0x9  }
0xb2: {  	_ =	task.clear_ibuf [dreg:s7], $0x6FFFF;
	_ =	strace $0x9000004C  }
0xb3: {  	s29 =	simm.s32 $0x9;
	_ =	strace $0x8000004E  }
0xb4: {  	_ =	swait.ge [sflag:s29], $0x1  }
0xb5: {  	[sflag:s29] =	ssyncadd.s32 $0xFFFFFFFF  }
0xb6: {  	_ =	strace $0x9000004E  }
0xb7: {  	_ =	sfence  }
0xb8: {  	s30 =	sld [smem:$0x0];
	_ =	sdelay $0x2  }
0xb9: {  	s31 =	sshll.u32 s1, $0xD;
	s1 =	sshrl.u32 s1, $0x2  }
0xba: {  	s3 =	sand.u32 $0x4000, s31;
	s1 =	sadd.s32 s1, s30  }
0xbb: {  	s0 =	sor.u32 s3, s0;
	s1 =	sshll.u32 s1, $0x11  }
0xbc: {  	s0 =	sor.u32 s1, s0  }
0xbd: {  	s0 =	sadd.s32 $0x8F2B, s0  }
0xbe: {  	[sflag:s0] =	ssyncadd.remote.s32 $0x1  }
0xbf: {  	_ =	sfence.sel $0xFFFF  }
0xc0: {  	[dreg:$0x0] =	wrdreg $0xFFFFFFFF;
	(pc) =	sbr.abs _section_cstart, $3  }
0xc1: {  	[dreg:$0x1] =	wrdreg $0xFFFFFFFF  }
0xc2: {  	_ =	task.clear_ibuf [dreg:s7], $0x2FFFF;
	_ =	strace $0x9FFFFFFF  }
0xc3: {  	(tm) =	ssettm $0x7FFFFFFF  }
tec
execute0_lowered:
.L_overlay_start_1:
0x0: {  	(tag) =	ssettag $0x1  }
0x1: {  	s0 =	rddreg [dreg:$0x0]  }
0x2: {  	s5 =	rddreg [dreg:$0x1]  }
0x3: {  	s1 =	srdreg.scid;
	s2 =	rddreg [dreg:$0x2]  }
0x4: {  	s11 =	stileid.u32;
	s3 =	simm.s32 $0x0;
	s14 =	simm.s32 $0x9  }
0x5: {  	s16 =	simm.s32 $0x80;
	s17 =	simm.s32 $0x5000;
	s18 =	simm.s32 $0x6000  }
0x6: {  	s29 =	simm.s32 $0xB000;
	s31 =	simm.s32 $0xC000;
	s15 =	simm.s32 $0x2  }
0x7: {  	s19 =	simm.s32 $0x3;
	s28 =	simm.s32 $0x8;
	s30 =	simm.s32 $0x0  }
0x8: {  	s1 =	sand.u32 $0x1, s1;
	[smem:$0x7FF] =	sst s3;
	s9 =	smul.u32 $0xA000, s11  }
0x9: {  	s24 =	sadd.s32 $0x4B000, s2;
	p0 =	seq.s32 s11, $0xF;
	s4 =	sshll.u32 s1, $0x4  }
0xa: {  	_ =	strace $0x8000004D;
	s6 =	ssub.s32 $0x2, s1;
	s1 =	smul.u32 $0x9C400, s1  }
0xb: {  	[dreg:$0x8] =	wrdreg s24;
	s24 =	simm.s32 $0x9000;
	s4 =	sor.u32 s11, s4  }
0xc: {  	s8 =	sshrl.u32 s6, $0x1;
	s21 =	sshrl.u32 s9, $0x1;
	s10 =	sshrl.u32 s9, $0x4  }
0xd: {  	s4 =	smul.u32 $0x500, s4;
	s6 =	ssub.s32 s6, s8;
	s22 =	sadd.s32 s21, s2  }
0xe: {  	s25 =	sadd.s32 s9, s1;
	s1 =	sshrl.u32 s1, $0x4;
	s21 =	simm.s32 $0x4  }
0xf: {  	[dreg:$0x6] =	wrdreg s22;
	s26 =	sshrl.u32 s25, $0x4;
	s1 =	sadd.s32 s5, s1  }
0x10: {  	s7 =	sadd.s32 s4, s0;
	s4 =	sadd.s32 $0x16400, s0;
	s0 =	sadd.s32 $0x1FA00, s0  }
0x11: {  	s13 =	smax.u32 s6, $0x1;
	s20 =	sadd.s32 $0x2400, s7;
	[dreg:$0x9] =	wrdreg s0  }
0x12: {  	s22 =	simm.s32 $0x8000;
	s7 =	sadd.s32 $0xC400, s7;
	[dreg:$0x4] =	wrdreg s20  }
0x13: {  	s25 =	simm.s32 $0x7;
	s23 =	sadd.s32 s4, s10;
	[dreg:$0x5] =	wrdreg s7  }
0x14: {  	s12 =	sadd.s32 $0x9600, s1;
	s0 =	sadd.s32 s5, s26;
	[dreg:$0x7] =	wrdreg s23  }
0x15: {  	s1 =	simm.s32 $0x6;
	s26 =	simm.s32 $0xA000;
	[dreg:$0xa] =	wrdreg s0  }
0x16: {  	s20 =	simm.s32 $0x7000;
	s0 =	simm.s32 $0x1;
	s23 =	simm.s32 $0x5  }
.LBB2_1:
0x17: {  	s5 =	rddreg [dreg:$0x4]  }
0x18: {  	[tilespmem:s3], [sflag:$0x9] =	stream.linear.gather [hbm4b:s5+s3], $0x2800, $0x38;
	[tilespmem:$0x11E20] =	vst v63  }
0x19: {  	_ =	swait.ge [sflag:s14], $0x2800  }
0x1a: {  	[sflag:s14] =	ssyncset.done $0x0  }
0x1b: {  	s6 =	simm.s32 $0x2800;
	s8 =	rddreg [dreg:$0x5];
	[sflag:s14] =	ssyncadd.s32 $0xFFFFD800  }
0x1c: {  	[tilespmem:s6], [sflag:$0x9] =	stream.linear.gather [hbm4b:s8+s3], $0x2800, $0x38;
	[tilespmem:$0x11E20] =	vst v63  }
0x1d: {  	_ =	swait.ge [sflag:s14], $0x2800  }
0x1e: {  	[sflag:s14] =	ssyncset.done $0x0  }
0x1f: {  	[sflag:s14] =	ssyncadd.s32 $0xFFFFD800  }
0x20: {  	[tilespmem:s17], [sflag:$0x1] =	stream.indirect.gather [hbm4b:s4+s16], $0x20, s3, s16, $0xb8;
	[tilespmem:$0x11E20] =	vst v63  }
0x21: {  	_ = 	snop  }
0x22: {  	[tilespmem:s18], [sflag:$0x2] =	stream.indirect.gather [hbm4b:s4+s16], $0x20, s16, s16, $0xb8;
	[tilespmem:$0x11E20] =	vst v63  }
0x23: {  	s9 =	simm.s32 $0x100  }
0x24: {  	[tilespmem:s20], [sflag:$0x3] =	stream.indirect.gather [hbm4b:s4+s16], $0x20, s9, s16, $0xb8;
	[tilespmem:$0x11E20] =	vst v63  }
0x25: {  	s10 =	simm.s32 $0x180  }
0x26: {  	[tilespmem:s22], [sflag:$0x4] =	stream.indirect.gather [hbm4b:s4+s16], $0x20, s10, s16, $0xb8;
	[tilespmem:$0x11E20] =	vst v63  }
0x27: {  	s11 =	simm.s32 $0x200  }
0x28: {  	[tilespmem:s24], [sflag:$0x5] =	stream.indirect.gather [hbm4b:s4+s16], $0x20, s11, s16, $0xb8;
	[tilespmem:$0x11E20] =	vst v63  }
0x29: {  	s6 =	simm.s32 $0x280  }
0x2a: {  	[tilespmem:s26], [sflag:$0x6] =	stream.indirect.gather [hbm4b:s4+s16], $0x20, s6, s16, $0xb8;
	[tilespmem:$0x11E20] =	vst v63  }
0x2b: {  	s7 =	simm.s32 $0x300;
	s8 =	simm.s32 $0x380;
	s5 =	rddreg [dreg:$0x8]  }
0x2c: {  	[tilespmem:s29], [sflag:$0x7] =	stream.indirect.gather [hbm4b:s4+s16], $0x20, s7, s16, $0xb8;
	[tilespmem:$0x11E20] =	vst v63  }
0x2d: {  	s5 =	sshrl.u32 @p0 s5, $0x3;
	s6 =	simm.s32 @p0 $0x1FC9;
	s7 =	rddreg [dreg:$0x9]  }
0x2e: {  	[tilespmem:s31], [sflag:$0x8] =	stream.indirect.gather [hbm4b:s4+s16], $0x20, s8, s16, $0xb8;
	[tilespmem:$0x11E20] =	vst v63  }
0x2f: {  	[spmem:s5], [sflag:s6] =	dma.local @p0 [hbm:s7], $0x640  }
0x30: {  	s6 =	simm.s32 @p0 $0x9  }
0x31: {  	s7 =	stileid.u32;
	_ =	swait.ge @p0 [sflag:s6], $0x640  }
0x32: {  	s7 =	sshll.u32 @!p0 s7, $0x6;
	[sflag:s6] =	ssyncset.done @p0 $0x0  }
0x33: {  	[sflag:s6] =	ssyncadd.s32 @p0 $0xFFFFF9C0;
	s6 =	sor.u32 @!p0 $0x1C09, s7;
	s7 =	rddreg [dreg:$0x6]  }
0x34: {  	s8 =	rddreg [dreg:$0x7];
	s7 =	sshrl.u32 @!p0 s7, $0x3  }
0x35: {  	[spmem:s7], [sflag:s6] =	dma.local @!p0 [hbm:s8], $0xA00  }
0x36: {  	s8 =	simm.s32 @!p0 $0x9  }
0x37: {  	_ =	swait.ge @!p0 [sflag:s8], $0xA00  }
0x38: {  	[sflag:s8] =	ssyncset.done @!p0 $0x0  }
0x39: {  	[sflag:s8] =	ssyncadd.s32 @!p0 $0xFFFFF600  }
0x3a: {  	[bflag:$0x0] =	sbarrier.arrive $0xFFFF  }
0x3b: {  	_ =	swait.ge [sflag:s0], $0x1000  }
0x3c: {  	[sflag:s0] =	ssyncset.done $0x0  }
0x3d: {  	s9 =	simm.s32 $0x2800;
	[sflag:s0] =	ssyncadd.s32 $0xFFFFF000  }
0x3e: {  	[spmem:s2] =	stream.indirect.scatter.add.bf16 [tilespmem:s17], [sflag:$0x9], $0x20, s9, s16, $0xb8;
	[tilespmem:$0x11E20] =	vst v63  }
0x3f: {  	s10 =	smin.u32 s3, $0x47;
	_ =	swait.ge [sflag:s14], $0x1000  }
0x40: {  	s8 =	sshll.u32 s10, $0x7;
	[sflag:s14] =	ssyncset.done $0x0  }
0x41: {  	s8 =	sadd.s32 $0x400, s8;
	[sflag:s14] =	ssyncadd.s32 $0xFFFFF000  }
0x42: {  	[tilespmem:s17], [sflag:$0x1] =	stream.indirect.gather [hbm4b:s4+s16], $0x20, s8, s16, $0xb8;
	[tilespmem:$0x11E20] =	vst v63  }
0x43: {  	_ =	swait.ge [sflag:s15], $0x1000  }
0x44: {  	[sflag:s15] =	ssyncset.done $0x0  }
0x45: {  	s11 =	simm.s32 $0x2880;
	[sflag:s15] =	ssyncadd.s32 $0xFFFFF000  }
0x46: {  	[spmem:s2] =	stream.indirect.scatter.add.bf16 [tilespmem:s18], [sflag:$0x9], $0x20, s11, s16, $0xb8;
	[tilespmem:$0x11E20] =	vst v63  }
0x47: {  	s9 =	smin.u32 s3, $0x46;
	_ =	swait.ge [sflag:s14], $0x1000  }
0x48: {  	s8 =	sshll.u32 s9, $0x7;
	[sflag:s14] =	ssyncset.done $0x0  }
0x49: {  	s8 =	sadd.s32 $0x480, s8;
	[sflag:s14] =	ssyncadd.s32 $0xFFFFF000  }
0x4a: {  	[tilespmem:s18], [sflag:$0x2] =	stream.indirect.gather [hbm4b:s4+s16], $0x20, s8, s16, $0xb8;
	[tilespmem:$0x11E20] =	vst v63  }
0x4b: {  	_ =	swait.ge [sflag:s19], $0x1000  }
0x4c: {  	[sflag:s19] =	ssyncset.done $0x0  }
0x4d: {  	s10 =	simm.s32 $0x2900;
	[sflag:s19] =	ssyncadd.s32 $0xFFFFF000  }
0x4e: {  	[spmem:s2] =	stream.indirect.scatter.add.bf16 [tilespmem:s20], [sflag:$0x9], $0x20, s10, s16, $0xb8;
	[tilespmem:$0x11E20] =	vst v63  }
0x4f: {  	s11 =	smin.u32 s3, $0x45;
	_ =	swait.ge [sflag:s14], $0x1000  }
0x50: {  	s8 =	sshll.u32 s11, $0x7;
	[sflag:s14] =	ssyncset.done $0x0  }
0x51: {  	s8 =	sadd.s32 $0x500, s8;
	[sflag:s14] =	ssyncadd.s32 $0xFFFFF000  }
0x52: {  	[tilespmem:s20], [sflag:$0x3] =	stream.indirect.gather [hbm4b:s4+s16], $0x20, s8, s16, $0xb8;
	[tilespmem:$0x11E20] =	vst v63  }
0x53: {  	_ =	swait.ge [sflag:s21], $0x1000  }
0x54: {  	[sflag:s21] =	ssyncset.done $0x0  }
0x55: {  	s9 =	simm.s32 $0x2980;
	[sflag:s21] =	ssyncadd.s32 $0xFFFFF000  }
0x56: {  	[spmem:s2] =	stream.indirect.scatter.add.bf16 [tilespmem:s22], [sflag:$0x9], $0x20, s9, s16, $0xb8;
	[tilespmem:$0x11E20] =	vst v63  }
0x57: {  	s10 =	smin.u32 s3, $0x44;
	_ =	swait.ge [sflag:s14], $0x1000  }
0x58: {  	s8 =	sshll.u32 s10, $0x7;
	[sflag:s14] =	ssyncset.done $0x0  }
0x59: {  	s8 =	sadd.s32 $0x580, s8;
	[sflag:s14] =	ssyncadd.s32 $0xFFFFF000  }
0x5a: {  	[tilespmem:s22], [sflag:$0x4] =	stream.indirect.gather [hbm4b:s4+s16], $0x20, s8, s16, $0xb8;
	[tilespmem:$0x11E20] =	vst v63  }
0x5b: {  	_ =	swait.ge [sflag:s23], $0x1000  }
0x5c: {  	[sflag:s23] =	ssyncset.done $0x0  }
0x5d: {  	s11 =	simm.s32 $0x2A00;
	[sflag:s23] =	ssyncadd.s32 $0xFFFFF000  }
0x5e: {  	[spmem:s2] =	stream.indirect.scatter.add.bf16 [tilespmem:s24], [sflag:$0x9], $0x20, s11, s16, $0xb8;
	[tilespmem:$0x11E20] =	vst v63  }
0x5f: {  	s9 =	smin.u32 s3, $0x43;
	_ =	swait.ge [sflag:s14], $0x1000  }
0x60: {  	s8 =	sshll.u32 s9, $0x7;
	[sflag:s14] =	ssyncset.done $0x0  }
0x61: {  	s8 =	sadd.s32 $0x600, s8;
	[sflag:s14] =	ssyncadd.s32 $0xFFFFF000  }
0x62: {  	[tilespmem:s24], [sflag:$0x5] =	stream.indirect.gather [hbm4b:s4+s16], $0x20, s8, s16, $0xb8;
	[tilespmem:$0x11E20] =	vst v63  }
0x63: {  	_ =	swait.ge [sflag:s1], $0x1000  }
0x64: {  	[sflag:s1] =	ssyncset.done $0x0  }
0x65: {  	s10 =	simm.s32 $0x2A80;
	[sflag:s1] =	ssyncadd.s32 $0xFFFFF000  }
0x66: {  	[spmem:s2] =	stream.indirect.scatter.add.bf16 [tilespmem:s26], [sflag:$0x9], $0x20, s10, s16, $0xb8;
	[tilespmem:$0x11E20] =	vst v63  }
0x67: {  	s11 =	smin.u32 s3, $0x42;
	_ =	swait.ge [sflag:s14], $0x1000  }
0x68: {  	s8 =	sshll.u32 s11, $0x7;
	[sflag:s14] =	ssyncset.done $0x0  }
0x69: {  	s8 =	sadd.s32 $0x680, s8;
	[sflag:s14] =	ssyncadd.s32 $0xFFFFF000  }
0x6a: {  	[tilespmem:s26], [sflag:$0x6] =	stream.indirect.gather [hbm4b:s4+s16], $0x20, s8, s16, $0xb8;
	[tilespmem:$0x11E20] =	vst v63  }
0x6b: {  	_ =	swait.ge [sflag:s25], $0x1000  }
0x6c: {  	[sflag:s25] =	ssyncset.done $0x0  }
0x6d: {  	s9 =	simm.s32 $0x2B00;
	[sflag:s25] =	ssyncadd.s32 $0xFFFFF000  }
0x6e: {  	[spmem:s2] =	stream.indirect.scatter.add.bf16 [tilespmem:s29], [sflag:$0x9], $0x20, s9, s16, $0xb8;
	[tilespmem:$0x11E20] =	vst v63  }
0x6f: {  	s10 =	smin.u32 s3, $0x41;
	_ =	swait.ge [sflag:s14], $0x1000  }
0x70: {  	s8 =	sshll.u32 s10, $0x7;
	[sflag:s14] =	ssyncset.done $0x0  }
0x71: {  	s8 =	sadd.s32 $0x700, s8;
	[sflag:s14] =	ssyncadd.s32 $0xFFFFF000  }
0x72: {  	[tilespmem:s29], [sflag:$0x7] =	stream.indirect.gather [hbm4b:s4+s16], $0x20, s8, s16, $0xb8;
	[tilespmem:$0x11E20] =	vst v63  }
0x73: {  	_ =	swait.ge [sflag:s28], $0x1000  }
0x74: {  	[sflag:s28] =	ssyncset.done $0x0  }
0x75: {  	s11 =	simm.s32 $0x2B80;
	s9 =	smin.u32 s3, $0x40;
	[sflag:s28] =	ssyncadd.s32 $0xFFFFF000  }
0x76: {  	[spmem:s2] =	stream.indirect.scatter.add.bf16 [tilespmem:s31], [sflag:$0x9], $0x20, s11, s16, $0xb8;
	[tilespmem:$0x11E20] =	vst v63  }
0x77: {  	s9 =	sshll.u32 s9, $0x7;
	_ =	swait.ge [sflag:s14], $0x1000  }
0x78: {  	s10 =	sadd.s32 $0x780, s9;
	[sflag:s14] =	ssyncset.done $0x0  }
0x79: {  	s9 =	simm.s32 $0x8;
	s8 =	simm.s32 $0x1000;
	[sflag:s14] =	ssyncadd.s32 $0xFFFFF000  }
.LBB2_2:
0x7a: {  	[tilespmem:s31], [sflag:$0x8] =	stream.indirect.gather [hbm4b:s4+s16], $0x20, s10, s16, $0xb8;
	[tilespmem:$0x11E20] =	vst v63  }
0x7b: {  	s10 =	smov.u32 s8  }
0x7c: {  	p1 =	sne.s32 s8, $0x9000;
	s8 =	sadd.s32 $0x1000, s8;
	_ =	swait.ge [sflag:s0], $0x1000  }
0x7d: {  	s10 =	sshra.s32 s10, $0x2;
	[sflag:s0] =	ssyncset.done $0x0  }
0x7e: {  	s11 =	sadd.s32 $0x2800, s10;
	[sflag:s0] =	ssyncadd.s32 $0xFFFFF000  }
0x7f: {  	[spmem:s2] =	stream.indirect.scatter.add.bf16 [tilespmem:s17], [sflag:$0x9], $0x20, s11, s16, $0xb8;
	[tilespmem:$0x11E20] =	vst v63  }
0x80: {  	s11 =	smin.u32 s9, $0x47;
	_ =	swait.ge [sflag:s14], $0x1000  }
0x81: {  	s11 =	sshll.u32 s11, $0x7;
	[sflag:s14] =	ssyncset.done $0x0  }
0x82: {  	s11 =	sadd.s32 $0x400, s11;
	[sflag:s14] =	ssyncadd.s32 $0xFFFFF000  }
0x83: {  	[tilespmem:s17], [sflag:$0x1] =	stream.indirect.gather [hbm4b:s4+s16], $0x20, s11, s16, $0xb8;
	[tilespmem:$0x11E20] =	vst v63  }
0x84: {  	_ =	swait.ge [sflag:s15], $0x1000  }
0x85: {  	[sflag:s15] =	ssyncset.done $0x0  }
0x86: {  	s11 =	sadd.s32 $0x2880, s10;
	[sflag:s15] =	ssyncadd.s32 $0xFFFFF000  }
0x87: {  	[spmem:s2] =	stream.indirect.scatter.add.bf16 [tilespmem:s18], [sflag:$0x9], $0x20, s11, s16, $0xb8;
	[tilespmem:$0x11E20] =	vst v63  }
0x88: {  	s11 =	smin.u32 s9, $0x46;
	_ =	swait.ge [sflag:s14], $0x1000  }
0x89: {  	s11 =	sshll.u32 s11, $0x7;
	[sflag:s14] =	ssyncset.done $0x0  }
0x8a: {  	s11 =	sadd.s32 $0x480, s11;
	[sflag:s14] =	ssyncadd.s32 $0xFFFFF000  }
0x8b: {  	[tilespmem:s18], [sflag:$0x2] =	stream.indirect.gather [hbm4b:s4+s16], $0x20, s11, s16, $0xb8;
	[tilespmem:$0x11E20] =	vst v63  }
0x8c: {  	_ =	swait.ge [sflag:s19], $0x1000  }
0x8d: {  	[sflag:s19] =	ssyncset.done $0x0  }
0x8e: {  	s11 =	sadd.s32 $0x2900, s10;
	[sflag:s19] =	ssyncadd.s32 $0xFFFFF000  }
0x8f: {  	[spmem:s2] =	stream.indirect.scatter.add.bf16 [tilespmem:s20], [sflag:$0x9], $0x20, s11, s16, $0xb8;
	[tilespmem:$0x11E20] =	vst v63  }
0x90: {  	s11 =	smin.u32 s9, $0x45;
	_ =	swait.ge [sflag:s14], $0x1000  }
0x91: {  	s11 =	sshll.u32 s11, $0x7;
	[sflag:s14] =	ssyncset.done $0x0  }
0x92: {  	s11 =	sadd.s32 $0x500, s11;
	[sflag:s14] =	ssyncadd.s32 $0xFFFFF000  }
0x93: {  	[tilespmem:s20], [sflag:$0x3] =	stream.indirect.gather [hbm4b:s4+s16], $0x20, s11, s16, $0xb8;
	[tilespmem:$0x11E20] =	vst v63  }
0x94: {  	_ =	swait.ge [sflag:s21], $0x1000  }
0x95: {  	[sflag:s21] =	ssyncset.done $0x0  }
0x96: {  	s11 =	sadd.s32 $0x2980, s10;
	[sflag:s21] =	ssyncadd.s32 $0xFFFFF000  }
0x97: {  	[spmem:s2] =	stream.indirect.scatter.add.bf16 [tilespmem:s22], [sflag:$0x9], $0x20, s11, s16, $0xb8;
	[tilespmem:$0x11E20] =	vst v63  }
0x98: {  	s11 =	smin.u32 s9, $0x44;
	_ =	swait.ge [sflag:s14], $0x1000  }
0x99: {  	s11 =	sshll.u32 s11, $0x7;
	[sflag:s14] =	ssyncset.done $0x0  }
0x9a: {  	s11 =	sadd.s32 $0x580, s11;
	[sflag:s14] =	ssyncadd.s32 $0xFFFFF000  }
0x9b: {  	[tilespmem:s22], [sflag:$0x4] =	stream.indirect.gather [hbm4b:s4+s16], $0x20, s11, s16, $0xb8;
	[tilespmem:$0x11E20] =	vst v63  }
0x9c: {  	_ =	swait.ge [sflag:s23], $0x1000  }
0x9d: {  	[sflag:s23] =	ssyncset.done $0x0  }
0x9e: {  	s11 =	sadd.s32 $0x2A00, s10;
	[sflag:s23] =	ssyncadd.s32 $0xFFFFF000  }
0x9f: {  	[spmem:s2] =	stream.indirect.scatter.add.bf16 [tilespmem:s24], [sflag:$0x9], $0x20, s11, s16, $0xb8;
	[tilespmem:$0x11E20] =	vst v63  }
0xa0: {  	s11 =	smin.u32 s9, $0x43;
	_ =	swait.ge [sflag:s14], $0x1000  }
0xa1: {  	s11 =	sshll.u32 s11, $0x7;
	[sflag:s14] =	ssyncset.done $0x0  }
0xa2: {  	s11 =	sadd.s32 $0x600, s11;
	[sflag:s14] =	ssyncadd.s32 $0xFFFFF000  }
0xa3: {  	[tilespmem:s24], [sflag:$0x5] =	stream.indirect.gather [hbm4b:s4+s16], $0x20, s11, s16, $0xb8;
	[tilespmem:$0x11E20] =	vst v63  }
0xa4: {  	_ =	swait.ge [sflag:s1], $0x1000  }
0xa5: {  	[sflag:s1] =	ssyncset.done $0x0  }
0xa6: {  	s11 =	sadd.s32 $0x2A80, s10;
	[sflag:s1] =	ssyncadd.s32 $0xFFFFF000  }
0xa7: {  	[spmem:s2] =	stream.indirect.scatter.add.bf16 [tilespmem:s26], [sflag:$0x9], $0x20, s11, s16, $0xb8;
	[tilespmem:$0x11E20] =	vst v63  }
0xa8: {  	s11 =	smin.u32 s9, $0x42;
	_ =	swait.ge [sflag:s14], $0x1000  }
0xa9: {  	s11 =	sshll.u32 s11, $0x7;
	[sflag:s14] =	ssyncset.done $0x0  }
0xaa: {  	s11 =	sadd.s32 $0x680, s11;
	[sflag:s14] =	ssyncadd.s32 $0xFFFFF000  }
0xab: {  	[tilespmem:s26], [sflag:$0x6] =	stream.indirect.gather [hbm4b:s4+s16], $0x20, s11, s16, $0xb8;
	[tilespmem:$0x11E20] =	vst v63  }
0xac: {  	_ =	swait.ge [sflag:s25], $0x1000  }
0xad: {  	[sflag:s25] =	ssyncset.done $0x0  }
0xae: {  	s11 =	sadd.s32 $0x2B00, s10;
	[sflag:s25] =	ssyncadd.s32 $0xFFFFF000  }
0xaf: {  	[spmem:s2] =	stream.indirect.scatter.add.bf16 [tilespmem:s29], [sflag:$0x9], $0x20, s11, s16, $0xb8;
	[tilespmem:$0x11E20] =	vst v63  }
0xb0: {  	s11 =	smin.u32 s9, $0x41;
	_ =	swait.ge [sflag:s14], $0x1000  }
0xb1: {  	s11 =	sshll.u32 s11, $0x7;
	[sflag:s14] =	ssyncset.done $0x0  }
0xb2: {  	s11 =	sadd.s32 $0x700, s11;
	[sflag:s14] =	ssyncadd.s32 $0xFFFFF000  }
0xb3: {  	[tilespmem:s29], [sflag:$0x7] =	stream.indirect.gather [hbm4b:s4+s16], $0x20, s11, s16, $0xb8;
	[tilespmem:$0x11E20] =	vst v63  }
0xb4: {  	_ =	swait.ge [sflag:s28], $0x1000  }
0xb5: {  	[sflag:s28] =	ssyncset.done $0x0  }
.Ltmp0:
0xb6: {  	s10 =	sadd.s32 $0x2B80, s10;
	[sflag:s28] =	ssyncadd.s32 $0xFFFFF000;
	(pc) =	sbr.rel @p1 .LBB2_2-.Ltmp0, $4  }
0xb7: {  	[spmem:s2] =	stream.indirect.scatter.add.bf16 [tilespmem:s31], [sflag:$0x9], $0x20, s10, s16, $0xb8;
	[tilespmem:$0x11E20] =	vst v63  }
0xb8: {  	s10 =	smin.u32 s9, $0x40;
	_ =	swait.ge [sflag:s14], $0x1000  }
0xb9: {  	s10 =	sshll.u32 s10, $0x7;
	[sflag:s14] =	ssyncset.done $0x0  }
0xba: {  	s9 =	sadd.s32 $0x8, s9;
	s10 =	sadd.s32 $0x780, s10;
	[sflag:s14] =	ssyncadd.s32 $0xFFFFF000  }
0xbb: {  	[tilespmem:s31], [sflag:$0x8] =	stream.indirect.gather [hbm4b:s4+s16], $0x20, s10, s16, $0xb8;
	[tilespmem:$0x11E20] =	vst v63  }
0xbc: {  	_ =	swait.ge [sflag:s0], $0x1000  }
0xbd: {  	[sflag:s0] =	ssyncset.done $0x0  }
0xbe: {  	[sflag:s0] =	ssyncadd.s32 $0xFFFFF000  }
0xbf: {  	_ =	swait.ge [sflag:s15], $0x1000  }
0xc0: {  	[sflag:s15] =	ssyncset.done $0x0  }
0xc1: {  	[sflag:s15] =	ssyncadd.s32 $0xFFFFF000  }
0xc2: {  	_ =	swait.ge [sflag:s19], $0x1000  }
0xc3: {  	[sflag:s19] =	ssyncset.done $0x0  }
0xc4: {  	[sflag:s19] =	ssyncadd.s32 $0xFFFFF000  }
0xc5: {  	_ =	swait.ge [sflag:s21], $0x1000  }
0xc6: {  	[sflag:s21] =	ssyncset.done $0x0  }
0xc7: {  	[sflag:s21] =	ssyncadd.s32 $0xFFFFF000  }
0xc8: {  	_ =	swait.ge [sflag:s23], $0x1000  }
0xc9: {  	[sflag:s23] =	ssyncset.done $0x0  }
0xca: {  	[sflag:s23] =	ssyncadd.s32 $0xFFFFF000  }
0xcb: {  	_ =	swait.ge [sflag:s1], $0x1000  }
0xcc: {  	[sflag:s1] =	ssyncset.done $0x0  }
0xcd: {  	[sflag:s1] =	ssyncadd.s32 $0xFFFFF000  }
0xce: {  	_ =	swait.ge [sflag:s25], $0x1000  }
0xcf: {  	[sflag:s25] =	ssyncset.done $0x0  }
0xd0: {  	[sflag:s25] =	ssyncadd.s32 $0xFFFFF000  }
0xd1: {  	_ =	swait.ge [sflag:s28], $0x1000  }
0xd2: {  	[sflag:s28] =	ssyncset.done $0x0  }
0xd3: {  	[sflag:s28] =	ssyncadd.s32 $0xFFFFF000  }
0xd4: {  	s8 =	simm.s32 @p0 $0x1FC9;
	[bflag:$0x0] =	sbarrier.arrive $0xFFFF  }
0xd5: {  	[hbm:s12], [sflag:s8] =	dma.local @p0 [spmem:s5], $0x640  }
0xd6: {  	s5 =	simm.s32 @p0 $0x9  }
0xd7: {  	_ =	swait.ge @p0 [sflag:s5], $0x640  }
0xd8: {  	s30 =	sadd.s32 $0x1, s30;
	[sflag:s5] =	ssyncset.done @p0 $0x0  }
0xd9: {  	p1 =	sne.s32 s30, s13;
	[sflag:s5] =	ssyncadd.s32 @p0 $0xFFFFF9C0;
	s5 =	rddreg [dreg:$0xa]  }
0xda: {  	[hbm:s5], [sflag:s6] =	dma.local @!p0 [spmem:s7], $0xA00  }
.Ltmp1:
0xdb: {  	_ = 	snop;
	(pc) =	sbr.rel @p1 .LBB2_1-.Ltmp1, $4  }
0xdc: {  	s5 =	simm.s32 @!p0 $0x9  }
0xdd: {  	_ =	swait.ge @!p0 [sflag:s5], $0xA00  }
0xde: {  	[sflag:s5] =	ssyncset.done @!p0 $0x0  }
0xdf: {  	[sflag:s5] =	ssyncadd.s32 @!p0 $0xFFFFF600  }
0xe0: {  	_ =	sfence.sel $0x180000  }
0xe1: {  	[bflag:$0x0] =	sbarrier.arrive $0xFFFF  }
0xe2: {  	_ =	strace $0x9000004D  }
0xe3: {  	s0 =	stileid.u32;
	[bflag:$0x2] =	sbarrier.arrive $0xFFFF  }
0xe4: {  	p0 =	sne.s32 s0, $0x0;
	s0 =	rddreg [dreg:$0x3]  }
0xe5: {  	s0 =	sadd.s32 @!p0 $0x100000, s0  }
0xe6: {  	[sflag:s0] =	ssyncadd.tile.s32 @!p0 $0x1;
	_ =	shalt  }
.Lfunc_end2:
_tile_overlayer_lowered:
.L_overlay_start_2:
0xe7: {  	(tag) =	ssettag $0x2  }
0xe8: {  	s0 =	rddreg [dreg:$0x0];
	s2 =	stileid.u32  }
0xe9: {  	s1 =	rddreg [dreg:$0x1];
	p0 =	sne.s32 s2, $0x0  }
0xea: {  	s3 =	rddreg [dreg:$0x2];
	[bflag:$0x3] =	sbarrier.arrive $0xFFFF;
	s2 =	simm.s32 @!p0 $0x1C09  }
0xeb: {  	[timem:s3], [sflag:s2] =	dma.local @!p0 [hbm:s0], s1  }
0xec: {  	s0 =	simm.s32 @!p0 $0x9  }
0xed: {  	_ =	swait.ge @!p0 [sflag:s0], s1  }
0xee: {  	s1 =	ssub.s32 @!p0 $0x0, s1;
	[sflag:s0] =	ssyncset.done @!p0 $0x0  }
0xef: {  	[sflag:s0] =	ssyncadd.s32 @!p0 s1  }
0xf0: {  	[bflag:$0x3] =	sbarrier.arrive $0xFFFF  }
0xf1: {  	_ =	shalt  }

// kernel: kernel.8.cloned.1.call-start
scs
__scs_entry_jumppad:
0x0: {  	(pc) =	sbr.rel $0x88, $3  }
0x1: {  	(tag) =	ssettag $0x0;
	lr =	simm.s32 $0x1  }
0x2: {  	[smem:$0x3F99] =	sst lr;
	_ =	strace $0xD0000000  }
0x3: {  	_ = 	snop  }
0x4: {  	_ = 	snop  }
0x5: {  	_ = 	snop  }
0x6: {  	_ = 	snop  }
0x7: {  	_ = 	snop  }
__scs_overlays_trampoline_lowered:
0x8: {  	[smem:$0x3FA8] =	sst s0  }
0x9: {  	[smem:$0x3FA9] =	sst s1  }
0xa: {  	[smem:$0x3FAA] =	sst s2  }
0xb: {  	[smem:$0x3FAB] =	sst s3  }
0xc: {  	[smem:$0x3FAC] =	sst s4  }
0xd: {  	[smem:$0x3FAD] =	sst s5  }
0xe: {  	[smem:$0x3FAE] =	sst s6  }
0xf: {  	[smem:$0x3FAF] =	sst s7  }
0x10: {  	[smem:$0x3FB0] =	sst s8  }
0x11: {  	[smem:$0x3FB1] =	sst s9;
	s0 =	simm.s32 @!p0 $0x0  }
0x12: {  	s1 =	sld [smem:$0x3F97];
	s0 =	simm.s32 @p0 $0x1  }
0x13: {  	[smem:$0x3FB2] =	sst s0;
	s0 =	simm.s32 @!p1 $0x0  }
0x14: {  	s2 =	sld [smem:$0x3F96];
	s0 =	simm.s32 @p1 $0x1  }
0x15: {  	[smem:$0x3FB3] =	sst s0;
	s0 =	simm.s32 @!p2 $0x0  }
0x16: {  	s3 =	sld [smem:$0x3FDB];
	s0 =	simm.s32 @p2 $0x1  }
0x17: {  	s4 =	simm.s32 $0x1BF5;
	[smem:$0x3FB5] =	sst s0  }
0x18: {  	s0 =	sld [smem:$0x3F98];
	_ =	swait.ge [sflag:s4], $0x0  }
0x19: {  	s7 =	sld [smem:$0x3F99]  }
0x1a: {  	s8 =	sadd.s32 $0xFFFFE003, lr  }
0x1b: {  	s9 =	sadd.s32 $0xFFFFFEF7, lr;
	s5 =	simm.s32 $0xFFFFFFFF;
	p2 =	slt.u32 s8, $0xFFFFF086  }
0x1c: {  	p1 =	slt.u32 s9, $0xF7A;
	s5 =	simm.s32 @!p2 $0x0  }
0x1d: {  	s5 =	simm.s32 @p1 $0x1;
	p0 =	seq.s32 s7, s2  }
0x1e: {  	s7 =	smul.u32 @!p0 $0xF7A, s2;
	p2 =	seq.s32 @!p0 s5, $0x0  }
0x1f: {  	s9 =	smul.u32 $0xF7A, s1;
	s8 =	simm.s32 @!p0 $0x1BF5;
	p2 =	por !p2, p0  }
0x20: {  	[sflag:s8] =	ssyncset.s32 @!p0 $0xFFFFF086;
	s6 =	sadd.s32 @!p0 s3, s7;
	s7 =	simm.s32 @!p0 $0x108  }
0x21: {  	s3 =	sadd.s32 s3, s9;
	s6 =	sadd.s32 @!p0 $0x88, s6;
	s7 =	simm.s32 @p2 $0x1082  }
0x22: {  	[simem:s7], [sflag:s8] =	dma.local @!p0 [hbm:s6], $0xF7A  }
0x23: {  	s9 =	sor.u32 $0xD0000000, s2;
	s6 =	simm.s32 $0x108;
	_ =	swait.ge @!p0 [sflag:s8], $0x0  }
0x24: {  	s3 =	sadd.s32 $0x88, s3;
	s6 =	simm.s32 @!p1 $0x1082;
	[sflag:s4] =	ssyncset.s32 $0xFFFFF086  }
0x25: {  	[simem:s6], [sflag:s4] =	dma.local [hbm:s3], $0xF7A  }
0x26: {  	[smem:$0x3F99] =	sst s1;
	(tag) =	ssettag s2;
	_ =	strace s9  }
0x27: {  	s1 =	sld [smem:$0x3FA9]  }
0x28: {  	s2 =	sld [smem:$0x3FAA]  }
0x29: {  	s4 =	sld [smem:$0x3FAC]  }
0x2a: {  	p0 =	seq.s32 s5, $0x0;
	s5 =	sld [smem:$0x3FAD]  }
0x2b: {  	s6 =	sld [smem:$0x3FAE]  }
0x2c: {  	s7 =	sld [smem:$0x3FAF]  }
0x2d: {  	s3 =	simm.s32 $0x108;
	s8 =	sld [smem:$0x3FB0]  }
0x2e: {  	s3 =	simm.s32 @!p0 $0x1082;
	s9 =	sld [smem:$0x3FB1]  }
0x2f: {  	lr =	sadd.s32 s0, s3;
	s0 =	sld [smem:$0x3FA8]  }
0x30: {  	s3 =	sld [smem:$0x3FAB]  }
0x31: {  	[smem:$0x3FB4] =	sst s10  }
0x32: {  	s10 =	sld [smem:$0x3FB2];
	_ =	sdelay $0x3  }
0x33: {  	p0 =	seq.s32 s10, $0x1;
	s10 =	sld [smem:$0x3FB4];
	_ =	sdelay $0x3  }
0x34: {  	[smem:$0x3FB4] =	sst s10  }
0x35: {  	s10 =	sld [smem:$0x3FB3];
	_ =	sdelay $0x3  }
0x36: {  	p1 =	seq.s32 s10, $0x1;
	s10 =	sld [smem:$0x3FB4];
	_ =	sdelay $0x3  }
0x37: {  	[smem:$0x3FB4] =	sst s10  }
0x38: {  	s10 =	sld [smem:$0x3FB5]  }
0x39: {  	_ = 	snop;
	(pc) =	sbr.ind lr, $3  }
0x3a: {  	_ = 	snop  }
0x3b: {  	_ = 	snop  }
0x3c: {  	p2 =	seq.s32 s10, $0x1;
	s10 =	sld [smem:$0x3FB4]  }
0x3d: {  	_ =	shalt  }
0x3e: {  	_ =	shalt  }
0x3f: {  	_ =	shalt  }
0x40: {  	_ =	shalt  }
0x41: {  	_ =	shalt  }
0x42: {  	_ =	shalt  }
0x43: {  	_ =	shalt  }
0x44: {  	_ =	shalt  }
0x45: {  	_ =	shalt  }
0x46: {  	_ =	shalt  }
0x47: {  	_ =	shalt  }
0x48: {  	_ =	shalt  }
0x49: {  	_ =	shalt  }
0x4a: {  	_ =	shalt  }
0x4b: {  	_ =	shalt  }
0x4c: {  	_ =	shalt  }
0x4d: {  	_ =	shalt  }
0x4e: {  	_ =	shalt  }
0x4f: {  	_ =	shalt  }
0x50: {  	_ =	shalt  }
0x51: {  	_ =	shalt  }
0x52: {  	_ =	shalt  }
0x53: {  	_ =	shalt  }
0x54: {  	_ =	shalt  }
0x55: {  	_ =	shalt  }
0x56: {  	_ =	shalt  }
0x57: {  	_ =	shalt  }
0x58: {  	_ =	shalt  }
0x59: {  	_ =	shalt  }
0x5a: {  	_ =	shalt  }
0x5b: {  	_ =	shalt  }
0x5c: {  	_ =	shalt  }
0x5d: {  	_ =	shalt  }
0x5e: {  	_ =	shalt  }
0x5f: {  	_ =	shalt  }
0x60: {  	_ =	shalt  }
0x61: {  	_ =	shalt  }
0x62: {  	_ =	shalt  }
0x63: {  	_ =	shalt  }
0x64: {  	_ =	shalt  }
0x65: {  	_ =	shalt  }
0x66: {  	_ =	shalt  }
0x67: {  	_ =	shalt  }
0x68: {  	_ =	shalt  }
0x69: {  	_ =	shalt  }
0x6a: {  	_ =	shalt  }
0x6b: {  	_ =	shalt  }
0x6c: {  	_ =	shalt  }
0x6d: {  	_ =	shalt  }
0x6e: {  	_ =	shalt  }
0x6f: {  	_ =	shalt  }
0x70: {  	_ =	shalt  }
0x71: {  	_ =	shalt  }
0x72: {  	_ =	shalt  }
0x73: {  	_ =	shalt  }
0x74: {  	_ =	shalt  }
0x75: {  	_ =	shalt  }
0x76: {  	_ =	shalt  }
0x77: {  	_ =	shalt  }
0x78: {  	_ =	shalt  }
0x79: {  	_ =	shalt  }
0x7a: {  	_ =	shalt  }
0x7b: {  	_ =	shalt  }
0x7c: {  	_ =	shalt  }
0x7d: {  	_ =	shalt  }
0x7e: {  	_ =	shalt  }
0x7f: {  	_ =	shalt  }
0x80: {  	_ =	shalt  }
0x81: {  	_ =	shalt  }
0x82: {  	_ =	shalt  }
0x83: {  	_ =	shalt  }
0x84: {  	_ =	shalt  }
0x85: {  	_ =	shalt  }
0x86: {  	_ =	shalt  }
0x87: {  	_ =	shalt  }
.Lfunc_end0:
.L_simem_size_0:
called_computation_lowered:
.L_overlay_start_0:
0x88: {  	s2 =	sld [smem:$0x3FD9]  }
0x89: {  	s3 =	sld [smem:$0x3FFE];
	_ =	sdelay $0x1  }
0x8a: {  	s1 =	srdreg.scid  }
0x8b: {  	s0 =	sand.u32 $0x1, s1  }
0x8c: {  	s17 =	sshll.u32 s0, $0xA;
	s2 =	sadd.s32 s3, s2  }
0x8d: {  	s2 =	sadd.s32 s2, s17  }
0x8e: {  	[smem:$0x3FC0] =	sst s2  }
0x8f: {  	_ = 	snop  }
0x90: {  	s2 =	sld [smem:$0x3FD0];
	(tm) =	ssettm $0x1  }
0x91: {  	s18 =	sld [smem:$0x3FFB];
	_ =	sdelay $0x3  }
0x92: {  	_ =	strace s18  }
0x93: {  	s3 =	sld [smem:$0x3FFC];
	_ =	sdelay $0x3  }
0x94: {  	_ =	strace s3  }
0x95: {  	s3 =	sld [smem:$0x3FFD];
	_ =	sdelay $0x3  }
0x96: {  	_ =	strace s3  }
0x97: {  	_ =	strace $0x8FFFFFFF  }
0x98: {  	s19 =	sld [smem:$0x3FDB];
	_ =	sdelay $0x1  }
0x99: {  	s4 =	simm.s32 $_scs_section_size  }
0x9a: {  	s5 =	simm.s32 $_size__tile_overlayer_lowered;
	s6 =	simm.s32 $_tile_overlayer_lowered  }
0x9b: {  	s22 =	simm.s32 $0x1BFF;
	s21 =	sshll.u32 s6, $0x1;
	s3 =	sadd.s32 s4, s19  }
0x9c: {  	s7 =	simm.s32 $0x0;
	s20 =	sshll.u32 s5, $0x1;
	s5 =	sadd.s32 s21, s3  }
0x9d: {  	[timem:s7], [sflag:s22] =	dma.local [hbm:s5], s20  }
0x9e: {  	_ =	swait.ge [sflag:s22], s20  }
0x9f: {  	s4 =	ssub.s32 $0x0, s20;
	[sflag:s22] =	ssyncset.done $0x0  }
0xa0: {  	[sflag:s22] =	ssyncadd.s32 s4;
	_ =	sdelay $0x1  }
0xa1: {  	s23 =	simm.s32 $0x1B8B  }
0xa2: {  	_ =	swait.ge [sflag:s23], $0x1  }
0xa3: {  	[sflag:s23] =	ssyncset.done $0x0  }
0xa4: {  	s25 =	simm.s32 $0x1B8E;
	s24 =	sld [smem:$0x3FFE];
	[sflag:s23] =	ssyncadd.s32 $0xFFFFFFFF  }
0xa5: {  	s26 =	simm.s32 $execute0_lowered;
	[smem:$0x3FD2] =	sst s25  }
0xa6: {  	s5 =	sshll.u32 s26, $0x1;
	_ =	strace $0x80000046;
	[dreg:$0x1] =	wrdreg $0xFFFFFFFF  }
0xa7: {  	s28 =	simm.s32 $_size_execute0_lowered;
	s3 =	sadd.s32 s3, s5;
	[dreg:$0x0] =	wrdreg $0x0  }
0xa8: {  	s5 =	sshll.u32 s28, $0x1;
	[dreg:$0x2] =	wrdreg s3  }
0xa9: {  	[dreg:$0x3] =	wrdreg s5  }
0xaa: {  	[dreg:$0x4] =	wrdreg $0xC0  }
0xab: {  	_ =	task [dreg:s7], $0x5FFFF  }
0xac: {  	[dreg:$0x1] =	wrdreg $0xFFFFFFFF  }
0xad: {  	[dreg:$0x0] =	wrdreg $0x60  }
0xae: {  	[dreg:$0x2] =	wrdreg s24  }
0xaf: {  	[dreg:$0x3] =	wrdreg s2  }
0xb0: {  	[dreg:$0x4] =	wrdreg $0x30000  }
0xb1: {  	[dreg:$0x5] =	wrdreg $0x9  }
0xb2: {  	_ =	task.clear_ibuf [dreg:s7], $0x6FFFF;
	_ =	strace $0x90000046  }
0xb3: {  	s29 =	simm.s32 $0x9;
	_ =	strace $0x80000048  }
0xb4: {  	_ =	swait.ge [sflag:s29], $0x1  }
0xb5: {  	[sflag:s29] =	ssyncadd.s32 $0xFFFFFFFF  }
0xb6: {  	_ =	strace $0x90000048  }
0xb7: {  	_ =	sfence  }
0xb8: {  	s30 =	sld [smem:$0x0];
	_ =	sdelay $0x2  }
0xb9: {  	s31 =	sshll.u32 s1, $0xD;
	s1 =	sshrl.u32 s1, $0x2  }
0xba: {  	s3 =	sand.u32 $0x4000, s31;
	s1 =	sadd.s32 s1, s30  }
0xbb: {  	s0 =	sor.u32 s3, s0;
	s1 =	sshll.u32 s1, $0x11  }
0xbc: {  	s0 =	sor.u32 s1, s0  }
0xbd: {  	s0 =	sadd.s32 $0x8F2B, s0  }
0xbe: {  	[sflag:s0] =	ssyncadd.remote.s32 $0x1  }
0xbf: {  	_ =	sfence.sel $0xFFFF  }
0xc0: {  	[dreg:$0x0] =	wrdreg $0xFFFFFFFF;
	(pc) =	sbr.abs _section_cstart, $3  }
0xc1: {  	[dreg:$0x1] =	wrdreg $0xFFFFFFFF  }
0xc2: {  	_ =	task.clear_ibuf [dreg:s7], $0x2FFFF;
	_ =	strace $0x9FFFFFFF  }
0xc3: {  	(tm) =	ssettm $0x7FFFFFFF  }
tec
execute0_lowered:
.L_overlay_start_1:
0x0: {  	(tag) =	ssettag $0x1  }
0x1: {  	s5 =	rddreg [dreg:$0x0]  }
0x2: {  	s0 =	srdreg.scid;
	s8 =	rddreg [dreg:$0x1]  }
0x3: {  	s2 =	rddreg [dreg:$0x2];
	s1 =	stileid.u32  }
0x4: {  	s3 =	simm.s32 $0x0;
	s4 =	sand.u32 $0x1, s0;
	s0 =	rddreg [dreg:$0x3]  }
0x5: {  	s17 =	simm.s32 $0x0;
	[smem:$0x7FF] =	sst s3;
	s7 =	smul.u32 $0xA000, s1  }
0x6: {  	s12 =	smul.u32 $0x2800, s1;
	s13 =	sadd.s32 $0x25800, s2;
	p0 =	seq.s32 s1, $0xF  }
0x7: {  	s6 =	sshll.u32 s4, $0x4;
	_ =	strace $0x80000047;
	s9 =	ssub.s32 $0x2, s4  }
0x8: {  	s10 =	smul.u32 $0x27100, s4;
	s4 =	sadd.s32 $0x16A00, s5;
	s15 =	sshll.u32 @!p0 s1, $0x6  }
0x9: {  	s6 =	sor.u32 s1, s6;
	s11 =	sshrl.u32 s9, $0x1;
	s7 =	sshrl.u32 s7, $0x2  }
0xa: {  	s16 =	sadd.s32 s12, s2;
	s6 =	smul.u32 $0x500, s6;
	s9 =	ssub.s32 s9, s11  }
0xb: {  	s14 =	sadd.s32 s7, s2;
	s31 =	sadd.s32 s12, s10;
	s10 =	sshrl.u32 s10, $0x3  }
0xc: {  	s11 =	simm.s32 $0x2800;
	s12 =	sshrl.u32 @p0 s13, $0x3;
	s13 =	sor.u32 @!p0 $0x1C01, s15  }
0xd: {  	s15 =	simm.s32 $0x80;
	s16 =	sshrl.u32 @!p0 s16, $0x3;
	s7 =	sshrl.u32 s31, $0x3  }
0xe: {  	s9 =	smax.u32 s9, $0x1;
	s14 =	sshrl.u32 @!p0 s14, $0x3;
	s6 =	sadd.s32 s6, s5  }
0xf: {  	s5 =	sadd.s32 $0x16400, s5;
	s7 =	sadd.s32 s8, s7;
	s8 =	sadd.s32 s8, s10  }
0x10: {  	s10 =	simm.s32 $0x1;
	s6 =	sadd.s32 $0xC400, s6;
	s8 =	sadd.s32 $0x4B00, s8  }
.LBB2_1:
0x11: {  	[tilespmem:s3], [sflag:$0x1] =	stream.linear.gather [hbm4b:s6+s3], $0x2800, $0x38;
	[tilespmem:$0x5710] =	vst v63  }
0x12: {  	_ =	swait.ge [sflag:s10], $0x2800  }
0x13: {  	[sflag:s10] =	ssyncset.done $0x0  }
0x14: {  	[sflag:s10] =	ssyncadd.s32 $0xFFFFD800  }
0x15: {  	[tilespmem:s11], [sflag:$0x1] =	stream.linear.gather [hbm4b:s4+s3], $0x800, $0x38;
	[tilespmem:$0x5710] =	vst v63  }
0x16: {  	_ =	swait.ge [sflag:s10], $0x800  }
0x17: {  	[sflag:s10] =	ssyncset.done $0x0  }
0x18: {  	s18 =	simm.s32 @p0 $0x1FC1;
	[sflag:s10] =	ssyncadd.s32 $0xFFFFF800  }
0x19: {  	[spmem:s12], [sflag:s18] =	dma.local @p0 [hbm:s5], $0x320  }
0x1a: {  	s18 =	simm.s32 @p0 $0x1  }
0x1b: {  	_ =	swait.ge @p0 [sflag:s18], $0x320  }
0x1c: {  	[sflag:s18] =	ssyncset.done @p0 $0x0  }
0x1d: {  	[sflag:s18] =	ssyncadd.s32 @p0 $0xFFFFFCE0;
	s18 =	simm.s32 @!p0 $0x1  }
0x1e: {  	[spmem:s14], [sflag:s13] =	dma.local @!p0 [hbm:s5], $0x500  }
0x1f: {  	_ =	swait.ge @!p0 [sflag:s18], $0x500  }
0x20: {  	[sflag:s18] =	ssyncset.done @!p0 $0x0  }
0x21: {  	[sflag:s18] =	ssyncadd.s32 @!p0 $0xFFFFFB00  }
0x22: {  	s31 =	simm.s32 $0x0;
	[bflag:$0x0] =	sbarrier.arrive $0xFFFF  }
0x23: {  	[spmem:s2] =	stream.indirect.scatter.add.f32 [tilespmem:s11], [sflag:$0x1], $0x10, s31, s15, $0xb8;
	[tilespmem:$0x5710] =	vst v63  }
0x24: {  	_ =	swait.ge [sflag:s10], $0x800  }
0x25: {  	s18 =	simm.s32 $0x200;
	[sflag:s10] =	ssyncset.done $0x0  }
.LBB2_2:
0x26: {  	s19 =	sshra.s32 s18, $0x2;
	[sflag:s10] =	ssyncadd.s32 $0xFFFFF800;
	p1 =	sne.s32 s18, $0x9E00  }
0x27: {  	[spmem:s2] =	stream.indirect.scatter.add.f32 [tilespmem:s11], [sflag:$0x1], $0x10, s19, s15, $0xb8;
	[tilespmem:$0x5710] =	vst v63  }
.Ltmp0:
0x28: {  	_ = 	snop;
	(pc) =	sbr.rel @p1 .LBB2_2-.Ltmp0, $4  }
0x29: {  	_ = 	snop  }
0x2a: {  	s18 =	sadd.s32 $0x200, s18  }
0x2b: {  	_ =	swait.ge [sflag:s10], $0x800  }
0x2c: {  	[sflag:s10] =	ssyncset.done $0x0  }
0x2d: {  	[sflag:s10] =	ssyncadd.s32 $0xFFFFF800  }
0x2e: {  	s18 =	simm.s32 @p0 $0x1FC1;
	[bflag:$0x0] =	sbarrier.arrive $0xFFFF  }
0x2f: {  	[hbm:s8], [sflag:s18] =	dma.local @p0 [spmem:s12], $0x320  }
0x30: {  	s18 =	simm.s32 @p0 $0x1  }
0x31: {  	s17 =	sadd.s32 $0x1, s17;
	_ =	swait.ge @p0 [sflag:s18], $0x320  }
0x32: {  	p1 =	sne.s32 s17, s9;
	[sflag:s18] =	ssyncset.done @p0 $0x0  }
.Ltmp1:
0x33: {  	[sflag:s18] =	ssyncadd.s32 @p0 $0xFFFFFCE0;
	s18 =	simm.s32 @!p0 $0x1;
	(pc) =	sbr.rel @p1 .LBB2_1-.Ltmp1, $4  }
0x34: {  	[hbm:s7], [sflag:s13] =	dma.local @!p0 [spmem:s16], $0x500  }
0x35: {  	_ =	swait.ge @!p0 [sflag:s18], $0x500  }
0x36: {  	[sflag:s18] =	ssyncset.done @!p0 $0x0  }
0x37: {  	[sflag:s18] =	ssyncadd.s32 @!p0 $0xFFFFFB00  }
0x38: {  	_ =	sfence.sel $0x180000  }
0x39: {  	[bflag:$0x0] =	sbarrier.arrive $0xFFFF  }
0x3a: {  	p0 =	sne.s32 s1, $0x0;
	_ =	strace $0x90000047  }
0x3b: {  	s0 =	sadd.s32 @!p0 $0x100000, s0;
	[bflag:$0x2] =	sbarrier.arrive $0xFFFF  }
0x3c: {  	[sflag:s0] =	ssyncadd.tile.s32 @!p0 $0x1;
	_ =	shalt  }
.Lfunc_end2:
_tile_overlayer_lowered:
.L_overlay_start_2:
0x3d: {  	(tag) =	ssettag $0x2  }
0x3e: {  	s0 =	rddreg [dreg:$0x0];
	s2 =	stileid.u32  }
0x3f: {  	s1 =	rddreg [dreg:$0x1];
	p0 =	sne.s32 s2, $0x0  }
0x40: {  	s3 =	rddreg [dreg:$0x2];
	[bflag:$0x3] =	sbarrier.arrive $0xFFFF;
	s2 =	simm.s32 @!p0 $0x1C01  }
0x41: {  	[timem:s3], [sflag:s2] =	dma.local @!p0 [hbm:s0], s1  }
0x42: {  	s0 =	simm.s32 @!p0 $0x1  }
0x43: {  	_ =	swait.ge @!p0 [sflag:s0], s1  }
0x44: {  	s1 =	ssub.s32 @!p0 $0x0, s1;
	[sflag:s0] =	ssyncset.done @!p0 $0x0  }
0x45: {  	[sflag:s0] =	ssyncadd.s32 @!p0 s1  }
0x46: {  	[bflag:$0x3] =	sbarrier.arrive $0xFFFF  }
0x47: {  	_ =	shalt  }

</sc_bundles>
